<compile_context>
chip_gen: v7x
topology: tpu7x:2x2x1
jax: 0.10.2.dev20260603
libtpu: 0.0.44.dev20260713+nightly
codegen_flags: <defaults>
</compile_context>

<pallas_src>
import functools
import numpy as np
import jax
from jax import lax
import jax.numpy as jnp
from jax.experimental import pallas as pl
from jax.experimental.pallas import tpu as pltpu
from jax.experimental.pallas import tpu_sc as plsc

_NC, _NS = 2, 16
_CH = 64
_NBUF = 3


def _masked_idx(c: int, ratio: float) -> list:
    mask = np.linspace(0, c * (1 - ratio), int(c * ratio))
    return [i for i in range(c) if i in mask]


def kernel(input1, noise):
    b, c, h, w = input1.shape
    hw = h * w
    idx = _masked_idx(c, 0.5)
    nmask = len(idx)
    cb = c // nmask
    if idx != [j * cb for j in range(nmask)]:
        raise ValueError("masked channels not uniformly spaced")
    nw = _NC * _NS
    bpw = b // nw
    cpb = c // _CH
    nch = bpw * cpb

    mesh = plsc.VectorSubcoreMesh(
        core_axis_name="c", subcore_axis_name="s",
        num_cores=_NC, num_subcores=_NS,
    )

    @functools.partial(
        pl.kernel,
        mesh=mesh,
        out_type=jax.ShapeDtypeStruct((b, c, hw), jnp.float32),
        scratch_types=(
            [pltpu.VMEM((_CH, hw), jnp.float32) for _ in range(_NBUF)]
            + [pltpu.SemaphoreType.DMA for _ in range(2 * _NBUF)]
        ),
    )
    def sc_copy(x_hbm, n_hbm, o_hbm, *rest):
        bufs = rest[:_NBUF]
        in_sems = rest[_NBUF:2 * _NBUF]
        out_sems = rest[2 * _NBUF:]
        wid = lax.axis_index("s") * _NC + lax.axis_index("c")
        base = wid * bpw

        def chunk(k):
            bb = base + k // cpb
            cc = (k % cpb) * _CH
            return bb, cc

        def start_in(k):
            bb, cc = chunk(k)
            return pltpu.async_copy(
                x_hbm.at[bb, pl.ds(cc, _CH), :], bufs[k % _NBUF],
                in_sems[k % _NBUF],
            )

        def start_out(k):
            bb, cc = chunk(k)
            return pltpu.async_copy(
                bufs[k % _NBUF], o_hbm.at[bb, pl.ds(cc, _CH), :],
                out_sems[k % _NBUF],
            )

        in_cps = {}
        out_cps = {}
        for k in range(min(_NBUF, nch)):
            in_cps[k] = start_in(k)
        for k in range(nch):
            in_cps.pop(k).wait()
            bb, cc = chunk(k)
            for j in range(nmask):
                if cc == j * cb:
                    pltpu.sync_copy(n_hbm.at[j, bb, :], bufs[k % _NBUF].at[0, :])
            out_cps[k] = start_out(k)
            nxt = k + _NBUF
            if nxt < nch:
                out_cps.pop(k).wait()
                in_cps[nxt] = start_in(nxt)
        for _, cp in sorted(out_cps.items()):
            cp.wait()

    x = input1.reshape(b, c, hw)
    out = sc_copy(x, noise)
    return out.reshape(b, c, h, w)

# --- scband reference (transcript-rebuilt; emitter-appended) ---
"""Pipeline reference for scband-random-masking-83786222010425 (READ-ONLY COPY).

The authoritative reference and input builder live on the scoring server;
editing this copy changes nothing except your own understanding.
"""

import jax, jax.numpy as jnp
import numpy as np

MASK_RATIO = 0.5
B, C, H, W = 64, 768, 24, 24


def _masked_channels(c, ratio):
    # Faithful replication of pic_channel's mask computation:
    # mask = np.linspace(0, c*(1-ratio), int(c*ratio)); channel i is overwritten iff i in mask.
    start = 0
    end = c * (1 - ratio)
    stride = int(c * ratio)
    mask = np.linspace(start, end, stride)
    idx = [i for i in range(c) if i in mask]
    return np.asarray(idx, dtype=np.int64)


def setup_inputs(seed: int = 0) -> dict:
    key = jax.random.key(seed)
    k1, k2 = jax.random.split(key)
    input1 = jax.random.normal(k1, (B, C, H, W), dtype=jnp.float32)
    idx = _masked_channels(C, MASK_RATIO)
    # Noise that replaces the masked channels (torch code draws randn inside forward;
    # here it is materialized as an input so the computation is deterministic).
    noise = jax.random.normal(k2, (int(idx.shape[0]), B, H * W), dtype=jnp.float32)
    return {"input1": input1, "noise": noise}


def reference(input1, noise):
    b, c, h, w = input1.shape
    x = input1.reshape(b, c, h * w)
    idx = jnp.asarray(_masked_channels(c, MASK_RATIO))
    # scatter-overwrite: x[:, i, :] = noise for each masked channel i
    x = x.at[:, idx, :].set(jnp.transpose(noise, (1, 0, 2)))
    x_masked = x.reshape(b, c, h, w)
    return x_masked

if __name__ == "__main__":
    import jax
    _d = setup_inputs()
    print(jax.jit(kernel)(*tuple(_d.values())))

</pallas_src>

<mosaic_0001>
#map = affine_map<(d0, d1) -> (0, 0, 0)>
module attributes {stable_mosaic.version = 14 : i64} {
  func.func @sc_copy(%arg0: i32, %arg1: i32, %arg2: memref<64x768x576xf32, #tpu.memory_space<hbm>>, %arg3: memref<2x64x576xf32, #tpu.memory_space<hbm>>, %arg4: memref<64x768x576xf32, #tpu.memory_space<hbm>>, %arg5: memref<64x576xf32, #tpu.memory_space<vmem>>, %arg6: memref<64x576xf32, #tpu.memory_space<vmem>>, %arg7: memref<64x576xf32, #tpu.memory_space<vmem>>, %arg8: memref<!tpu.dma_semaphore, #tpu.memory_space<semaphore_mem>>, %arg9: memref<!tpu.dma_semaphore, #tpu.memory_space<semaphore_mem>>, %arg10: memref<!tpu.dma_semaphore, #tpu.memory_space<semaphore_mem>>, %arg11: memref<!tpu.dma_semaphore, #tpu.memory_space<semaphore_mem>>, %arg12: memref<!tpu.dma_semaphore, #tpu.memory_space<semaphore_mem>>, %arg13: memref<!tpu.dma_semaphore, #tpu.memory_space<semaphore_mem>>) attributes {dimension_semantics = [#tpu.dimension_semantics<core_parallel>, #tpu.dimension_semantics<subcore_parallel>], iteration_bounds = array<i64: 2, 16>, scalar_prefetch = 0 : i64, scratch_operands = 9 : i64, tpu.core_type = #tpu.core_type<sc_vector_subcore>, window_params = [{transform_indices = #map}, {transform_indices = #map}, {transform_indices = #map}]} {
    %mul3A = arith.constant 2 : i32
    %mul3A_0 = arith.muli %arg1, %mul3A : i32
    %add3A = arith.addi %mul3A_0, %arg0 : i32
    %mul3A_1 = arith.constant 2 : i32
    %mul3A_2 = arith.muli %add3A, %mul3A_1 : i32
    %add3A_3 = arith.constant 0 : i32
    %add3A_4 = arith.addi %mul3A_2, %add3A_3 : i32
    %dma_start3A = arith.constant 0 : i32
    %dma_start3A_5 = arith.constant 0 : i32
    %dma_start3A_6 = tpu.memref_slice %arg2[%add3A_4, %dma_start3A, %dma_start3A_5] : memref<64x768x576xf32, #tpu.memory_space<hbm>> -> memref<1x64x576xf32, #tpu.memory_space<hbm>>
    %dma_start3A_7 = tpu.memref_squeeze %dma_start3A_6 : memref<1x64x576xf32, #tpu.memory_space<hbm>> -> memref<64x576xf32, #tpu.memory_space<hbm>>
    %dma_start3A_8 = arith.constant 0 : i32
    %dma_start3A_9 = arith.constant 0 : i32
    %dma_start3A_10 = tpu.memref_slice %arg2[%add3A_4, %dma_start3A_8, %dma_start3A_9] : memref<64x768x576xf32, #tpu.memory_space<hbm>> -> memref<1x64x576xf32, #tpu.memory_space<hbm>>
    %dma_start3A_11 = tpu.memref_squeeze %dma_start3A_10 : memref<1x64x576xf32, #tpu.memory_space<hbm>> -> memref<64x576xf32, #tpu.memory_space<hbm>>
    tpu.enqueue_dma source(%dma_start3A_11 : memref<64x576xf32, #tpu.memory_space<hbm>>) target(%arg5 : memref<64x576xf32, #tpu.memory_space<vmem>>) target_semaphore(%arg8 : memref<!tpu.dma_semaphore, #tpu.memory_space<semaphore_mem>>)
    %add3A_12 = arith.constant 0 : i32
    %add3A_13 = arith.addi %mul3A_2, %add3A_12 : i32
    %dma_start3A_14 = arith.constant 64 : i32
    %dma_start3A_15 = arith.constant 0 : i32
    %dma_start3A_16 = tpu.memref_slice %arg2[%add3A_13, %dma_start3A_14, %dma_start3A_15] : memref<64x768x576xf32, #tpu.memory_space<hbm>> -> memref<1x64x576xf32, #tpu.memory_space<hbm>>
    %dma_start3A_17 = tpu.memref_squeeze %dma_start3A_16 : memref<1x64x576xf32, #tpu.memory_space<hbm>> -> memref<64x576xf32, #tpu.memory_space<hbm>>
    %dma_start3A_18 = arith.constant 64 : i32
    %dma_start3A_19 = arith.constant 0 : i32
    %dma_start3A_20 = tpu.memref_slice %arg2[%add3A_13, %dma_start3A_18, %dma_start3A_19] : memref<64x768x576xf32, #tpu.memory_space<hbm>> -> memref<1x64x576xf32, #tpu.memory_space<hbm>>
    %dma_start3A_21 = tpu.memref_squeeze %dma_start3A_20 : memref<1x64x576xf32, #tpu.memory_space<hbm>> -> memref<64x576xf32, #tpu.memory_space<hbm>>
    tpu.enqueue_dma source(%dma_start3A_21 : memref<64x576xf32, #tpu.memory_space<hbm>>) target(%arg6 : memref<64x576xf32, #tpu.memory_space<vmem>>) target_semaphore(%arg9 : memref<!tpu.dma_semaphore, #tpu.memory_space<semaphore_mem>>)
    %add3A_22 = arith.constant 0 : i32
    %add3A_23 = arith.addi %mul3A_2, %add3A_22 : i32
    %dma_start3A_24 = arith.constant 128 : i32
    %dma_start3A_25 = arith.constant 0 : i32
    %dma_start3A_26 = tpu.memref_slice %arg2[%add3A_23, %dma_start3A_24, %dma_start3A_25] : memref<64x768x576xf32, #tpu.memory_space<hbm>> -> memref<1x64x576xf32, #tpu.memory_space<hbm>>
    %dma_start3A_27 = tpu.memref_squeeze %dma_start3A_26 : memref<1x64x576xf32, #tpu.memory_space<hbm>> -> memref<64x576xf32, #tpu.memory_space<hbm>>
    %dma_start3A_28 = arith.constant 128 : i32
    %dma_start3A_29 = arith.constant 0 : i32
    %dma_start3A_30 = tpu.memref_slice %arg2[%add3A_23, %dma_start3A_28, %dma_start3A_29] : memref<64x768x576xf32, #tpu.memory_space<hbm>> -> memref<1x64x576xf32, #tpu.memory_space<hbm>>
    %dma_start3A_31 = tpu.memref_squeeze %dma_start3A_30 : memref<1x64x576xf32, #tpu.memory_space<hbm>> -> memref<64x576xf32, #tpu.memory_space<hbm>>
    tpu.enqueue_dma source(%dma_start3A_31 : memref<64x576xf32, #tpu.memory_space<hbm>>) target(%arg7 : memref<64x576xf32, #tpu.memory_space<vmem>>) target_semaphore(%arg10 : memref<!tpu.dma_semaphore, #tpu.memory_space<semaphore_mem>>)
    %dma_wait3A = arith.constant 0 : i32
    %dma_wait3A_32 = arith.constant 0 : i32
    %dma_wait3A_33 = tpu.memref_slice %arg2[%add3A_4, %dma_wait3A, %dma_wait3A_32] : memref<64x768x576xf32, #tpu.memory_space<hbm>> -> memref<1x64x576xf32, #tpu.memory_space<hbm>>
    %dma_wait3A_34 = tpu.memref_squeeze %dma_wait3A_33 : memref<1x64x576xf32, #tpu.memory_space<hbm>> -> memref<64x576xf32, #tpu.memory_space<hbm>>
    %dma_wait3A_35 = arith.constant 0 : i32
    %dma_wait3A_36 = arith.constant 0 : i32
    %dma_wait3A_37 = tpu.memref_slice %arg2[%add3A_4, %dma_wait3A_35, %dma_wait3A_36] : memref<64x768x576xf32, #tpu.memory_space<hbm>> -> memref<1x64x576xf32, #tpu.memory_space<hbm>>
    %dma_wait3A_38 = tpu.memref_squeeze %dma_wait3A_37 : memref<1x64x576xf32, #tpu.memory_space<hbm>> -> memref<64x576xf32, #tpu.memory_space<hbm>>
    tpu.wait_dma2 semaphore(%arg8 : memref<!tpu.dma_semaphore, #tpu.memory_space<semaphore_mem>>) src(%dma_wait3A_38 : memref<64x576xf32, #tpu.memory_space<hbm>>) dst(%arg5 : memref<64x576xf32, #tpu.memory_space<vmem>>)
    %add3A_39 = arith.constant 0 : i32
    %add3A_40 = arith.addi %mul3A_2, %add3A_39 : i32
    %run_scoped3A = arith.constant 0 : i32
    %run_scoped3A_41 = arith.constant 0 : i32
    "tpu.region"() ({
      %run_scoped3A_920 = tpu.sem_alloc : memref<!tpu.dma_semaphore, #tpu.memory_space<semaphore_mem>>
      %dma_start3A_921 = arith.constant 0 : i32
      %dma_start3A_922 = tpu.memref_slice %arg5[%run_scoped3A_41, %dma_start3A_921] : memref<64x576xf32, #tpu.memory_space<vmem>> -> memref<1x576xf32, #tpu.memory_space<vmem>>
      %dma_start3A_923 = tpu.memref_squeeze %dma_start3A_922 : memref<1x576xf32, #tpu.memory_space<vmem>> -> memref<576xf32, #tpu.memory_space<vmem>>
      %dma_start3A_924 = arith.constant 0 : i32
      %dma_start3A_925 = tpu.memref_slice %arg3[%run_scoped3A, %add3A_40, %dma_start3A_924] : memref<2x64x576xf32, #tpu.memory_space<hbm>> -> memref<1x1x576xf32, #tpu.memory_space<hbm>>
      %dma_start3A_926 = tpu.memref_squeeze %dma_start3A_925 : memref<1x1x576xf32, #tpu.memory_space<hbm>> -> memref<576xf32, #tpu.memory_space<hbm>>
      %dma_start3A_927 = arith.constant 0 : i32
      %dma_start3A_928 = tpu.memref_slice %arg5[%run_scoped3A_41, %dma_start3A_927] : memref<64x576xf32, #tpu.memory_space<vmem>> -> memref<1x576xf32, #tpu.memory_space<vmem>>
      %dma_start3A_929 = tpu.memref_squeeze %dma_start3A_928 : memref<1x576xf32, #tpu.memory_space<vmem>> -> memref<576xf32, #tpu.memory_space<vmem>>
      %dma_start3A_930 = arith.constant 0 : i32
      %dma_start3A_931 = tpu.memref_slice %arg3[%run_scoped3A, %add3A_40, %dma_start3A_930] : memref<2x64x576xf32, #tpu.memory_space<hbm>> -> memref<1x1x576xf32, #tpu.memory_space<hbm>>
      %dma_start3A_932 = tpu.memref_squeeze %dma_start3A_931 : memref<1x1x576xf32, #tpu.memory_space<hbm>> -> memref<576xf32, #tpu.memory_space<hbm>>
      tpu.enqueue_dma source(%dma_start3A_932 : memref<576xf32, #tpu.memory_space<hbm>>) target(%dma_start3A_929 : memref<576xf32, #tpu.memory_space<vmem>>) target_semaphore(%run_scoped3A_920 : memref<!tpu.dma_semaphore, #tpu.memory_space<semaphore_mem>>)
      %dma_wait3A_933 = arith.constant 0 : i32
      %dma_wait3A_934 = tpu.memref_slice %arg5[%run_scoped3A_41, %dma_wait3A_933] : memref<64x576xf32, #tpu.memory_space<vmem>> -> memref<1x576xf32, #tpu.memory_space<vmem>>
      %dma_wait3A_935 = tpu.memref_squeeze %dma_wait3A_934 : memref<1x576xf32, #tpu.memory_space<vmem>> -> memref<576xf32, #tpu.memory_space<vmem>>
      %dma_wait3A_936 = arith.constant 0 : i32
      %dma_wait3A_937 = tpu.memref_slice %arg3[%run_scoped3A, %add3A_40, %dma_wait3A_936] : memref<2x64x576xf32, #tpu.memory_space<hbm>> -> memref<1x1x576xf32, #tpu.memory_space<hbm>>
      %dma_wait3A_938 = tpu.memref_squeeze %dma_wait3A_937 : memref<1x1x576xf32, #tpu.memory_space<hbm>> -> memref<576xf32, #tpu.memory_space<hbm>>
      %dma_wait3A_939 = arith.constant 0 : i32
      %dma_wait3A_940 = tpu.memref_slice %arg5[%run_scoped3A_41, %dma_wait3A_939] : memref<64x576xf32, #tpu.memory_space<vmem>> -> memref<1x576xf32, #tpu.memory_space<vmem>>
      %dma_wait3A_941 = tpu.memref_squeeze %dma_wait3A_940 : memref<1x576xf32, #tpu.memory_space<vmem>> -> memref<576xf32, #tpu.memory_space<vmem>>
      %dma_wait3A_942 = arith.constant 0 : i32
      %dma_wait3A_943 = tpu.memref_slice %arg3[%run_scoped3A, %add3A_40, %dma_wait3A_942] : memref<2x64x576xf32, #tpu.memory_space<hbm>> -> memref<1x1x576xf32, #tpu.memory_space<hbm>>
      %dma_wait3A_944 = tpu.memref_squeeze %dma_wait3A_943 : memref<1x1x576xf32, #tpu.memory_space<hbm>> -> memref<576xf32, #tpu.memory_space<hbm>>
      tpu.wait_dma2 semaphore(%run_scoped3A_920 : memref<!tpu.dma_semaphore, #tpu.memory_space<semaphore_mem>>) src(%dma_wait3A_944 : memref<576xf32, #tpu.memory_space<hbm>>) dst(%dma_wait3A_941 : memref<576xf32, #tpu.memory_space<vmem>>)
      tpu.yield
    }) : () -> ()
    %add3A_42 = arith.constant 0 : i32
    %add3A_43 = arith.addi %mul3A_2, %add3A_42 : i32
    %dma_start3A_44 = arith.constant 0 : i32
    %dma_start3A_45 = arith.constant 0 : i32
    %dma_start3A_46 = tpu.memref_slice %arg4[%add3A_43, %dma_start3A_44, %dma_start3A_45] : memref<64x768x576xf32, #tpu.memory_space<hbm>> -> memref<1x64x576xf32, #tpu.memory_space<hbm>>
    %dma_start3A_47 = tpu.memref_squeeze %dma_start3A_46 : memref<1x64x576xf32, #tpu.memory_space<hbm>> -> memref<64x576xf32, #tpu.memory_space<hbm>>
    %dma_start3A_48 = arith.constant 0 : i32
    %dma_start3A_49 = arith.constant 0 : i32
    %dma_start3A_50 = tpu.memref_slice %arg4[%add3A_43, %dma_start3A_48, %dma_start3A_49] : memref<64x768x576xf32, #tpu.memory_space<hbm>> -> memref<1x64x576xf32, #tpu.memory_space<hbm>>
    %dma_start3A_51 = tpu.memref_squeeze %dma_start3A_50 : memref<1x64x576xf32, #tpu.memory_space<hbm>> -> memref<64x576xf32, #tpu.memory_space<hbm>>
    tpu.enqueue_dma source(%arg5 : memref<64x576xf32, #tpu.memory_space<vmem>>) target(%dma_start3A_51 : memref<64x576xf32, #tpu.memory_space<hbm>>) target_semaphore(%arg11 : memref<!tpu.dma_semaphore, #tpu.memory_space<semaphore_mem>>)
    %dma_wait3A_52 = arith.constant 0 : i32
    %dma_wait3A_53 = arith.constant 0 : i32
    %dma_wait3A_54 = tpu.memref_slice %arg4[%add3A_43, %dma_wait3A_52, %dma_wait3A_53] : memref<64x768x576xf32, #tpu.memory_space<hbm>> -> memref<1x64x576xf32, #tpu.memory_space<hbm>>
    %dma_wait3A_55 = tpu.memref_squeeze %dma_wait3A_54 : memref<1x64x576xf32, #tpu.memory_space<hbm>> -> memref<64x576xf32, #tpu.memory_space<hbm>>
    %dma_wait3A_56 = arith.constant 0 : i32
    %dma_wait3A_57 = arith.constant 0 : i32
    %dma_wait3A_58 = tpu.memref_slice %arg4[%add3A_43, %dma_wait3A_56, %dma_wait3A_57] : memref<64x768x576xf32, #tpu.memory_space<hbm>> -> memref<1x64x576xf32, #tpu.memory_space<hbm>>
    %dma_wait3A_59 = tpu.memref_squeeze %dma_wait3A_58 : memref<1x64x576xf32, #tpu.memory_space<hbm>> -> memref<64x576xf32, #tpu.memory_space<hbm>>
    tpu.wait_dma2 semaphore(%arg11 : memref<!tpu.dma_semaphore, #tpu.memory_space<semaphore_mem>>) src(%arg5 : memref<64x576xf32, #tpu.memory_space<vmem>>) dst(%dma_wait3A_59 : memref<64x576xf32, #tpu.memory_space<hbm>>)
    %add3A_60 = arith.constant 0 : i32
    %add3A_61 = arith.addi %mul3A_2, %add3A_60 : i32
    %dma_start3A_62 = arith.constant 192 : i32
    %dma_start3A_63 = arith.constant 0 : i32
    %dma_start3A_64 = tpu.memref_slice %arg2[%add3A_61, %dma_start3A_62, %dma_start3A_63] : memref<64x768x576xf32, #tpu.memory_space<hbm>> -> memref<1x64x576xf32, #tpu.memory_space<hbm>>
    %dma_start3A_65 = tpu.memref_squeeze %dma_start3A_64 : memref<1x64x576xf32, #tpu.memory_space<hbm>> -> memref<64x576xf32, #tpu.memory_space<hbm>>
    %dma_start3A_66 = arith.constant 192 : i32
    %dma_start3A_67 = arith.constant 0 : i32
    %dma_start3A_68 = tpu.memref_slice %arg2[%add3A_61, %dma_start3A_66, %dma_start3A_67] : memref<64x768x576xf32, #tpu.memory_space<hbm>> -> memref<1x64x576xf32, #tpu.memory_space<hbm>>
    %dma_start3A_69 = tpu.memref_squeeze %dma_start3A_68 : memref<1x64x576xf32, #tpu.memory_space<hbm>> -> memref<64x576xf32, #tpu.memory_space<hbm>>
    tpu.enqueue_dma source(%dma_start3A_69 : memref<64x576xf32, #tpu.memory_space<hbm>>) target(%arg5 : memref<64x576xf32, #tpu.memory_space<vmem>>) target_semaphore(%arg8 : memref<!tpu.dma_semaphore, #tpu.memory_space<semaphore_mem>>)
    %dma_wait3A_70 = arith.constant 64 : i32
    %dma_wait3A_71 = arith.constant 0 : i32
    %dma_wait3A_72 = tpu.memref_slice %arg2[%add3A_13, %dma_wait3A_70, %dma_wait3A_71] : memref<64x768x576xf32, #tpu.memory_space<hbm>> -> memref<1x64x576xf32, #tpu.memory_space<hbm>>
    %dma_wait3A_73 = tpu.memref_squeeze %dma_wait3A_72 : memref<1x64x576xf32, #tpu.memory_space<hbm>> -> memref<64x576xf32, #tpu.memory_space<hbm>>
    %dma_wait3A_74 = arith.constant 64 : i32
    %dma_wait3A_75 = arith.constant 0 : i32
    %dma_wait3A_76 = tpu.memref_slice %arg2[%add3A_13, %dma_wait3A_74, %dma_wait3A_75] : memref<64x768x576xf32, #tpu.memory_space<hbm>> -> memref<1x64x576xf32, #tpu.memory_space<hbm>>
    %dma_wait3A_77 = tpu.memref_squeeze %dma_wait3A_76 : memref<1x64x576xf32, #tpu.memory_space<hbm>> -> memref<64x576xf32, #tpu.memory_space<hbm>>
    tpu.wait_dma2 semaphore(%arg9 : memref<!tpu.dma_semaphore, #tpu.memory_space<semaphore_mem>>) src(%dma_wait3A_77 : memref<64x576xf32, #tpu.memory_space<hbm>>) dst(%arg6 : memref<64x576xf32, #tpu.memory_space<vmem>>)
    %add3A_78 = arith.constant 0 : i32
    %add3A_79 = arith.addi %mul3A_2, %add3A_78 : i32
    %add3A_80 = arith.constant 0 : i32
    %add3A_81 = arith.addi %mul3A_2, %add3A_80 : i32
    %dma_start3A_82 = arith.constant 64 : i32
    %dma_start3A_83 = arith.constant 0 : i32
    %dma_start3A_84 = tpu.memref_slice %arg4[%add3A_81, %dma_start3A_82, %dma_start3A_83] : memref<64x768x576xf32, #tpu.memory_space<hbm>> -> memref<1x64x576xf32, #tpu.memory_space<hbm>>
    %dma_start3A_85 = tpu.memref_squeeze %dma_start3A_84 : memref<1x64x576xf32, #tpu.memory_space<hbm>> -> memref<64x576xf32, #tpu.memory_space<hbm>>
    %dma_start3A_86 = arith.constant 64 : i32
    %dma_start3A_87 = arith.constant 0 : i32
    %dma_start3A_88 = tpu.memref_slice %arg4[%add3A_81, %dma_start3A_86, %dma_start3A_87] : memref<64x768x576xf32, #tpu.memory_space<hbm>> -> memref<1x64x576xf32, #tpu.memory_space<hbm>>
    %dma_start3A_89 = tpu.memref_squeeze %dma_start3A_88 : memref<1x64x576xf32, #tpu.memory_space<hbm>> -> memref<64x576xf32, #tpu.memory_space<hbm>>
    tpu.enqueue_dma source(%arg6 : memref<64x576xf32, #tpu.memory_space<vmem>>) target(%dma_start3A_89 : memref<64x576xf32, #tpu.memory_space<hbm>>) target_semaphore(%arg12 : memref<!tpu.dma_semaphore, #tpu.memory_space<semaphore_mem>>)
    %dma_wait3A_90 = arith.constant 64 : i32
    %dma_wait3A_91 = arith.constant 0 : i32
    %dma_wait3A_92 = tpu.memref_slice %arg4[%add3A_81, %dma_wait3A_90, %dma_wait3A_91] : memref<64x768x576xf32, #tpu.memory_space<hbm>> -> memref<1x64x576xf32, #tpu.memory_space<hbm>>
    %dma_wait3A_93 = tpu.memref_squeeze %dma_wait3A_92 : memref<1x64x576xf32, #tpu.memory_space<hbm>> -> memref<64x576xf32, #tpu.memory_space<hbm>>
    %dma_wait3A_94 = arith.constant 64 : i32
    %dma_wait3A_95 = arith.constant 0 : i32
    %dma_wait3A_96 = tpu.memref_slice %arg4[%add3A_81, %dma_wait3A_94, %dma_wait3A_95] : memref<64x768x576xf32, #tpu.memory_space<hbm>> -> memref<1x64x576xf32, #tpu.memory_space<hbm>>
    %dma_wait3A_97 = tpu.memref_squeeze %dma_wait3A_96 : memref<1x64x576xf32, #tpu.memory_space<hbm>> -> memref<64x576xf32, #tpu.memory_space<hbm>>
    tpu.wait_dma2 semaphore(%arg12 : memref<!tpu.dma_semaphore, #tpu.memory_space<semaphore_mem>>) src(%arg6 : memref<64x576xf32, #tpu.memory_space<vmem>>) dst(%dma_wait3A_97 : memref<64x576xf32, #tpu.memory_space<hbm>>)
    %add3A_98 = arith.constant 0 : i32
    %add3A_99 = arith.addi %mul3A_2, %add3A_98 : i32
    %dma_start3A_100 = arith.constant 256 : i32
    %dma_start3A_101 = arith.constant 0 : i32
    %dma_start3A_102 = tpu.memref_slice %arg2[%add3A_99, %dma_start3A_100, %dma_start3A_101] : memref<64x768x576xf32, #tpu.memory_space<hbm>> -> memref<1x64x576xf32, #tpu.memory_space<hbm>>
    %dma_start3A_103 = tpu.memref_squeeze %dma_start3A_102 : memref<1x64x576xf32, #tpu.memory_space<hbm>> -> memref<64x576xf32, #tpu.memory_space<hbm>>
    %dma_start3A_104 = arith.constant 256 : i32
    %dma_start3A_105 = arith.constant 0 : i32
    %dma_start3A_106 = tpu.memref_slice %arg2[%add3A_99, %dma_start3A_104, %dma_start3A_105] : memref<64x768x576xf32, #tpu.memory_space<hbm>> -> memref<1x64x576xf32, #tpu.memory_space<hbm>>
    %dma_start3A_107 = tpu.memref_squeeze %dma_start3A_106 : memref<1x64x576xf32, #tpu.memory_space<hbm>> -> memref<64x576xf32, #tpu.memory_space<hbm>>
    tpu.enqueue_dma source(%dma_start3A_107 : memref<64x576xf32, #tpu.memory_space<hbm>>) target(%arg6 : memref<64x576xf32, #tpu.memory_space<vmem>>) target_semaphore(%arg9 : memref<!tpu.dma_semaphore, #tpu.memory_space<semaphore_mem>>)
    %dma_wait3A_108 = arith.constant 128 : i32
    %dma_wait3A_109 = arith.constant 0 : i32
    %dma_wait3A_110 = tpu.memref_slice %arg2[%add3A_23, %dma_wait3A_108, %dma_wait3A_109] : memref<64x768x576xf32, #tpu.memory_space<hbm>> -> memref<1x64x576xf32, #tpu.memory_space<hbm>>
    %dma_wait3A_111 = tpu.memref_squeeze %dma_wait3A_110 : memref<1x64x576xf32, #tpu.memory_space<hbm>> -> memref<64x576xf32, #tpu.memory_space<hbm>>
    %dma_wait3A_112 = arith.constant 128 : i32
    %dma_wait3A_113 = arith.constant 0 : i32
    %dma_wait3A_114 = tpu.memref_slice %arg2[%add3A_23, %dma_wait3A_112, %dma_wait3A_113] : memref<64x768x576xf32, #tpu.memory_space<hbm>> -> memref<1x64x576xf32, #tpu.memory_space<hbm>>
    %dma_wait3A_115 = tpu.memref_squeeze %dma_wait3A_114 : memref<1x64x576xf32, #tpu.memory_space<hbm>> -> memref<64x576xf32, #tpu.memory_space<hbm>>
    tpu.wait_dma2 semaphore(%arg10 : memref<!tpu.dma_semaphore, #tpu.memory_space<semaphore_mem>>) src(%dma_wait3A_115 : memref<64x576xf32, #tpu.memory_space<hbm>>) dst(%arg7 : memref<64x576xf32, #tpu.memory_space<vmem>>)
    %add3A_116 = arith.constant 0 : i32
    %add3A_117 = arith.addi %mul3A_2, %add3A_116 : i32
    %add3A_118 = arith.constant 0 : i32
    %add3A_119 = arith.addi %mul3A_2, %add3A_118 : i32
    %dma_start3A_120 = arith.constant 128 : i32
    %dma_start3A_121 = arith.constant 0 : i32
    %dma_start3A_122 = tpu.memref_slice %arg4[%add3A_119, %dma_start3A_120, %dma_start3A_121] : memref<64x768x576xf32, #tpu.memory_space<hbm>> -> memref<1x64x576xf32, #tpu.memory_space<hbm>>
    %dma_start3A_123 = tpu.memref_squeeze %dma_start3A_122 : memref<1x64x576xf32, #tpu.memory_space<hbm>> -> memref<64x576xf32, #tpu.memory_space<hbm>>
    %dma_start3A_124 = arith.constant 128 : i32
    %dma_start3A_125 = arith.constant 0 : i32
    %dma_start3A_126 = tpu.memref_slice %arg4[%add3A_119, %dma_start3A_124, %dma_start3A_125] : memref<64x768x576xf32, #tpu.memory_space<hbm>> -> memref<1x64x576xf32, #tpu.memory_space<hbm>>
    %dma_start3A_127 = tpu.memref_squeeze %dma_start3A_126 : memref<1x64x576xf32, #tpu.memory_space<hbm>> -> memref<64x576xf32, #tpu.memory_space<hbm>>
    tpu.enqueue_dma source(%arg7 : memref<64x576xf32, #tpu.memory_space<vmem>>) target(%dma_start3A_127 : memref<64x576xf32, #tpu.memory_space<hbm>>) target_semaphore(%arg13 : memref<!tpu.dma_semaphore, #tpu.memory_space<semaphore_mem>>)
    %dma_wait3A_128 = arith.constant 128 : i32
    %dma_wait3A_129 = arith.constant 0 : i32
    %dma_wait3A_130 = tpu.memref_slice %arg4[%add3A_119, %dma_wait3A_128, %dma_wait3A_129] : memref<64x768x576xf32, #tpu.memory_space<hbm>> -> memref<1x64x576xf32, #tpu.memory_space<hbm>>
    %dma_wait3A_131 = tpu.memref_squeeze %dma_wait3A_130 : memref<1x64x576xf32, #tpu.memory_space<hbm>> -> memref<64x576xf32, #tpu.memory_space<hbm>>
    %dma_wait3A_132 = arith.constant 128 : i32
    %dma_wait3A_133 = arith.constant 0 : i32
    %dma_wait3A_134 = tpu.memref_slice %arg4[%add3A_119, %dma_wait3A_132, %dma_wait3A_133] : memref<64x768x576xf32, #tpu.memory_space<hbm>> -> memref<1x64x576xf32, #tpu.memory_space<hbm>>
    %dma_wait3A_135 = tpu.memref_squeeze %dma_wait3A_134 : memref<1x64x576xf32, #tpu.memory_space<hbm>> -> memref<64x576xf32, #tpu.memory_space<hbm>>
    tpu.wait_dma2 semaphore(%arg13 : memref<!tpu.dma_semaphore, #tpu.memory_space<semaphore_mem>>) src(%arg7 : memref<64x576xf32, #tpu.memory_space<vmem>>) dst(%dma_wait3A_135 : memref<64x576xf32, #tpu.memory_space<hbm>>)
    %add3A_136 = arith.constant 0 : i32
    %add3A_137 = arith.addi %mul3A_2, %add3A_136 : i32
    %dma_start3A_138 = arith.constant 320 : i32
    %dma_start3A_139 = arith.constant 0 : i32
    %dma_start3A_140 = tpu.memref_slice %arg2[%add3A_137, %dma_start3A_138, %dma_start3A_139] : memref<64x768x576xf32, #tpu.memory_space<hbm>> -> memref<1x64x576xf32, #tpu.memory_space<hbm>>
    %dma_start3A_141 = tpu.memref_squeeze %dma_start3A_140 : memref<1x64x576xf32, #tpu.memory_space<hbm>> -> memref<64x576xf32, #tpu.memory_space<hbm>>
    %dma_start3A_142 = arith.constant 320 : i32
    %dma_start3A_143 = arith.constant 0 : i32
    %dma_start3A_144 = tpu.memref_slice %arg2[%add3A_137, %dma_start3A_142, %dma_start3A_143] : memref<64x768x576xf32, #tpu.memory_space<hbm>> -> memref<1x64x576xf32, #tpu.memory_space<hbm>>
    %dma_start3A_145 = tpu.memref_squeeze %dma_start3A_144 : memref<1x64x576xf32, #tpu.memory_space<hbm>> -> memref<64x576xf32, #tpu.memory_space<hbm>>
    tpu.enqueue_dma source(%dma_start3A_145 : memref<64x576xf32, #tpu.memory_space<hbm>>) target(%arg7 : memref<64x576xf32, #tpu.memory_space<vmem>>) target_semaphore(%arg10 : memref<!tpu.dma_semaphore, #tpu.memory_space<semaphore_mem>>)
    %dma_wait3A_146 = arith.constant 192 : i32
    %dma_wait3A_147 = arith.constant 0 : i32
    %dma_wait3A_148 = tpu.memref_slice %arg2[%add3A_61, %dma_wait3A_146, %dma_wait3A_147] : memref<64x768x576xf32, #tpu.memory_space<hbm>> -> memref<1x64x576xf32, #tpu.memory_space<hbm>>
    %dma_wait3A_149 = tpu.memref_squeeze %dma_wait3A_148 : memref<1x64x576xf32, #tpu.memory_space<hbm>> -> memref<64x576xf32, #tpu.memory_space<hbm>>
    %dma_wait3A_150 = arith.constant 192 : i32
    %dma_wait3A_151 = arith.constant 0 : i32
    %dma_wait3A_152 = tpu.memref_slice %arg2[%add3A_61, %dma_wait3A_150, %dma_wait3A_151] : memref<64x768x576xf32, #tpu.memory_space<hbm>> -> memref<1x64x576xf32, #tpu.memory_space<hbm>>
    %dma_wait3A_153 = tpu.memref_squeeze %dma_wait3A_152 : memref<1x64x576xf32, #tpu.memory_space<hbm>> -> memref<64x576xf32, #tpu.memory_space<hbm>>
    tpu.wait_dma2 semaphore(%arg8 : memref<!tpu.dma_semaphore, #tpu.memory_space<semaphore_mem>>) src(%dma_wait3A_153 : memref<64x576xf32, #tpu.memory_space<hbm>>) dst(%arg5 : memref<64x576xf32, #tpu.memory_space<vmem>>)
    %add3A_154 = arith.constant 0 : i32
    %add3A_155 = arith.addi %mul3A_2, %add3A_154 : i32
    %add3A_156 = arith.constant 0 : i32
    %add3A_157 = arith.addi %mul3A_2, %add3A_156 : i32
    %dma_start3A_158 = arith.constant 192 : i32
    %dma_start3A_159 = arith.constant 0 : i32
    %dma_start3A_160 = tpu.memref_slice %arg4[%add3A_157, %dma_start3A_158, %dma_start3A_159] : memref<64x768x576xf32, #tpu.memory_space<hbm>> -> memref<1x64x576xf32, #tpu.memory_space<hbm>>
    %dma_start3A_161 = tpu.memref_squeeze %dma_start3A_160 : memref<1x64x576xf32, #tpu.memory_space<hbm>> -> memref<64x576xf32, #tpu.memory_space<hbm>>
    %dma_start3A_162 = arith.constant 192 : i32
    %dma_start3A_163 = arith.constant 0 : i32
    %dma_start3A_164 = tpu.memref_slice %arg4[%add3A_157, %dma_start3A_162, %dma_start3A_163] : memref<64x768x576xf32, #tpu.memory_space<hbm>> -> memref<1x64x576xf32, #tpu.memory_space<hbm>>
    %dma_start3A_165 = tpu.memref_squeeze %dma_start3A_164 : memref<1x64x576xf32, #tpu.memory_space<hbm>> -> memref<64x576xf32, #tpu.memory_space<hbm>>
    tpu.enqueue_dma source(%arg5 : memref<64x576xf32, #tpu.memory_space<vmem>>) target(%dma_start3A_165 : memref<64x576xf32, #tpu.memory_space<hbm>>) target_semaphore(%arg11 : memref<!tpu.dma_semaphore, #tpu.memory_space<semaphore_mem>>)
    %dma_wait3A_166 = arith.constant 192 : i32
    %dma_wait3A_167 = arith.constant 0 : i32
    %dma_wait3A_168 = tpu.memref_slice %arg4[%add3A_157, %dma_wait3A_166, %dma_wait3A_167] : memref<64x768x576xf32, #tpu.memory_space<hbm>> -> memref<1x64x576xf32, #tpu.memory_space<hbm>>
    %dma_wait3A_169 = tpu.memref_squeeze %dma_wait3A_168 : memref<1x64x576xf32, #tpu.memory_space<hbm>> -> memref<64x576xf32, #tpu.memory_space<hbm>>
    %dma_wait3A_170 = arith.constant 192 : i32
    %dma_wait3A_171 = arith.constant 0 : i32
    %dma_wait3A_172 = tpu.memref_slice %arg4[%add3A_157, %dma_wait3A_170, %dma_wait3A_171] : memref<64x768x576xf32, #tpu.memory_space<hbm>> -> memref<1x64x576xf32, #tpu.memory_space<hbm>>
    %dma_wait3A_173 = tpu.memref_squeeze %dma_wait3A_172 : memref<1x64x576xf32, #tpu.memory_space<hbm>> -> memref<64x576xf32, #tpu.memory_space<hbm>>
    tpu.wait_dma2 semaphore(%arg11 : memref<!tpu.dma_semaphore, #tpu.memory_space<semaphore_mem>>) src(%arg5 : memref<64x576xf32, #tpu.memory_space<vmem>>) dst(%dma_wait3A_173 : memref<64x576xf32, #tpu.memory_space<hbm>>)
    %add3A_174 = arith.constant 0 : i32
    %add3A_175 = arith.addi %mul3A_2, %add3A_174 : i32
    %dma_start3A_176 = arith.constant 384 : i32
    %dma_start3A_177 = arith.constant 0 : i32
    %dma_start3A_178 = tpu.memref_slice %arg2[%add3A_175, %dma_start3A_176, %dma_start3A_177] : memref<64x768x576xf32, #tpu.memory_space<hbm>> -> memref<1x64x576xf32, #tpu.memory_space<hbm>>
    %dma_start3A_179 = tpu.memref_squeeze %dma_start3A_178 : memref<1x64x576xf32, #tpu.memory_space<hbm>> -> memref<64x576xf32, #tpu.memory_space<hbm>>
    %dma_start3A_180 = arith.constant 384 : i32
    %dma_start3A_181 = arith.constant 0 : i32
    %dma_start3A_182 = tpu.memref_slice %arg2[%add3A_175, %dma_start3A_180, %dma_start3A_181] : memref<64x768x576xf32, #tpu.memory_space<hbm>> -> memref<1x64x576xf32, #tpu.memory_space<hbm>>
    %dma_start3A_183 = tpu.memref_squeeze %dma_start3A_182 : memref<1x64x576xf32, #tpu.memory_space<hbm>> -> memref<64x576xf32, #tpu.memory_space<hbm>>
    tpu.enqueue_dma source(%dma_start3A_183 : memref<64x576xf32, #tpu.memory_space<hbm>>) target(%arg5 : memref<64x576xf32, #tpu.memory_space<vmem>>) target_semaphore(%arg8 : memref<!tpu.dma_semaphore, #tpu.memory_space<semaphore_mem>>)
    %dma_wait3A_184 = arith.constant 256 : i32
    %dma_wait3A_185 = arith.constant 0 : i32
    %dma_wait3A_186 = tpu.memref_slice %arg2[%add3A_99, %dma_wait3A_184, %dma_wait3A_185] : memref<64x768x576xf32, #tpu.memory_space<hbm>> -> memref<1x64x576xf32, #tpu.memory_space<hbm>>
    %dma_wait3A_187 = tpu.memref_squeeze %dma_wait3A_186 : memref<1x64x576xf32, #tpu.memory_space<hbm>> -> memref<64x576xf32, #tpu.memory_space<hbm>>
    %dma_wait3A_188 = arith.constant 256 : i32
    %dma_wait3A_189 = arith.constant 0 : i32
    %dma_wait3A_190 = tpu.memref_slice %arg2[%add3A_99, %dma_wait3A_188, %dma_wait3A_189] : memref<64x768x576xf32, #tpu.memory_space<hbm>> -> memref<1x64x576xf32, #tpu.memory_space<hbm>>
    %dma_wait3A_191 = tpu.memref_squeeze %dma_wait3A_190 : memref<1x64x576xf32, #tpu.memory_space<hbm>> -> memref<64x576xf32, #tpu.memory_space<hbm>>
    tpu.wait_dma2 semaphore(%arg9 : memref<!tpu.dma_semaphore, #tpu.memory_space<semaphore_mem>>) src(%dma_wait3A_191 : memref<64x576xf32, #tpu.memory_space<hbm>>) dst(%arg6 : memref<64x576xf32, #tpu.memory_space<vmem>>)
    %add3A_192 = arith.constant 0 : i32
    %add3A_193 = arith.addi %mul3A_2, %add3A_192 : i32
    %add3A_194 = arith.constant 0 : i32
    %add3A_195 = arith.addi %mul3A_2, %add3A_194 : i32
    %dma_start3A_196 = arith.constant 256 : i32
    %dma_start3A_197 = arith.constant 0 : i32
    %dma_start3A_198 = tpu.memref_slice %arg4[%add3A_195, %dma_start3A_196, %dma_start3A_197] : memref<64x768x576xf32, #tpu.memory_space<hbm>> -> memref<1x64x576xf32, #tpu.memory_space<hbm>>
    %dma_start3A_199 = tpu.memref_squeeze %dma_start3A_198 : memref<1x64x576xf32, #tpu.memory_space<hbm>> -> memref<64x576xf32, #tpu.memory_space<hbm>>
    %dma_start3A_200 = arith.constant 256 : i32
    %dma_start3A_201 = arith.constant 0 : i32
    %dma_start3A_202 = tpu.memref_slice %arg4[%add3A_195, %dma_start3A_200, %dma_start3A_201] : memref<64x768x576xf32, #tpu.memory_space<hbm>> -> memref<1x64x576xf32, #tpu.memory_space<hbm>>
    %dma_start3A_203 = tpu.memref_squeeze %dma_start3A_202 : memref<1x64x576xf32, #tpu.memory_space<hbm>> -> memref<64x576xf32, #tpu.memory_space<hbm>>
    tpu.enqueue_dma source(%arg6 : memref<64x576xf32, #tpu.memory_space<vmem>>) target(%dma_start3A_203 : memref<64x576xf32, #tpu.memory_space<hbm>>) target_semaphore(%arg12 : memref<!tpu.dma_semaphore, #tpu.memory_space<semaphore_mem>>)
    %dma_wait3A_204 = arith.constant 256 : i32
    %dma_wait3A_205 = arith.constant 0 : i32
    %dma_wait3A_206 = tpu.memref_slice %arg4[%add3A_195, %dma_wait3A_204, %dma_wait3A_205] : memref<64x768x576xf32, #tpu.memory_space<hbm>> -> memref<1x64x576xf32, #tpu.memory_space<hbm>>
    %dma_wait3A_207 = tpu.memref_squeeze %dma_wait3A_206 : memref<1x64x576xf32, #tpu.memory_space<hbm>> -> memref<64x576xf32, #tpu.memory_space<hbm>>
    %dma_wait3A_208 = arith.constant 256 : i32
    %dma_wait3A_209 = arith.constant 0 : i32
    %dma_wait3A_210 = tpu.memref_slice %arg4[%add3A_195, %dma_wait3A_208, %dma_wait3A_209] : memref<64x768x576xf32, #tpu.memory_space<hbm>> -> memref<1x64x576xf32, #tpu.memory_space<hbm>>
    %dma_wait3A_211 = tpu.memref_squeeze %dma_wait3A_210 : memref<1x64x576xf32, #tpu.memory_space<hbm>> -> memref<64x576xf32, #tpu.memory_space<hbm>>
    tpu.wait_dma2 semaphore(%arg12 : memref<!tpu.dma_semaphore, #tpu.memory_space<semaphore_mem>>) src(%arg6 : memref<64x576xf32, #tpu.memory_space<vmem>>) dst(%dma_wait3A_211 : memref<64x576xf32, #tpu.memory_space<hbm>>)
    %add3A_212 = arith.constant 0 : i32
    %add3A_213 = arith.addi %mul3A_2, %add3A_212 : i32
    %dma_start3A_214 = arith.constant 448 : i32
    %dma_start3A_215 = arith.constant 0 : i32
    %dma_start3A_216 = tpu.memref_slice %arg2[%add3A_213, %dma_start3A_214, %dma_start3A_215] : memref<64x768x576xf32, #tpu.memory_space<hbm>> -> memref<1x64x576xf32, #tpu.memory_space<hbm>>
    %dma_start3A_217 = tpu.memref_squeeze %dma_start3A_216 : memref<1x64x576xf32, #tpu.memory_space<hbm>> -> memref<64x576xf32, #tpu.memory_space<hbm>>
    %dma_start3A_218 = arith.constant 448 : i32
    %dma_start3A_219 = arith.constant 0 : i32
    %dma_start3A_220 = tpu.memref_slice %arg2[%add3A_213, %dma_start3A_218, %dma_start3A_219] : memref<64x768x576xf32, #tpu.memory_space<hbm>> -> memref<1x64x576xf32, #tpu.memory_space<hbm>>
    %dma_start3A_221 = tpu.memref_squeeze %dma_start3A_220 : memref<1x64x576xf32, #tpu.memory_space<hbm>> -> memref<64x576xf32, #tpu.memory_space<hbm>>
    tpu.enqueue_dma source(%dma_start3A_221 : memref<64x576xf32, #tpu.memory_space<hbm>>) target(%arg6 : memref<64x576xf32, #tpu.memory_space<vmem>>) target_semaphore(%arg9 : memref<!tpu.dma_semaphore, #tpu.memory_space<semaphore_mem>>)
    %dma_wait3A_222 = arith.constant 320 : i32
    %dma_wait3A_223 = arith.constant 0 : i32
    %dma_wait3A_224 = tpu.memref_slice %arg2[%add3A_137, %dma_wait3A_222, %dma_wait3A_223] : memref<64x768x576xf32, #tpu.memory_space<hbm>> -> memref<1x64x576xf32, #tpu.memory_space<hbm>>
    %dma_wait3A_225 = tpu.memref_squeeze %dma_wait3A_224 : memref<1x64x576xf32, #tpu.memory_space<hbm>> -> memref<64x576xf32, #tpu.memory_space<hbm>>
    %dma_wait3A_226 = arith.constant 320 : i32
    %dma_wait3A_227 = arith.constant 0 : i32
    %dma_wait3A_228 = tpu.memref_slice %arg2[%add3A_137, %dma_wait3A_226, %dma_wait3A_227] : memref<64x768x576xf32, #tpu.memory_space<hbm>> -> memref<1x64x576xf32, #tpu.memory_space<hbm>>
    %dma_wait3A_229 = tpu.memref_squeeze %dma_wait3A_228 : memref<1x64x576xf32, #tpu.memory_space<hbm>> -> memref<64x576xf32, #tpu.memory_space<hbm>>
    tpu.wait_dma2 semaphore(%arg10 : memref<!tpu.dma_semaphore, #tpu.memory_space<semaphore_mem>>) src(%dma_wait3A_229 : memref<64x576xf32, #tpu.memory_space<hbm>>) dst(%arg7 : memref<64x576xf32, #tpu.memory_space<vmem>>)
    %add3A_230 = arith.constant 0 : i32
    %add3A_231 = arith.addi %mul3A_2, %add3A_230 : i32
    %add3A_232 = arith.constant 0 : i32
    %add3A_233 = arith.addi %mul3A_2, %add3A_232 : i32
    %dma_start3A_234 = arith.constant 320 : i32
    %dma_start3A_235 = arith.constant 0 : i32
    %dma_start3A_236 = tpu.memref_slice %arg4[%add3A_233, %dma_start3A_234, %dma_start3A_235] : memref<64x768x576xf32, #tpu.memory_space<hbm>> -> memref<1x64x576xf32, #tpu.memory_space<hbm>>
    %dma_start3A_237 = tpu.memref_squeeze %dma_start3A_236 : memref<1x64x576xf32, #tpu.memory_space<hbm>> -> memref<64x576xf32, #tpu.memory_space<hbm>>
    %dma_start3A_238 = arith.constant 320 : i32
    %dma_start3A_239 = arith.constant 0 : i32
    %dma_start3A_240 = tpu.memref_slice %arg4[%add3A_233, %dma_start3A_238, %dma_start3A_239] : memref<64x768x576xf32, #tpu.memory_space<hbm>> -> memref<1x64x576xf32, #tpu.memory_space<hbm>>
    %dma_start3A_241 = tpu.memref_squeeze %dma_start3A_240 : memref<1x64x576xf32, #tpu.memory_space<hbm>> -> memref<64x576xf32, #tpu.memory_space<hbm>>
    tpu.enqueue_dma source(%arg7 : memref<64x576xf32, #tpu.memory_space<vmem>>) target(%dma_start3A_241 : memref<64x576xf32, #tpu.memory_space<hbm>>) target_semaphore(%arg13 : memref<!tpu.dma_semaphore, #tpu.memory_space<semaphore_mem>>)
    %dma_wait3A_242 = arith.constant 320 : i32
    %dma_wait3A_243 = arith.constant 0 : i32
    %dma_wait3A_244 = tpu.memref_slice %arg4[%add3A_233, %dma_wait3A_242, %dma_wait3A_243] : memref<64x768x576xf32, #tpu.memory_space<hbm>> -> memref<1x64x576xf32, #tpu.memory_space<hbm>>
    %dma_wait3A_245 = tpu.memref_squeeze %dma_wait3A_244 : memref<1x64x576xf32, #tpu.memory_space<hbm>> -> memref<64x576xf32, #tpu.memory_space<hbm>>
    %dma_wait3A_246 = arith.constant 320 : i32
    %dma_wait3A_247 = arith.constant 0 : i32
    %dma_wait3A_248 = tpu.memref_slice %arg4[%add3A_233, %dma_wait3A_246, %dma_wait3A_247] : memref<64x768x576xf32, #tpu.memory_space<hbm>> -> memref<1x64x576xf32, #tpu.memory_space<hbm>>
    %dma_wait3A_249 = tpu.memref_squeeze %dma_wait3A_248 : memref<1x64x576xf32, #tpu.memory_space<hbm>> -> memref<64x576xf32, #tpu.memory_space<hbm>>
    tpu.wait_dma2 semaphore(%arg13 : memref<!tpu.dma_semaphore, #tpu.memory_space<semaphore_mem>>) src(%arg7 : memref<64x576xf32, #tpu.memory_space<vmem>>) dst(%dma_wait3A_249 : memref<64x576xf32, #tpu.memory_space<hbm>>)
    %add3A_250 = arith.constant 0 : i32
    %add3A_251 = arith.addi %mul3A_2, %add3A_250 : i32
    %dma_start3A_252 = arith.constant 512 : i32
    %dma_start3A_253 = arith.constant 0 : i32
    %dma_start3A_254 = tpu.memref_slice %arg2[%add3A_251, %dma_start3A_252, %dma_start3A_253] : memref<64x768x576xf32, #tpu.memory_space<hbm>> -> memref<1x64x576xf32, #tpu.memory_space<hbm>>
    %dma_start3A_255 = tpu.memref_squeeze %dma_start3A_254 : memref<1x64x576xf32, #tpu.memory_space<hbm>> -> memref<64x576xf32, #tpu.memory_space<hbm>>
    %dma_start3A_256 = arith.constant 512 : i32
    %dma_start3A_257 = arith.constant 0 : i32
    %dma_start3A_258 = tpu.memref_slice %arg2[%add3A_251, %dma_start3A_256, %dma_start3A_257] : memref<64x768x576xf32, #tpu.memory_space<hbm>> -> memref<1x64x576xf32, #tpu.memory_space<hbm>>
    %dma_start3A_259 = tpu.memref_squeeze %dma_start3A_258 : memref<1x64x576xf32, #tpu.memory_space<hbm>> -> memref<64x576xf32, #tpu.memory_space<hbm>>
    tpu.enqueue_dma source(%dma_start3A_259 : memref<64x576xf32, #tpu.memory_space<hbm>>) target(%arg7 : memref<64x576xf32, #tpu.memory_space<vmem>>) target_semaphore(%arg10 : memref<!tpu.dma_semaphore, #tpu.memory_space<semaphore_mem>>)
    %dma_wait3A_260 = arith.constant 384 : i32
    %dma_wait3A_261 = arith.constant 0 : i32
    %dma_wait3A_262 = tpu.memref_slice %arg2[%add3A_175, %dma_wait3A_260, %dma_wait3A_261] : memref<64x768x576xf32, #tpu.memory_space<hbm>> -> memref<1x64x576xf32, #tpu.memory_space<hbm>>
    %dma_wait3A_263 = tpu.memref_squeeze %dma_wait3A_262 : memref<1x64x576xf32, #tpu.memory_space<hbm>> -> memref<64x576xf32, #tpu.memory_space<hbm>>
    %dma_wait3A_264 = arith.constant 384 : i32
    %dma_wait3A_265 = arith.constant 0 : i32
    %dma_wait3A_266 = tpu.memref_slice %arg2[%add3A_175, %dma_wait3A_264, %dma_wait3A_265] : memref<64x768x576xf32, #tpu.memory_space<hbm>> -> memref<1x64x576xf32, #tpu.memory_space<hbm>>
    %dma_wait3A_267 = tpu.memref_squeeze %dma_wait3A_266 : memref<1x64x576xf32, #tpu.memory_space<hbm>> -> memref<64x576xf32, #tpu.memory_space<hbm>>
    tpu.wait_dma2 semaphore(%arg8 : memref<!tpu.dma_semaphore, #tpu.memory_space<semaphore_mem>>) src(%dma_wait3A_267 : memref<64x576xf32, #tpu.memory_space<hbm>>) dst(%arg5 : memref<64x576xf32, #tpu.memory_space<vmem>>)
    %add3A_268 = arith.constant 0 : i32
    %add3A_269 = arith.addi %mul3A_2, %add3A_268 : i32
    %run_scoped3A_270 = arith.constant 1 : i32
    %run_scoped3A_271 = arith.constant 0 : i32
    "tpu.region"() ({
      %run_scoped3A_920 = tpu.sem_alloc : memref<!tpu.dma_semaphore, #tpu.memory_space<semaphore_mem>>
      %dma_start3A_921 = arith.constant 0 : i32
      %dma_start3A_922 = tpu.memref_slice %arg5[%run_scoped3A_271, %dma_start3A_921] : memref<64x576xf32, #tpu.memory_space<vmem>> -> memref<1x576xf32, #tpu.memory_space<vmem>>
      %dma_start3A_923 = tpu.memref_squeeze %dma_start3A_922 : memref<1x576xf32, #tpu.memory_space<vmem>> -> memref<576xf32, #tpu.memory_space<vmem>>
      %dma_start3A_924 = arith.constant 0 : i32
      %dma_start3A_925 = tpu.memref_slice %arg3[%run_scoped3A_270, %add3A_269, %dma_start3A_924] : memref<2x64x576xf32, #tpu.memory_space<hbm>> -> memref<1x1x576xf32, #tpu.memory_space<hbm>>
      %dma_start3A_926 = tpu.memref_squeeze %dma_start3A_925 : memref<1x1x576xf32, #tpu.memory_space<hbm>> -> memref<576xf32, #tpu.memory_space<hbm>>
      %dma_start3A_927 = arith.constant 0 : i32
      %dma_start3A_928 = tpu.memref_slice %arg5[%run_scoped3A_271, %dma_start3A_927] : memref<64x576xf32, #tpu.memory_space<vmem>> -> memref<1x576xf32, #tpu.memory_space<vmem>>
      %dma_start3A_929 = tpu.memref_squeeze %dma_start3A_928 : memref<1x576xf32, #tpu.memory_space<vmem>> -> memref<576xf32, #tpu.memory_space<vmem>>
      %dma_start3A_930 = arith.constant 0 : i32
      %dma_start3A_931 = tpu.memref_slice %arg3[%run_scoped3A_270, %add3A_269, %dma_start3A_930] : memref<2x64x576xf32, #tpu.memory_space<hbm>> -> memref<1x1x576xf32, #tpu.memory_space<hbm>>
      %dma_start3A_932 = tpu.memref_squeeze %dma_start3A_931 : memref<1x1x576xf32, #tpu.memory_space<hbm>> -> memref<576xf32, #tpu.memory_space<hbm>>
      tpu.enqueue_dma source(%dma_start3A_932 : memref<576xf32, #tpu.memory_space<hbm>>) target(%dma_start3A_929 : memref<576xf32, #tpu.memory_space<vmem>>) target_semaphore(%run_scoped3A_920 : memref<!tpu.dma_semaphore, #tpu.memory_space<semaphore_mem>>)
      %dma_wait3A_933 = arith.constant 0 : i32
      %dma_wait3A_934 = tpu.memref_slice %arg5[%run_scoped3A_271, %dma_wait3A_933] : memref<64x576xf32, #tpu.memory_space<vmem>> -> memref<1x576xf32, #tpu.memory_space<vmem>>
      %dma_wait3A_935 = tpu.memref_squeeze %dma_wait3A_934 : memref<1x576xf32, #tpu.memory_space<vmem>> -> memref<576xf32, #tpu.memory_space<vmem>>
      %dma_wait3A_936 = arith.constant 0 : i32
      %dma_wait3A_937 = tpu.memref_slice %arg3[%run_scoped3A_270, %add3A_269, %dma_wait3A_936] : memref<2x64x576xf32, #tpu.memory_space<hbm>> -> memref<1x1x576xf32, #tpu.memory_space<hbm>>
      %dma_wait3A_938 = tpu.memref_squeeze %dma_wait3A_937 : memref<1x1x576xf32, #tpu.memory_space<hbm>> -> memref<576xf32, #tpu.memory_space<hbm>>
      %dma_wait3A_939 = arith.constant 0 : i32
      %dma_wait3A_940 = tpu.memref_slice %arg5[%run_scoped3A_271, %dma_wait3A_939] : memref<64x576xf32, #tpu.memory_space<vmem>> -> memref<1x576xf32, #tpu.memory_space<vmem>>
      %dma_wait3A_941 = tpu.memref_squeeze %dma_wait3A_940 : memref<1x576xf32, #tpu.memory_space<vmem>> -> memref<576xf32, #tpu.memory_space<vmem>>
      %dma_wait3A_942 = arith.constant 0 : i32
      %dma_wait3A_943 = tpu.memref_slice %arg3[%run_scoped3A_270, %add3A_269, %dma_wait3A_942] : memref<2x64x576xf32, #tpu.memory_space<hbm>> -> memref<1x1x576xf32, #tpu.memory_space<hbm>>
      %dma_wait3A_944 = tpu.memref_squeeze %dma_wait3A_943 : memref<1x1x576xf32, #tpu.memory_space<hbm>> -> memref<576xf32, #tpu.memory_space<hbm>>
      tpu.wait_dma2 semaphore(%run_scoped3A_920 : memref<!tpu.dma_semaphore, #tpu.memory_space<semaphore_mem>>) src(%dma_wait3A_944 : memref<576xf32, #tpu.memory_space<hbm>>) dst(%dma_wait3A_941 : memref<576xf32, #tpu.memory_space<vmem>>)
      tpu.yield
    }) : () -> ()
    %add3A_272 = arith.constant 0 : i32
    %add3A_273 = arith.addi %mul3A_2, %add3A_272 : i32
    %dma_start3A_274 = arith.constant 384 : i32
    %dma_start3A_275 = arith.constant 0 : i32
    %dma_start3A_276 = tpu.memref_slice %arg4[%add3A_273, %dma_start3A_274, %dma_start3A_275] : memref<64x768x576xf32, #tpu.memory_space<hbm>> -> memref<1x64x576xf32, #tpu.memory_space<hbm>>
    %dma_start3A_277 = tpu.memref_squeeze %dma_start3A_276 : memref<1x64x576xf32, #tpu.memory_space<hbm>> -> memref<64x576xf32, #tpu.memory_space<hbm>>
    %dma_start3A_278 = arith.constant 384 : i32
    %dma_start3A_279 = arith.constant 0 : i32
    %dma_start3A_280 = tpu.memref_slice %arg4[%add3A_273, %dma_start3A_278, %dma_start3A_279] : memref<64x768x576xf32, #tpu.memory_space<hbm>> -> memref<1x64x576xf32, #tpu.memory_space<hbm>>
    %dma_start3A_281 = tpu.memref_squeeze %dma_start3A_280 : memref<1x64x576xf32, #tpu.memory_space<hbm>> -> memref<64x576xf32, #tpu.memory_space<hbm>>
    tpu.enqueue_dma source(%arg5 : memref<64x576xf32, #tpu.memory_space<vmem>>) target(%dma_start3A_281 : memref<64x576xf32, #tpu.memory_space<hbm>>) target_semaphore(%arg11 : memref<!tpu.dma_semaphore, #tpu.memory_space<semaphore_mem>>)
    %dma_wait3A_282 = arith.constant 384 : i32
    %dma_wait3A_283 = arith.constant 0 : i32
    %dma_wait3A_284 = tpu.memref_slice %arg4[%add3A_273, %dma_wait3A_282, %dma_wait3A_283] : memref<64x768x576xf32, #tpu.memory_space<hbm>> -> memref<1x64x576xf32, #tpu.memory_space<hbm>>
    %dma_wait3A_285 = tpu.memref_squeeze %dma_wait3A_284 : memref<1x64x576xf32, #tpu.memory_space<hbm>> -> memref<64x576xf32, #tpu.memory_space<hbm>>
    %dma_wait3A_286 = arith.constant 384 : i32
    %dma_wait3A_287 = arith.constant 0 : i32
    %dma_wait3A_288 = tpu.memref_slice %arg4[%add3A_273, %dma_wait3A_286, %dma_wait3A_287] : memref<64x768x576xf32, #tpu.memory_space<hbm>> -> memref<1x64x576xf32, #tpu.memory_space<hbm>>
    %dma_wait3A_289 = tpu.memref_squeeze %dma_wait3A_288 : memref<1x64x576xf32, #tpu.memory_space<hbm>> -> memref<64x576xf32, #tpu.memory_space<hbm>>
    tpu.wait_dma2 semaphore(%arg11 : memref<!tpu.dma_semaphore, #tpu.memory_space<semaphore_mem>>) src(%arg5 : memref<64x576xf32, #tpu.memory_space<vmem>>) dst(%dma_wait3A_289 : memref<64x576xf32, #tpu.memory_space<hbm>>)
    %add3A_290 = arith.constant 0 : i32
    %add3A_291 = arith.addi %mul3A_2, %add3A_290 : i32
    %dma_start3A_292 = arith.constant 576 : i32
    %dma_start3A_293 = arith.constant 0 : i32
    %dma_start3A_294 = tpu.memref_slice %arg2[%add3A_291, %dma_start3A_292, %dma_start3A_293] : memref<64x768x576xf32, #tpu.memory_space<hbm>> -> memref<1x64x576xf32, #tpu.memory_space<hbm>>
    %dma_start3A_295 = tpu.memref_squeeze %dma_start3A_294 : memref<1x64x576xf32, #tpu.memory_space<hbm>> -> memref<64x576xf32, #tpu.memory_space<hbm>>
    %dma_start3A_296 = arith.constant 576 : i32
    %dma_start3A_297 = arith.constant 0 : i32
    %dma_start3A_298 = tpu.memref_slice %arg2[%add3A_291, %dma_start3A_296, %dma_start3A_297] : memref<64x768x576xf32, #tpu.memory_space<hbm>> -> memref<1x64x576xf32, #tpu.memory_space<hbm>>
    %dma_start3A_299 = tpu.memref_squeeze %dma_start3A_298 : memref<1x64x576xf32, #tpu.memory_space<hbm>> -> memref<64x576xf32, #tpu.memory_space<hbm>>
    tpu.enqueue_dma source(%dma_start3A_299 : memref<64x576xf32, #tpu.memory_space<hbm>>) target(%arg5 : memref<64x576xf32, #tpu.memory_space<vmem>>) target_semaphore(%arg8 : memref<!tpu.dma_semaphore, #tpu.memory_space<semaphore_mem>>)
    %dma_wait3A_300 = arith.constant 448 : i32
    %dma_wait3A_301 = arith.constant 0 : i32
    %dma_wait3A_302 = tpu.memref_slice %arg2[%add3A_213, %dma_wait3A_300, %dma_wait3A_301] : memref<64x768x576xf32, #tpu.memory_space<hbm>> -> memref<1x64x576xf32, #tpu.memory_space<hbm>>
    %dma_wait3A_303 = tpu.memref_squeeze %dma_wait3A_302 : memref<1x64x576xf32, #tpu.memory_space<hbm>> -> memref<64x576xf32, #tpu.memory_space<hbm>>
    %dma_wait3A_304 = arith.constant 448 : i32
    %dma_wait3A_305 = arith.constant 0 : i32
    %dma_wait3A_306 = tpu.memref_slice %arg2[%add3A_213, %dma_wait3A_304, %dma_wait3A_305] : memref<64x768x576xf32, #tpu.memory_space<hbm>> -> memref<1x64x576xf32, #tpu.memory_space<hbm>>
    %dma_wait3A_307 = tpu.memref_squeeze %dma_wait3A_306 : memref<1x64x576xf32, #tpu.memory_space<hbm>> -> memref<64x576xf32, #tpu.memory_space<hbm>>
    tpu.wait_dma2 semaphore(%arg9 : memref<!tpu.dma_semaphore, #tpu.memory_space<semaphore_mem>>) src(%dma_wait3A_307 : memref<64x576xf32, #tpu.memory_space<hbm>>) dst(%arg6 : memref<64x576xf32, #tpu.memory_space<vmem>>)
    %add3A_308 = arith.constant 0 : i32
    %add3A_309 = arith.addi %mul3A_2, %add3A_308 : i32
    %add3A_310 = arith.constant 0 : i32
    %add3A_311 = arith.addi %mul3A_2, %add3A_310 : i32
    %dma_start3A_312 = arith.constant 448 : i32
    %dma_start3A_313 = arith.constant 0 : i32
    %dma_start3A_314 = tpu.memref_slice %arg4[%add3A_311, %dma_start3A_312, %dma_start3A_313] : memref<64x768x576xf32, #tpu.memory_space<hbm>> -> memref<1x64x576xf32, #tpu.memory_space<hbm>>
    %dma_start3A_315 = tpu.memref_squeeze %dma_start3A_314 : memref<1x64x576xf32, #tpu.memory_space<hbm>> -> memref<64x576xf32, #tpu.memory_space<hbm>>
    %dma_start3A_316 = arith.constant 448 : i32
    %dma_start3A_317 = arith.constant 0 : i32
    %dma_start3A_318 = tpu.memref_slice %arg4[%add3A_311, %dma_start3A_316, %dma_start3A_317] : memref<64x768x576xf32, #tpu.memory_space<hbm>> -> memref<1x64x576xf32, #tpu.memory_space<hbm>>
    %dma_start3A_319 = tpu.memref_squeeze %dma_start3A_318 : memref<1x64x576xf32, #tpu.memory_space<hbm>> -> memref<64x576xf32, #tpu.memory_space<hbm>>
    tpu.enqueue_dma source(%arg6 : memref<64x576xf32, #tpu.memory_space<vmem>>) target(%dma_start3A_319 : memref<64x576xf32, #tpu.memory_space<hbm>>) target_semaphore(%arg12 : memref<!tpu.dma_semaphore, #tpu.memory_space<semaphore_mem>>)
    %dma_wait3A_320 = arith.constant 448 : i32
    %dma_wait3A_321 = arith.constant 0 : i32
    %dma_wait3A_322 = tpu.memref_slice %arg4[%add3A_311, %dma_wait3A_320, %dma_wait3A_321] : memref<64x768x576xf32, #tpu.memory_space<hbm>> -> memref<1x64x576xf32, #tpu.memory_space<hbm>>
    %dma_wait3A_323 = tpu.memref_squeeze %dma_wait3A_322 : memref<1x64x576xf32, #tpu.memory_space<hbm>> -> memref<64x576xf32, #tpu.memory_space<hbm>>
    %dma_wait3A_324 = arith.constant 448 : i32
    %dma_wait3A_325 = arith.constant 0 : i32
    %dma_wait3A_326 = tpu.memref_slice %arg4[%add3A_311, %dma_wait3A_324, %dma_wait3A_325] : memref<64x768x576xf32, #tpu.memory_space<hbm>> -> memref<1x64x576xf32, #tpu.memory_space<hbm>>
    %dma_wait3A_327 = tpu.memref_squeeze %dma_wait3A_326 : memref<1x64x576xf32, #tpu.memory_space<hbm>> -> memref<64x576xf32, #tpu.memory_space<hbm>>
    tpu.wait_dma2 semaphore(%arg12 : memref<!tpu.dma_semaphore, #tpu.memory_space<semaphore_mem>>) src(%arg6 : memref<64x576xf32, #tpu.memory_space<vmem>>) dst(%dma_wait3A_327 : memref<64x576xf32, #tpu.memory_space<hbm>>)
    %add3A_328 = arith.constant 0 : i32
    %add3A_329 = arith.addi %mul3A_2, %add3A_328 : i32
    %dma_start3A_330 = arith.constant 640 : i32
    %dma_start3A_331 = arith.constant 0 : i32
    %dma_start3A_332 = tpu.memref_slice %arg2[%add3A_329, %dma_start3A_330, %dma_start3A_331] : memref<64x768x576xf32, #tpu.memory_space<hbm>> -> memref<1x64x576xf32, #tpu.memory_space<hbm>>
    %dma_start3A_333 = tpu.memref_squeeze %dma_start3A_332 : memref<1x64x576xf32, #tpu.memory_space<hbm>> -> memref<64x576xf32, #tpu.memory_space<hbm>>
    %dma_start3A_334 = arith.constant 640 : i32
    %dma_start3A_335 = arith.constant 0 : i32
    %dma_start3A_336 = tpu.memref_slice %arg2[%add3A_329, %dma_start3A_334, %dma_start3A_335] : memref<64x768x576xf32, #tpu.memory_space<hbm>> -> memref<1x64x576xf32, #tpu.memory_space<hbm>>
    %dma_start3A_337 = tpu.memref_squeeze %dma_start3A_336 : memref<1x64x576xf32, #tpu.memory_space<hbm>> -> memref<64x576xf32, #tpu.memory_space<hbm>>
    tpu.enqueue_dma source(%dma_start3A_337 : memref<64x576xf32, #tpu.memory_space<hbm>>) target(%arg6 : memref<64x576xf32, #tpu.memory_space<vmem>>) target_semaphore(%arg9 : memref<!tpu.dma_semaphore, #tpu.memory_space<semaphore_mem>>)
    %dma_wait3A_338 = arith.constant 512 : i32
    %dma_wait3A_339 = arith.constant 0 : i32
    %dma_wait3A_340 = tpu.memref_slice %arg2[%add3A_251, %dma_wait3A_338, %dma_wait3A_339] : memref<64x768x576xf32, #tpu.memory_space<hbm>> -> memref<1x64x576xf32, #tpu.memory_space<hbm>>
    %dma_wait3A_341 = tpu.memref_squeeze %dma_wait3A_340 : memref<1x64x576xf32, #tpu.memory_space<hbm>> -> memref<64x576xf32, #tpu.memory_space<hbm>>
    %dma_wait3A_342 = arith.constant 512 : i32
    %dma_wait3A_343 = arith.constant 0 : i32
    %dma_wait3A_344 = tpu.memref_slice %arg2[%add3A_251, %dma_wait3A_342, %dma_wait3A_343] : memref<64x768x576xf32, #tpu.memory_space<hbm>> -> memref<1x64x576xf32, #tpu.memory_space<hbm>>
    %dma_wait3A_345 = tpu.memref_squeeze %dma_wait3A_344 : memref<1x64x576xf32, #tpu.memory_space<hbm>> -> memref<64x576xf32, #tpu.memory_space<hbm>>
    tpu.wait_dma2 semaphore(%arg10 : memref<!tpu.dma_semaphore, #tpu.memory_space<semaphore_mem>>) src(%dma_wait3A_345 : memref<64x576xf32, #tpu.memory_space<hbm>>) dst(%arg7 : memref<64x576xf32, #tpu.memory_space<vmem>>)
    %add3A_346 = arith.constant 0 : i32
    %add3A_347 = arith.addi %mul3A_2, %add3A_346 : i32
    %add3A_348 = arith.constant 0 : i32
    %add3A_349 = arith.addi %mul3A_2, %add3A_348 : i32
    %dma_start3A_350 = arith.constant 512 : i32
    %dma_start3A_351 = arith.constant 0 : i32
    %dma_start3A_352 = tpu.memref_slice %arg4[%add3A_349, %dma_start3A_350, %dma_start3A_351] : memref<64x768x576xf32, #tpu.memory_space<hbm>> -> memref<1x64x576xf32, #tpu.memory_space<hbm>>
    %dma_start3A_353 = tpu.memref_squeeze %dma_start3A_352 : memref<1x64x576xf32, #tpu.memory_space<hbm>> -> memref<64x576xf32, #tpu.memory_space<hbm>>
    %dma_start3A_354 = arith.constant 512 : i32
    %dma_start3A_355 = arith.constant 0 : i32
    %dma_start3A_356 = tpu.memref_slice %arg4[%add3A_349, %dma_start3A_354, %dma_start3A_355] : memref<64x768x576xf32, #tpu.memory_space<hbm>> -> memref<1x64x576xf32, #tpu.memory_space<hbm>>
    %dma_start3A_357 = tpu.memref_squeeze %dma_start3A_356 : memref<1x64x576xf32, #tpu.memory_space<hbm>> -> memref<64x576xf32, #tpu.memory_space<hbm>>
    tpu.enqueue_dma source(%arg7 : memref<64x576xf32, #tpu.memory_space<vmem>>) target(%dma_start3A_357 : memref<64x576xf32, #tpu.memory_space<hbm>>) target_semaphore(%arg13 : memref<!tpu.dma_semaphore, #tpu.memory_space<semaphore_mem>>)
    %dma_wait3A_358 = arith.constant 512 : i32
    %dma_wait3A_359 = arith.constant 0 : i32
    %dma_wait3A_360 = tpu.memref_slice %arg4[%add3A_349, %dma_wait3A_358, %dma_wait3A_359] : memref<64x768x576xf32, #tpu.memory_space<hbm>> -> memref<1x64x576xf32, #tpu.memory_space<hbm>>
    %dma_wait3A_361 = tpu.memref_squeeze %dma_wait3A_360 : memref<1x64x576xf32, #tpu.memory_space<hbm>> -> memref<64x576xf32, #tpu.memory_space<hbm>>
    %dma_wait3A_362 = arith.constant 512 : i32
    %dma_wait3A_363 = arith.constant 0 : i32
    %dma_wait3A_364 = tpu.memref_slice %arg4[%add3A_349, %dma_wait3A_362, %dma_wait3A_363] : memref<64x768x576xf32, #tpu.memory_space<hbm>> -> memref<1x64x576xf32, #tpu.memory_space<hbm>>
    %dma_wait3A_365 = tpu.memref_squeeze %dma_wait3A_364 : memref<1x64x576xf32, #tpu.memory_space<hbm>> -> memref<64x576xf32, #tpu.memory_space<hbm>>
    tpu.wait_dma2 semaphore(%arg13 : memref<!tpu.dma_semaphore, #tpu.memory_space<semaphore_mem>>) src(%arg7 : memref<64x576xf32, #tpu.memory_space<vmem>>) dst(%dma_wait3A_365 : memref<64x576xf32, #tpu.memory_space<hbm>>)
    %add3A_366 = arith.constant 0 : i32
    %add3A_367 = arith.addi %mul3A_2, %add3A_366 : i32
    %dma_start3A_368 = arith.constant 704 : i32
    %dma_start3A_369 = arith.constant 0 : i32
    %dma_start3A_370 = tpu.memref_slice %arg2[%add3A_367, %dma_start3A_368, %dma_start3A_369] : memref<64x768x576xf32, #tpu.memory_space<hbm>> -> memref<1x64x576xf32, #tpu.memory_space<hbm>>
    %dma_start3A_371 = tpu.memref_squeeze %dma_start3A_370 : memref<1x64x576xf32, #tpu.memory_space<hbm>> -> memref<64x576xf32, #tpu.memory_space<hbm>>
    %dma_start3A_372 = arith.constant 704 : i32
    %dma_start3A_373 = arith.constant 0 : i32
    %dma_start3A_374 = tpu.memref_slice %arg2[%add3A_367, %dma_start3A_372, %dma_start3A_373] : memref<64x768x576xf32, #tpu.memory_space<hbm>> -> memref<1x64x576xf32, #tpu.memory_space<hbm>>
    %dma_start3A_375 = tpu.memref_squeeze %dma_start3A_374 : memref<1x64x576xf32, #tpu.memory_space<hbm>> -> memref<64x576xf32, #tpu.memory_space<hbm>>
    tpu.enqueue_dma source(%dma_start3A_375 : memref<64x576xf32, #tpu.memory_space<hbm>>) target(%arg7 : memref<64x576xf32, #tpu.memory_space<vmem>>) target_semaphore(%arg10 : memref<!tpu.dma_semaphore, #tpu.memory_space<semaphore_mem>>)
    %dma_wait3A_376 = arith.constant 576 : i32
    %dma_wait3A_377 = arith.constant 0 : i32
    %dma_wait3A_378 = tpu.memref_slice %arg2[%add3A_291, %dma_wait3A_376, %dma_wait3A_377] : memref<64x768x576xf32, #tpu.memory_space<hbm>> -> memref<1x64x576xf32, #tpu.memory_space<hbm>>
    %dma_wait3A_379 = tpu.memref_squeeze %dma_wait3A_378 : memref<1x64x576xf32, #tpu.memory_space<hbm>> -> memref<64x576xf32, #tpu.memory_space<hbm>>
    %dma_wait3A_380 = arith.constant 576 : i32
    %dma_wait3A_381 = arith.constant 0 : i32
    %dma_wait3A_382 = tpu.memref_slice %arg2[%add3A_291, %dma_wait3A_380, %dma_wait3A_381] : memref<64x768x576xf32, #tpu.memory_space<hbm>> -> memref<1x64x576xf32, #tpu.memory_space<hbm>>
    %dma_wait3A_383 = tpu.memref_squeeze %dma_wait3A_382 : memref<1x64x576xf32, #tpu.memory_space<hbm>> -> memref<64x576xf32, #tpu.memory_space<hbm>>
    tpu.wait_dma2 semaphore(%arg8 : memref<!tpu.dma_semaphore, #tpu.memory_space<semaphore_mem>>) src(%dma_wait3A_383 : memref<64x576xf32, #tpu.memory_space<hbm>>) dst(%arg5 : memref<64x576xf32, #tpu.memory_space<vmem>>)
    %add3A_384 = arith.constant 0 : i32
    %add3A_385 = arith.addi %mul3A_2, %add3A_384 : i32
    %add3A_386 = arith.constant 0 : i32
    %add3A_387 = arith.addi %mul3A_2, %add3A_386 : i32
    %dma_start3A_388 = arith.constant 576 : i32
    %dma_start3A_389 = arith.constant 0 : i32
    %dma_start3A_390 = tpu.memref_slice %arg4[%add3A_387, %dma_start3A_388, %dma_start3A_389] : memref<64x768x576xf32, #tpu.memory_space<hbm>> -> memref<1x64x576xf32, #tpu.memory_space<hbm>>
    %dma_start3A_391 = tpu.memref_squeeze %dma_start3A_390 : memref<1x64x576xf32, #tpu.memory_space<hbm>> -> memref<64x576xf32, #tpu.memory_space<hbm>>
    %dma_start3A_392 = arith.constant 576 : i32
    %dma_start3A_393 = arith.constant 0 : i32
    %dma_start3A_394 = tpu.memref_slice %arg4[%add3A_387, %dma_start3A_392, %dma_start3A_393] : memref<64x768x576xf32, #tpu.memory_space<hbm>> -> memref<1x64x576xf32, #tpu.memory_space<hbm>>
    %dma_start3A_395 = tpu.memref_squeeze %dma_start3A_394 : memref<1x64x576xf32, #tpu.memory_space<hbm>> -> memref<64x576xf32, #tpu.memory_space<hbm>>
    tpu.enqueue_dma source(%arg5 : memref<64x576xf32, #tpu.memory_space<vmem>>) target(%dma_start3A_395 : memref<64x576xf32, #tpu.memory_space<hbm>>) target_semaphore(%arg11 : memref<!tpu.dma_semaphore, #tpu.memory_space<semaphore_mem>>)
    %dma_wait3A_396 = arith.constant 576 : i32
    %dma_wait3A_397 = arith.constant 0 : i32
    %dma_wait3A_398 = tpu.memref_slice %arg4[%add3A_387, %dma_wait3A_396, %dma_wait3A_397] : memref<64x768x576xf32, #tpu.memory_space<hbm>> -> memref<1x64x576xf32, #tpu.memory_space<hbm>>
    %dma_wait3A_399 = tpu.memref_squeeze %dma_wait3A_398 : memref<1x64x576xf32, #tpu.memory_space<hbm>> -> memref<64x576xf32, #tpu.memory_space<hbm>>
    %dma_wait3A_400 = arith.constant 576 : i32
    %dma_wait3A_401 = arith.constant 0 : i32
    %dma_wait3A_402 = tpu.memref_slice %arg4[%add3A_387, %dma_wait3A_400, %dma_wait3A_401] : memref<64x768x576xf32, #tpu.memory_space<hbm>> -> memref<1x64x576xf32, #tpu.memory_space<hbm>>
    %dma_wait3A_403 = tpu.memref_squeeze %dma_wait3A_402 : memref<1x64x576xf32, #tpu.memory_space<hbm>> -> memref<64x576xf32, #tpu.memory_space<hbm>>
    tpu.wait_dma2 semaphore(%arg11 : memref<!tpu.dma_semaphore, #tpu.memory_space<semaphore_mem>>) src(%arg5 : memref<64x576xf32, #tpu.memory_space<vmem>>) dst(%dma_wait3A_403 : memref<64x576xf32, #tpu.memory_space<hbm>>)
    %add3A_404 = arith.constant 1 : i32
    %add3A_405 = arith.addi %mul3A_2, %add3A_404 : i32
    %dma_start3A_406 = arith.constant 0 : i32
    %dma_start3A_407 = arith.constant 0 : i32
    %dma_start3A_408 = tpu.memref_slice %arg2[%add3A_405, %dma_start3A_406, %dma_start3A_407] : memref<64x768x576xf32, #tpu.memory_space<hbm>> -> memref<1x64x576xf32, #tpu.memory_space<hbm>>
    %dma_start3A_409 = tpu.memref_squeeze %dma_start3A_408 : memref<1x64x576xf32, #tpu.memory_space<hbm>> -> memref<64x576xf32, #tpu.memory_space<hbm>>
    %dma_start3A_410 = arith.constant 0 : i32
    %dma_start3A_411 = arith.constant 0 : i32
    %dma_start3A_412 = tpu.memref_slice %arg2[%add3A_405, %dma_start3A_410, %dma_start3A_411] : memref<64x768x576xf32, #tpu.memory_space<hbm>> -> memref<1x64x576xf32, #tpu.memory_space<hbm>>
    %dma_start3A_413 = tpu.memref_squeeze %dma_start3A_412 : memref<1x64x576xf32, #tpu.memory_space<hbm>> -> memref<64x576xf32, #tpu.memory_space<hbm>>
    tpu.enqueue_dma source(%dma_start3A_413 : memref<64x576xf32, #tpu.memory_space<hbm>>) target(%arg5 : memref<64x576xf32, #tpu.memory_space<vmem>>) target_semaphore(%arg8 : memref<!tpu.dma_semaphore, #tpu.memory_space<semaphore_mem>>)
    %dma_wait3A_414 = arith.constant 640 : i32
    %dma_wait3A_415 = arith.constant 0 : i32
    %dma_wait3A_416 = tpu.memref_slice %arg2[%add3A_329, %dma_wait3A_414, %dma_wait3A_415] : memref<64x768x576xf32, #tpu.memory_space<hbm>> -> memref<1x64x576xf32, #tpu.memory_space<hbm>>
    %dma_wait3A_417 = tpu.memref_squeeze %dma_wait3A_416 : memref<1x64x576xf32, #tpu.memory_space<hbm>> -> memref<64x576xf32, #tpu.memory_space<hbm>>
    %dma_wait3A_418 = arith.constant 640 : i32
    %dma_wait3A_419 = arith.constant 0 : i32
    %dma_wait3A_420 = tpu.memref_slice %arg2[%add3A_329, %dma_wait3A_418, %dma_wait3A_419] : memref<64x768x576xf32, #tpu.memory_space<hbm>> -> memref<1x64x576xf32, #tpu.memory_space<hbm>>
    %dma_wait3A_421 = tpu.memref_squeeze %dma_wait3A_420 : memref<1x64x576xf32, #tpu.memory_space<hbm>> -> memref<64x576xf32, #tpu.memory_space<hbm>>
    tpu.wait_dma2 semaphore(%arg9 : memref<!tpu.dma_semaphore, #tpu.memory_space<semaphore_mem>>) src(%dma_wait3A_421 : memref<64x576xf32, #tpu.memory_space<hbm>>) dst(%arg6 : memref<64x576xf32, #tpu.memory_space<vmem>>)
    %add3A_422 = arith.constant 0 : i32
    %add3A_423 = arith.addi %mul3A_2, %add3A_422 : i32
    %add3A_424 = arith.constant 0 : i32
    %add3A_425 = arith.addi %mul3A_2, %add3A_424 : i32
    %dma_start3A_426 = arith.constant 640 : i32
    %dma_start3A_427 = arith.constant 0 : i32
    %dma_start3A_428 = tpu.memref_slice %arg4[%add3A_425, %dma_start3A_426, %dma_start3A_427] : memref<64x768x576xf32, #tpu.memory_space<hbm>> -> memref<1x64x576xf32, #tpu.memory_space<hbm>>
    %dma_start3A_429 = tpu.memref_squeeze %dma_start3A_428 : memref<1x64x576xf32, #tpu.memory_space<hbm>> -> memref<64x576xf32, #tpu.memory_space<hbm>>
    %dma_start3A_430 = arith.constant 640 : i32
    %dma_start3A_431 = arith.constant 0 : i32
    %dma_start3A_432 = tpu.memref_slice %arg4[%add3A_425, %dma_start3A_430, %dma_start3A_431] : memref<64x768x576xf32, #tpu.memory_space<hbm>> -> memref<1x64x576xf32, #tpu.memory_space<hbm>>
    %dma_start3A_433 = tpu.memref_squeeze %dma_start3A_432 : memref<1x64x576xf32, #tpu.memory_space<hbm>> -> memref<64x576xf32, #tpu.memory_space<hbm>>
    tpu.enqueue_dma source(%arg6 : memref<64x576xf32, #tpu.memory_space<vmem>>) target(%dma_start3A_433 : memref<64x576xf32, #tpu.memory_space<hbm>>) target_semaphore(%arg12 : memref<!tpu.dma_semaphore, #tpu.memory_space<semaphore_mem>>)
    %dma_wait3A_434 = arith.constant 640 : i32
    %dma_wait3A_435 = arith.constant 0 : i32
    %dma_wait3A_436 = tpu.memref_slice %arg4[%add3A_425, %dma_wait3A_434, %dma_wait3A_435] : memref<64x768x576xf32, #tpu.memory_space<hbm>> -> memref<1x64x576xf32, #tpu.memory_space<hbm>>
    %dma_wait3A_437 = tpu.memref_squeeze %dma_wait3A_436 : memref<1x64x576xf32, #tpu.memory_space<hbm>> -> memref<64x576xf32, #tpu.memory_space<hbm>>
    %dma_wait3A_438 = arith.constant 640 : i32
    %dma_wait3A_439 = arith.constant 0 : i32
    %dma_wait3A_440 = tpu.memref_slice %arg4[%add3A_425, %dma_wait3A_438, %dma_wait3A_439] : memref<64x768x576xf32, #tpu.memory_space<hbm>> -> memref<1x64x576xf32, #tpu.memory_space<hbm>>
    %dma_wait3A_441 = tpu.memref_squeeze %dma_wait3A_440 : memref<1x64x576xf32, #tpu.memory_space<hbm>> -> memref<64x576xf32, #tpu.memory_space<hbm>>
    tpu.wait_dma2 semaphore(%arg12 : memref<!tpu.dma_semaphore, #tpu.memory_space<semaphore_mem>>) src(%arg6 : memref<64x576xf32, #tpu.memory_space<vmem>>) dst(%dma_wait3A_441 : memref<64x576xf32, #tpu.memory_space<hbm>>)
    %add3A_442 = arith.constant 1 : i32
    %add3A_443 = arith.addi %mul3A_2, %add3A_442 : i32
    %dma_start3A_444 = arith.constant 64 : i32
    %dma_start3A_445 = arith.constant 0 : i32
    %dma_start3A_446 = tpu.memref_slice %arg2[%add3A_443, %dma_start3A_444, %dma_start3A_445] : memref<64x768x576xf32, #tpu.memory_space<hbm>> -> memref<1x64x576xf32, #tpu.memory_space<hbm>>
    %dma_start3A_447 = tpu.memref_squeeze %dma_start3A_446 : memref<1x64x576xf32, #tpu.memory_space<hbm>> -> memref<64x576xf32, #tpu.memory_space<hbm>>
    %dma_start3A_448 = arith.constant 64 : i32
    %dma_start3A_449 = arith.constant 0 : i32
    %dma_start3A_450 = tpu.memref_slice %arg2[%add3A_443, %dma_start3A_448, %dma_start3A_449] : memref<64x768x576xf32, #tpu.memory_space<hbm>> -> memref<1x64x576xf32, #tpu.memory_space<hbm>>
    %dma_start3A_451 = tpu.memref_squeeze %dma_start3A_450 : memref<1x64x576xf32, #tpu.memory_space<hbm>> -> memref<64x576xf32, #tpu.memory_space<hbm>>
    tpu.enqueue_dma source(%dma_start3A_451 : memref<64x576xf32, #tpu.memory_space<hbm>>) target(%arg6 : memref<64x576xf32, #tpu.memory_space<vmem>>) target_semaphore(%arg9 : memref<!tpu.dma_semaphore, #tpu.memory_space<semaphore_mem>>)
    %dma_wait3A_452 = arith.constant 704 : i32
    %dma_wait3A_453 = arith.constant 0 : i32
    %dma_wait3A_454 = tpu.memref_slice %arg2[%add3A_367, %dma_wait3A_452, %dma_wait3A_453] : memref<64x768x576xf32, #tpu.memory_space<hbm>> -> memref<1x64x576xf32, #tpu.memory_space<hbm>>
    %dma_wait3A_455 = tpu.memref_squeeze %dma_wait3A_454 : memref<1x64x576xf32, #tpu.memory_space<hbm>> -> memref<64x576xf32, #tpu.memory_space<hbm>>
    %dma_wait3A_456 = arith.constant 704 : i32
    %dma_wait3A_457 = arith.constant 0 : i32
    %dma_wait3A_458 = tpu.memref_slice %arg2[%add3A_367, %dma_wait3A_456, %dma_wait3A_457] : memref<64x768x576xf32, #tpu.memory_space<hbm>> -> memref<1x64x576xf32, #tpu.memory_space<hbm>>
    %dma_wait3A_459 = tpu.memref_squeeze %dma_wait3A_458 : memref<1x64x576xf32, #tpu.memory_space<hbm>> -> memref<64x576xf32, #tpu.memory_space<hbm>>
    tpu.wait_dma2 semaphore(%arg10 : memref<!tpu.dma_semaphore, #tpu.memory_space<semaphore_mem>>) src(%dma_wait3A_459 : memref<64x576xf32, #tpu.memory_space<hbm>>) dst(%arg7 : memref<64x576xf32, #tpu.memory_space<vmem>>)
    %add3A_460 = arith.constant 0 : i32
    %add3A_461 = arith.addi %mul3A_2, %add3A_460 : i32
    %add3A_462 = arith.constant 0 : i32
    %add3A_463 = arith.addi %mul3A_2, %add3A_462 : i32
    %dma_start3A_464 = arith.constant 704 : i32
    %dma_start3A_465 = arith.constant 0 : i32
    %dma_start3A_466 = tpu.memref_slice %arg4[%add3A_463, %dma_start3A_464, %dma_start3A_465] : memref<64x768x576xf32, #tpu.memory_space<hbm>> -> memref<1x64x576xf32, #tpu.memory_space<hbm>>
    %dma_start3A_467 = tpu.memref_squeeze %dma_start3A_466 : memref<1x64x576xf32, #tpu.memory_space<hbm>> -> memref<64x576xf32, #tpu.memory_space<hbm>>
    %dma_start3A_468 = arith.constant 704 : i32
    %dma_start3A_469 = arith.constant 0 : i32
    %dma_start3A_470 = tpu.memref_slice %arg4[%add3A_463, %dma_start3A_468, %dma_start3A_469] : memref<64x768x576xf32, #tpu.memory_space<hbm>> -> memref<1x64x576xf32, #tpu.memory_space<hbm>>
    %dma_start3A_471 = tpu.memref_squeeze %dma_start3A_470 : memref<1x64x576xf32, #tpu.memory_space<hbm>> -> memref<64x576xf32, #tpu.memory_space<hbm>>
    tpu.enqueue_dma source(%arg7 : memref<64x576xf32, #tpu.memory_space<vmem>>) target(%dma_start3A_471 : memref<64x576xf32, #tpu.memory_space<hbm>>) target_semaphore(%arg13 : memref<!tpu.dma_semaphore, #tpu.memory_space<semaphore_mem>>)
    %dma_wait3A_472 = arith.constant 704 : i32
    %dma_wait3A_473 = arith.constant 0 : i32
    %dma_wait3A_474 = tpu.memref_slice %arg4[%add3A_463, %dma_wait3A_472, %dma_wait3A_473] : memref<64x768x576xf32, #tpu.memory_space<hbm>> -> memref<1x64x576xf32, #tpu.memory_space<hbm>>
    %dma_wait3A_475 = tpu.memref_squeeze %dma_wait3A_474 : memref<1x64x576xf32, #tpu.memory_space<hbm>> -> memref<64x576xf32, #tpu.memory_space<hbm>>
    %dma_wait3A_476 = arith.constant 704 : i32
    %dma_wait3A_477 = arith.constant 0 : i32
    %dma_wait3A_478 = tpu.memref_slice %arg4[%add3A_463, %dma_wait3A_476, %dma_wait3A_477] : memref<64x768x576xf32, #tpu.memory_space<hbm>> -> memref<1x64x576xf32, #tpu.memory_space<hbm>>
    %dma_wait3A_479 = tpu.memref_squeeze %dma_wait3A_478 : memref<1x64x576xf32, #tpu.memory_space<hbm>> -> memref<64x576xf32, #tpu.memory_space<hbm>>
    tpu.wait_dma2 semaphore(%arg13 : memref<!tpu.dma_semaphore, #tpu.memory_space<semaphore_mem>>) src(%arg7 : memref<64x576xf32, #tpu.memory_space<vmem>>) dst(%dma_wait3A_479 : memref<64x576xf32, #tpu.memory_space<hbm>>)
    %add3A_480 = arith.constant 1 : i32
    %add3A_481 = arith.addi %mul3A_2, %add3A_480 : i32
    %dma_start3A_482 = arith.constant 128 : i32
    %dma_start3A_483 = arith.constant 0 : i32
    %dma_start3A_484 = tpu.memref_slice %arg2[%add3A_481, %dma_start3A_482, %dma_start3A_483] : memref<64x768x576xf32, #tpu.memory_space<hbm>> -> memref<1x64x576xf32, #tpu.memory_space<hbm>>
    %dma_start3A_485 = tpu.memref_squeeze %dma_start3A_484 : memref<1x64x576xf32, #tpu.memory_space<hbm>> -> memref<64x576xf32, #tpu.memory_space<hbm>>
    %dma_start3A_486 = arith.constant 128 : i32
    %dma_start3A_487 = arith.constant 0 : i32
    %dma_start3A_488 = tpu.memref_slice %arg2[%add3A_481, %dma_start3A_486, %dma_start3A_487] : memref<64x768x576xf32, #tpu.memory_space<hbm>> -> memref<1x64x576xf32, #tpu.memory_space<hbm>>
    %dma_start3A_489 = tpu.memref_squeeze %dma_start3A_488 : memref<1x64x576xf32, #tpu.memory_space<hbm>> -> memref<64x576xf32, #tpu.memory_space<hbm>>
    tpu.enqueue_dma source(%dma_start3A_489 : memref<64x576xf32, #tpu.memory_space<hbm>>) target(%arg7 : memref<64x576xf32, #tpu.memory_space<vmem>>) target_semaphore(%arg10 : memref<!tpu.dma_semaphore, #tpu.memory_space<semaphore_mem>>)
    %dma_wait3A_490 = arith.constant 0 : i32
    %dma_wait3A_491 = arith.constant 0 : i32
    %dma_wait3A_492 = tpu.memref_slice %arg2[%add3A_405, %dma_wait3A_490, %dma_wait3A_491] : memref<64x768x576xf32, #tpu.memory_space<hbm>> -> memref<1x64x576xf32, #tpu.memory_space<hbm>>
    %dma_wait3A_493 = tpu.memref_squeeze %dma_wait3A_492 : memref<1x64x576xf32, #tpu.memory_space<hbm>> -> memref<64x576xf32, #tpu.memory_space<hbm>>
    %dma_wait3A_494 = arith.constant 0 : i32
    %dma_wait3A_495 = arith.constant 0 : i32
    %dma_wait3A_496 = tpu.memref_slice %arg2[%add3A_405, %dma_wait3A_494, %dma_wait3A_495] : memref<64x768x576xf32, #tpu.memory_space<hbm>> -> memref<1x64x576xf32, #tpu.memory_space<hbm>>
    %dma_wait3A_497 = tpu.memref_squeeze %dma_wait3A_496 : memref<1x64x576xf32, #tpu.memory_space<hbm>> -> memref<64x576xf32, #tpu.memory_space<hbm>>
    tpu.wait_dma2 semaphore(%arg8 : memref<!tpu.dma_semaphore, #tpu.memory_space<semaphore_mem>>) src(%dma_wait3A_497 : memref<64x576xf32, #tpu.memory_space<hbm>>) dst(%arg5 : memref<64x576xf32, #tpu.memory_space<vmem>>)
    %add3A_498 = arith.constant 1 : i32
    %add3A_499 = arith.addi %mul3A_2, %add3A_498 : i32
    %run_scoped3A_500 = arith.constant 0 : i32
    %run_scoped3A_501 = arith.constant 0 : i32
    "tpu.region"() ({
      %run_scoped3A_920 = tpu.sem_alloc : memref<!tpu.dma_semaphore, #tpu.memory_space<semaphore_mem>>
      %dma_start3A_921 = arith.constant 0 : i32
      %dma_start3A_922 = tpu.memref_slice %arg5[%run_scoped3A_501, %dma_start3A_921] : memref<64x576xf32, #tpu.memory_space<vmem>> -> memref<1x576xf32, #tpu.memory_space<vmem>>
      %dma_start3A_923 = tpu.memref_squeeze %dma_start3A_922 : memref<1x576xf32, #tpu.memory_space<vmem>> -> memref<576xf32, #tpu.memory_space<vmem>>
      %dma_start3A_924 = arith.constant 0 : i32
      %dma_start3A_925 = tpu.memref_slice %arg3[%run_scoped3A_500, %add3A_499, %dma_start3A_924] : memref<2x64x576xf32, #tpu.memory_space<hbm>> -> memref<1x1x576xf32, #tpu.memory_space<hbm>>
      %dma_start3A_926 = tpu.memref_squeeze %dma_start3A_925 : memref<1x1x576xf32, #tpu.memory_space<hbm>> -> memref<576xf32, #tpu.memory_space<hbm>>
      %dma_start3A_927 = arith.constant 0 : i32
      %dma_start3A_928 = tpu.memref_slice %arg5[%run_scoped3A_501, %dma_start3A_927] : memref<64x576xf32, #tpu.memory_space<vmem>> -> memref<1x576xf32, #tpu.memory_space<vmem>>
      %dma_start3A_929 = tpu.memref_squeeze %dma_start3A_928 : memref<1x576xf32, #tpu.memory_space<vmem>> -> memref<576xf32, #tpu.memory_space<vmem>>
      %dma_start3A_930 = arith.constant 0 : i32
      %dma_start3A_931 = tpu.memref_slice %arg3[%run_scoped3A_500, %add3A_499, %dma_start3A_930] : memref<2x64x576xf32, #tpu.memory_space<hbm>> -> memref<1x1x576xf32, #tpu.memory_space<hbm>>
      %dma_start3A_932 = tpu.memref_squeeze %dma_start3A_931 : memref<1x1x576xf32, #tpu.memory_space<hbm>> -> memref<576xf32, #tpu.memory_space<hbm>>
      tpu.enqueue_dma source(%dma_start3A_932 : memref<576xf32, #tpu.memory_space<hbm>>) target(%dma_start3A_929 : memref<576xf32, #tpu.memory_space<vmem>>) target_semaphore(%run_scoped3A_920 : memref<!tpu.dma_semaphore, #tpu.memory_space<semaphore_mem>>)
      %dma_wait3A_933 = arith.constant 0 : i32
      %dma_wait3A_934 = tpu.memref_slice %arg5[%run_scoped3A_501, %dma_wait3A_933] : memref<64x576xf32, #tpu.memory_space<vmem>> -> memref<1x576xf32, #tpu.memory_space<vmem>>
      %dma_wait3A_935 = tpu.memref_squeeze %dma_wait3A_934 : memref<1x576xf32, #tpu.memory_space<vmem>> -> memref<576xf32, #tpu.memory_space<vmem>>
      %dma_wait3A_936 = arith.constant 0 : i32
      %dma_wait3A_937 = tpu.memref_slice %arg3[%run_scoped3A_500, %add3A_499, %dma_wait3A_936] : memref<2x64x576xf32, #tpu.memory_space<hbm>> -> memref<1x1x576xf32, #tpu.memory_space<hbm>>
      %dma_wait3A_938 = tpu.memref_squeeze %dma_wait3A_937 : memref<1x1x576xf32, #tpu.memory_space<hbm>> -> memref<576xf32, #tpu.memory_space<hbm>>
      %dma_wait3A_939 = arith.constant 0 : i32
      %dma_wait3A_940 = tpu.memref_slice %arg5[%run_scoped3A_501, %dma_wait3A_939] : memref<64x576xf32, #tpu.memory_space<vmem>> -> memref<1x576xf32, #tpu.memory_space<vmem>>
      %dma_wait3A_941 = tpu.memref_squeeze %dma_wait3A_940 : memref<1x576xf32, #tpu.memory_space<vmem>> -> memref<576xf32, #tpu.memory_space<vmem>>
      %dma_wait3A_942 = arith.constant 0 : i32
      %dma_wait3A_943 = tpu.memref_slice %arg3[%run_scoped3A_500, %add3A_499, %dma_wait3A_942] : memref<2x64x576xf32, #tpu.memory_space<hbm>> -> memref<1x1x576xf32, #tpu.memory_space<hbm>>
      %dma_wait3A_944 = tpu.memref_squeeze %dma_wait3A_943 : memref<1x1x576xf32, #tpu.memory_space<hbm>> -> memref<576xf32, #tpu.memory_space<hbm>>
      tpu.wait_dma2 semaphore(%run_scoped3A_920 : memref<!tpu.dma_semaphore, #tpu.memory_space<semaphore_mem>>) src(%dma_wait3A_944 : memref<576xf32, #tpu.memory_space<hbm>>) dst(%dma_wait3A_941 : memref<576xf32, #tpu.memory_space<vmem>>)
      tpu.yield
    }) : () -> ()
    %add3A_502 = arith.constant 1 : i32
    %add3A_503 = arith.addi %mul3A_2, %add3A_502 : i32
    %dma_start3A_504 = arith.constant 0 : i32
    %dma_start3A_505 = arith.constant 0 : i32
    %dma_start3A_506 = tpu.memref_slice %arg4[%add3A_503, %dma_start3A_504, %dma_start3A_505] : memref<64x768x576xf32, #tpu.memory_space<hbm>> -> memref<1x64x576xf32, #tpu.memory_space<hbm>>
    %dma_start3A_507 = tpu.memref_squeeze %dma_start3A_506 : memref<1x64x576xf32, #tpu.memory_space<hbm>> -> memref<64x576xf32, #tpu.memory_space<hbm>>
    %dma_start3A_508 = arith.constant 0 : i32
    %dma_start3A_509 = arith.constant 0 : i32
    %dma_start3A_510 = tpu.memref_slice %arg4[%add3A_503, %dma_start3A_508, %dma_start3A_509] : memref<64x768x576xf32, #tpu.memory_space<hbm>> -> memref<1x64x576xf32, #tpu.memory_space<hbm>>
    %dma_start3A_511 = tpu.memref_squeeze %dma_start3A_510 : memref<1x64x576xf32, #tpu.memory_space<hbm>> -> memref<64x576xf32, #tpu.memory_space<hbm>>
    tpu.enqueue_dma source(%arg5 : memref<64x576xf32, #tpu.memory_space<vmem>>) target(%dma_start3A_511 : memref<64x576xf32, #tpu.memory_space<hbm>>) target_semaphore(%arg11 : memref<!tpu.dma_semaphore, #tpu.memory_space<semaphore_mem>>)
    %dma_wait3A_512 = arith.constant 0 : i32
    %dma_wait3A_513 = arith.constant 0 : i32
    %dma_wait3A_514 = tpu.memref_slice %arg4[%add3A_503, %dma_wait3A_512, %dma_wait3A_513] : memref<64x768x576xf32, #tpu.memory_space<hbm>> -> memref<1x64x576xf32, #tpu.memory_space<hbm>>
    %dma_wait3A_515 = tpu.memref_squeeze %dma_wait3A_514 : memref<1x64x576xf32, #tpu.memory_space<hbm>> -> memref<64x576xf32, #tpu.memory_space<hbm>>
    %dma_wait3A_516 = arith.constant 0 : i32
    %dma_wait3A_517 = arith.constant 0 : i32
    %dma_wait3A_518 = tpu.memref_slice %arg4[%add3A_503, %dma_wait3A_516, %dma_wait3A_517] : memref<64x768x576xf32, #tpu.memory_space<hbm>> -> memref<1x64x576xf32, #tpu.memory_space<hbm>>
    %dma_wait3A_519 = tpu.memref_squeeze %dma_wait3A_518 : memref<1x64x576xf32, #tpu.memory_space<hbm>> -> memref<64x576xf32, #tpu.memory_space<hbm>>
    tpu.wait_dma2 semaphore(%arg11 : memref<!tpu.dma_semaphore, #tpu.memory_space<semaphore_mem>>) src(%arg5 : memref<64x576xf32, #tpu.memory_space<vmem>>) dst(%dma_wait3A_519 : memref<64x576xf32, #tpu.memory_space<hbm>>)
    %add3A_520 = arith.constant 1 : i32
    %add3A_521 = arith.addi %mul3A_2, %add3A_520 : i32
    %dma_start3A_522 = arith.constant 192 : i32
    %dma_start3A_523 = arith.constant 0 : i32
    %dma_start3A_524 = tpu.memref_slice %arg2[%add3A_521, %dma_start3A_522, %dma_start3A_523] : memref<64x768x576xf32, #tpu.memory_space<hbm>> -> memref<1x64x576xf32, #tpu.memory_space<hbm>>
    %dma_start3A_525 = tpu.memref_squeeze %dma_start3A_524 : memref<1x64x576xf32, #tpu.memory_space<hbm>> -> memref<64x576xf32, #tpu.memory_space<hbm>>
    %dma_start3A_526 = arith.constant 192 : i32
    %dma_start3A_527 = arith.constant 0 : i32
    %dma_start3A_528 = tpu.memref_slice %arg2[%add3A_521, %dma_start3A_526, %dma_start3A_527] : memref<64x768x576xf32, #tpu.memory_space<hbm>> -> memref<1x64x576xf32, #tpu.memory_space<hbm>>
    %dma_start3A_529 = tpu.memref_squeeze %dma_start3A_528 : memref<1x64x576xf32, #tpu.memory_space<hbm>> -> memref<64x576xf32, #tpu.memory_space<hbm>>
    tpu.enqueue_dma source(%dma_start3A_529 : memref<64x576xf32, #tpu.memory_space<hbm>>) target(%arg5 : memref<64x576xf32, #tpu.memory_space<vmem>>) target_semaphore(%arg8 : memref<!tpu.dma_semaphore, #tpu.memory_space<semaphore_mem>>)
    %dma_wait3A_530 = arith.constant 64 : i32
    %dma_wait3A_531 = arith.constant 0 : i32
    %dma_wait3A_532 = tpu.memref_slice %arg2[%add3A_443, %dma_wait3A_530, %dma_wait3A_531] : memref<64x768x576xf32, #tpu.memory_space<hbm>> -> memref<1x64x576xf32, #tpu.memory_space<hbm>>
    %dma_wait3A_533 = tpu.memref_squeeze %dma_wait3A_532 : memref<1x64x576xf32, #tpu.memory_space<hbm>> -> memref<64x576xf32, #tpu.memory_space<hbm>>
    %dma_wait3A_534 = arith.constant 64 : i32
    %dma_wait3A_535 = arith.constant 0 : i32
    %dma_wait3A_536 = tpu.memref_slice %arg2[%add3A_443, %dma_wait3A_534, %dma_wait3A_535] : memref<64x768x576xf32, #tpu.memory_space<hbm>> -> memref<1x64x576xf32, #tpu.memory_space<hbm>>
    %dma_wait3A_537 = tpu.memref_squeeze %dma_wait3A_536 : memref<1x64x576xf32, #tpu.memory_space<hbm>> -> memref<64x576xf32, #tpu.memory_space<hbm>>
    tpu.wait_dma2 semaphore(%arg9 : memref<!tpu.dma_semaphore, #tpu.memory_space<semaphore_mem>>) src(%dma_wait3A_537 : memref<64x576xf32, #tpu.memory_space<hbm>>) dst(%arg6 : memref<64x576xf32, #tpu.memory_space<vmem>>)
    %add3A_538 = arith.constant 1 : i32
    %add3A_539 = arith.addi %mul3A_2, %add3A_538 : i32
    %add3A_540 = arith.constant 1 : i32
    %add3A_541 = arith.addi %mul3A_2, %add3A_540 : i32
    %dma_start3A_542 = arith.constant 64 : i32
    %dma_start3A_543 = arith.constant 0 : i32
    %dma_start3A_544 = tpu.memref_slice %arg4[%add3A_541, %dma_start3A_542, %dma_start3A_543] : memref<64x768x576xf32, #tpu.memory_space<hbm>> -> memref<1x64x576xf32, #tpu.memory_space<hbm>>
    %dma_start3A_545 = tpu.memref_squeeze %dma_start3A_544 : memref<1x64x576xf32, #tpu.memory_space<hbm>> -> memref<64x576xf32, #tpu.memory_space<hbm>>
    %dma_start3A_546 = arith.constant 64 : i32
    %dma_start3A_547 = arith.constant 0 : i32
    %dma_start3A_548 = tpu.memref_slice %arg4[%add3A_541, %dma_start3A_546, %dma_start3A_547] : memref<64x768x576xf32, #tpu.memory_space<hbm>> -> memref<1x64x576xf32, #tpu.memory_space<hbm>>
    %dma_start3A_549 = tpu.memref_squeeze %dma_start3A_548 : memref<1x64x576xf32, #tpu.memory_space<hbm>> -> memref<64x576xf32, #tpu.memory_space<hbm>>
    tpu.enqueue_dma source(%arg6 : memref<64x576xf32, #tpu.memory_space<vmem>>) target(%dma_start3A_549 : memref<64x576xf32, #tpu.memory_space<hbm>>) target_semaphore(%arg12 : memref<!tpu.dma_semaphore, #tpu.memory_space<semaphore_mem>>)
    %dma_wait3A_550 = arith.constant 64 : i32
    %dma_wait3A_551 = arith.constant 0 : i32
    %dma_wait3A_552 = tpu.memref_slice %arg4[%add3A_541, %dma_wait3A_550, %dma_wait3A_551] : memref<64x768x576xf32, #tpu.memory_space<hbm>> -> memref<1x64x576xf32, #tpu.memory_space<hbm>>
    %dma_wait3A_553 = tpu.memref_squeeze %dma_wait3A_552 : memref<1x64x576xf32, #tpu.memory_space<hbm>> -> memref<64x576xf32, #tpu.memory_space<hbm>>
    %dma_wait3A_554 = arith.constant 64 : i32
    %dma_wait3A_555 = arith.constant 0 : i32
    %dma_wait3A_556 = tpu.memref_slice %arg4[%add3A_541, %dma_wait3A_554, %dma_wait3A_555] : memref<64x768x576xf32, #tpu.memory_space<hbm>> -> memref<1x64x576xf32, #tpu.memory_space<hbm>>
    %dma_wait3A_557 = tpu.memref_squeeze %dma_wait3A_556 : memref<1x64x576xf32, #tpu.memory_space<hbm>> -> memref<64x576xf32, #tpu.memory_space<hbm>>
    tpu.wait_dma2 semaphore(%arg12 : memref<!tpu.dma_semaphore, #tpu.memory_space<semaphore_mem>>) src(%arg6 : memref<64x576xf32, #tpu.memory_space<vmem>>) dst(%dma_wait3A_557 : memref<64x576xf32, #tpu.memory_space<hbm>>)
    %add3A_558 = arith.constant 1 : i32
    %add3A_559 = arith.addi %mul3A_2, %add3A_558 : i32
    %dma_start3A_560 = arith.constant 256 : i32
    %dma_start3A_561 = arith.constant 0 : i32
    %dma_start3A_562 = tpu.memref_slice %arg2[%add3A_559, %dma_start3A_560, %dma_start3A_561] : memref<64x768x576xf32, #tpu.memory_space<hbm>> -> memref<1x64x576xf32, #tpu.memory_space<hbm>>
    %dma_start3A_563 = tpu.memref_squeeze %dma_start3A_562 : memref<1x64x576xf32, #tpu.memory_space<hbm>> -> memref<64x576xf32, #tpu.memory_space<hbm>>
    %dma_start3A_564 = arith.constant 256 : i32
    %dma_start3A_565 = arith.constant 0 : i32
    %dma_start3A_566 = tpu.memref_slice %arg2[%add3A_559, %dma_start3A_564, %dma_start3A_565] : memref<64x768x576xf32, #tpu.memory_space<hbm>> -> memref<1x64x576xf32, #tpu.memory_space<hbm>>
    %dma_start3A_567 = tpu.memref_squeeze %dma_start3A_566 : memref<1x64x576xf32, #tpu.memory_space<hbm>> -> memref<64x576xf32, #tpu.memory_space<hbm>>
    tpu.enqueue_dma source(%dma_start3A_567 : memref<64x576xf32, #tpu.memory_space<hbm>>) target(%arg6 : memref<64x576xf32, #tpu.memory_space<vmem>>) target_semaphore(%arg9 : memref<!tpu.dma_semaphore, #tpu.memory_space<semaphore_mem>>)
    %dma_wait3A_568 = arith.constant 128 : i32
    %dma_wait3A_569 = arith.constant 0 : i32
    %dma_wait3A_570 = tpu.memref_slice %arg2[%add3A_481, %dma_wait3A_568, %dma_wait3A_569] : memref<64x768x576xf32, #tpu.memory_space<hbm>> -> memref<1x64x576xf32, #tpu.memory_space<hbm>>
    %dma_wait3A_571 = tpu.memref_squeeze %dma_wait3A_570 : memref<1x64x576xf32, #tpu.memory_space<hbm>> -> memref<64x576xf32, #tpu.memory_space<hbm>>
    %dma_wait3A_572 = arith.constant 128 : i32
    %dma_wait3A_573 = arith.constant 0 : i32
    %dma_wait3A_574 = tpu.memref_slice %arg2[%add3A_481, %dma_wait3A_572, %dma_wait3A_573] : memref<64x768x576xf32, #tpu.memory_space<hbm>> -> memref<1x64x576xf32, #tpu.memory_space<hbm>>
    %dma_wait3A_575 = tpu.memref_squeeze %dma_wait3A_574 : memref<1x64x576xf32, #tpu.memory_space<hbm>> -> memref<64x576xf32, #tpu.memory_space<hbm>>
    tpu.wait_dma2 semaphore(%arg10 : memref<!tpu.dma_semaphore, #tpu.memory_space<semaphore_mem>>) src(%dma_wait3A_575 : memref<64x576xf32, #tpu.memory_space<hbm>>) dst(%arg7 : memref<64x576xf32, #tpu.memory_space<vmem>>)
    %add3A_576 = arith.constant 1 : i32
    %add3A_577 = arith.addi %mul3A_2, %add3A_576 : i32
    %add3A_578 = arith.constant 1 : i32
    %add3A_579 = arith.addi %mul3A_2, %add3A_578 : i32
    %dma_start3A_580 = arith.constant 128 : i32
    %dma_start3A_581 = arith.constant 0 : i32
    %dma_start3A_582 = tpu.memref_slice %arg4[%add3A_579, %dma_start3A_580, %dma_start3A_581] : memref<64x768x576xf32, #tpu.memory_space<hbm>> -> memref<1x64x576xf32, #tpu.memory_space<hbm>>
    %dma_start3A_583 = tpu.memref_squeeze %dma_start3A_582 : memref<1x64x576xf32, #tpu.memory_space<hbm>> -> memref<64x576xf32, #tpu.memory_space<hbm>>
    %dma_start3A_584 = arith.constant 128 : i32
    %dma_start3A_585 = arith.constant 0 : i32
    %dma_start3A_586 = tpu.memref_slice %arg4[%add3A_579, %dma_start3A_584, %dma_start3A_585] : memref<64x768x576xf32, #tpu.memory_space<hbm>> -> memref<1x64x576xf32, #tpu.memory_space<hbm>>
    %dma_start3A_587 = tpu.memref_squeeze %dma_start3A_586 : memref<1x64x576xf32, #tpu.memory_space<hbm>> -> memref<64x576xf32, #tpu.memory_space<hbm>>
    tpu.enqueue_dma source(%arg7 : memref<64x576xf32, #tpu.memory_space<vmem>>) target(%dma_start3A_587 : memref<64x576xf32, #tpu.memory_space<hbm>>) target_semaphore(%arg13 : memref<!tpu.dma_semaphore, #tpu.memory_space<semaphore_mem>>)
    %dma_wait3A_588 = arith.constant 128 : i32
    %dma_wait3A_589 = arith.constant 0 : i32
    %dma_wait3A_590 = tpu.memref_slice %arg4[%add3A_579, %dma_wait3A_588, %dma_wait3A_589] : memref<64x768x576xf32, #tpu.memory_space<hbm>> -> memref<1x64x576xf32, #tpu.memory_space<hbm>>
    %dma_wait3A_591 = tpu.memref_squeeze %dma_wait3A_590 : memref<1x64x576xf32, #tpu.memory_space<hbm>> -> memref<64x576xf32, #tpu.memory_space<hbm>>
    %dma_wait3A_592 = arith.constant 128 : i32
    %dma_wait3A_593 = arith.constant 0 : i32
    %dma_wait3A_594 = tpu.memref_slice %arg4[%add3A_579, %dma_wait3A_592, %dma_wait3A_593] : memref<64x768x576xf32, #tpu.memory_space<hbm>> -> memref<1x64x576xf32, #tpu.memory_space<hbm>>
    %dma_wait3A_595 = tpu.memref_squeeze %dma_wait3A_594 : memref<1x64x576xf32, #tpu.memory_space<hbm>> -> memref<64x576xf32, #tpu.memory_space<hbm>>
    tpu.wait_dma2 semaphore(%arg13 : memref<!tpu.dma_semaphore, #tpu.memory_space<semaphore_mem>>) src(%arg7 : memref<64x576xf32, #tpu.memory_space<vmem>>) dst(%dma_wait3A_595 : memref<64x576xf32, #tpu.memory_space<hbm>>)
    %add3A_596 = arith.constant 1 : i32
    %add3A_597 = arith.addi %mul3A_2, %add3A_596 : i32
    %dma_start3A_598 = arith.constant 320 : i32
    %dma_start3A_599 = arith.constant 0 : i32
    %dma_start3A_600 = tpu.memref_slice %arg2[%add3A_597, %dma_start3A_598, %dma_start3A_599] : memref<64x768x576xf32, #tpu.memory_space<hbm>> -> memref<1x64x576xf32, #tpu.memory_space<hbm>>
    %dma_start3A_601 = tpu.memref_squeeze %dma_start3A_600 : memref<1x64x576xf32, #tpu.memory_space<hbm>> -> memref<64x576xf32, #tpu.memory_space<hbm>>
    %dma_start3A_602 = arith.constant 320 : i32
    %dma_start3A_603 = arith.constant 0 : i32
    %dma_start3A_604 = tpu.memref_slice %arg2[%add3A_597, %dma_start3A_602, %dma_start3A_603] : memref<64x768x576xf32, #tpu.memory_space<hbm>> -> memref<1x64x576xf32, #tpu.memory_space<hbm>>
    %dma_start3A_605 = tpu.memref_squeeze %dma_start3A_604 : memref<1x64x576xf32, #tpu.memory_space<hbm>> -> memref<64x576xf32, #tpu.memory_space<hbm>>
    tpu.enqueue_dma source(%dma_start3A_605 : memref<64x576xf32, #tpu.memory_space<hbm>>) target(%arg7 : memref<64x576xf32, #tpu.memory_space<vmem>>) target_semaphore(%arg10 : memref<!tpu.dma_semaphore, #tpu.memory_space<semaphore_mem>>)
    %dma_wait3A_606 = arith.constant 192 : i32
    %dma_wait3A_607 = arith.constant 0 : i32
    %dma_wait3A_608 = tpu.memref_slice %arg2[%add3A_521, %dma_wait3A_606, %dma_wait3A_607] : memref<64x768x576xf32, #tpu.memory_space<hbm>> -> memref<1x64x576xf32, #tpu.memory_space<hbm>>
    %dma_wait3A_609 = tpu.memref_squeeze %dma_wait3A_608 : memref<1x64x576xf32, #tpu.memory_space<hbm>> -> memref<64x576xf32, #tpu.memory_space<hbm>>
    %dma_wait3A_610 = arith.constant 192 : i32
    %dma_wait3A_611 = arith.constant 0 : i32
    %dma_wait3A_612 = tpu.memref_slice %arg2[%add3A_521, %dma_wait3A_610, %dma_wait3A_611] : memref<64x768x576xf32, #tpu.memory_space<hbm>> -> memref<1x64x576xf32, #tpu.memory_space<hbm>>
    %dma_wait3A_613 = tpu.memref_squeeze %dma_wait3A_612 : memref<1x64x576xf32, #tpu.memory_space<hbm>> -> memref<64x576xf32, #tpu.memory_space<hbm>>
    tpu.wait_dma2 semaphore(%arg8 : memref<!tpu.dma_semaphore, #tpu.memory_space<semaphore_mem>>) src(%dma_wait3A_613 : memref<64x576xf32, #tpu.memory_space<hbm>>) dst(%arg5 : memref<64x576xf32, #tpu.memory_space<vmem>>)
    %add3A_614 = arith.constant 1 : i32
    %add3A_615 = arith.addi %mul3A_2, %add3A_614 : i32
    %add3A_616 = arith.constant 1 : i32
    %add3A_617 = arith.addi %mul3A_2, %add3A_616 : i32
    %dma_start3A_618 = arith.constant 192 : i32
    %dma_start3A_619 = arith.constant 0 : i32
    %dma_start3A_620 = tpu.memref_slice %arg4[%add3A_617, %dma_start3A_618, %dma_start3A_619] : memref<64x768x576xf32, #tpu.memory_space<hbm>> -> memref<1x64x576xf32, #tpu.memory_space<hbm>>
    %dma_start3A_621 = tpu.memref_squeeze %dma_start3A_620 : memref<1x64x576xf32, #tpu.memory_space<hbm>> -> memref<64x576xf32, #tpu.memory_space<hbm>>
    %dma_start3A_622 = arith.constant 192 : i32
    %dma_start3A_623 = arith.constant 0 : i32
    %dma_start3A_624 = tpu.memref_slice %arg4[%add3A_617, %dma_start3A_622, %dma_start3A_623] : memref<64x768x576xf32, #tpu.memory_space<hbm>> -> memref<1x64x576xf32, #tpu.memory_space<hbm>>
    %dma_start3A_625 = tpu.memref_squeeze %dma_start3A_624 : memref<1x64x576xf32, #tpu.memory_space<hbm>> -> memref<64x576xf32, #tpu.memory_space<hbm>>
    tpu.enqueue_dma source(%arg5 : memref<64x576xf32, #tpu.memory_space<vmem>>) target(%dma_start3A_625 : memref<64x576xf32, #tpu.memory_space<hbm>>) target_semaphore(%arg11 : memref<!tpu.dma_semaphore, #tpu.memory_space<semaphore_mem>>)
    %dma_wait3A_626 = arith.constant 192 : i32
    %dma_wait3A_627 = arith.constant 0 : i32
    %dma_wait3A_628 = tpu.memref_slice %arg4[%add3A_617, %dma_wait3A_626, %dma_wait3A_627] : memref<64x768x576xf32, #tpu.memory_space<hbm>> -> memref<1x64x576xf32, #tpu.memory_space<hbm>>
    %dma_wait3A_629 = tpu.memref_squeeze %dma_wait3A_628 : memref<1x64x576xf32, #tpu.memory_space<hbm>> -> memref<64x576xf32, #tpu.memory_space<hbm>>
    %dma_wait3A_630 = arith.constant 192 : i32
    %dma_wait3A_631 = arith.constant 0 : i32
    %dma_wait3A_632 = tpu.memref_slice %arg4[%add3A_617, %dma_wait3A_630, %dma_wait3A_631] : memref<64x768x576xf32, #tpu.memory_space<hbm>> -> memref<1x64x576xf32, #tpu.memory_space<hbm>>
    %dma_wait3A_633 = tpu.memref_squeeze %dma_wait3A_632 : memref<1x64x576xf32, #tpu.memory_space<hbm>> -> memref<64x576xf32, #tpu.memory_space<hbm>>
    tpu.wait_dma2 semaphore(%arg11 : memref<!tpu.dma_semaphore, #tpu.memory_space<semaphore_mem>>) src(%arg5 : memref<64x576xf32, #tpu.memory_space<vmem>>) dst(%dma_wait3A_633 : memref<64x576xf32, #tpu.memory_space<hbm>>)
    %add3A_634 = arith.constant 1 : i32
    %add3A_635 = arith.addi %mul3A_2, %add3A_634 : i32
    %dma_start3A_636 = arith.constant 384 : i32
    %dma_start3A_637 = arith.constant 0 : i32
    %dma_start3A_638 = tpu.memref_slice %arg2[%add3A_635, %dma_start3A_636, %dma_start3A_637] : memref<64x768x576xf32, #tpu.memory_space<hbm>> -> memref<1x64x576xf32, #tpu.memory_space<hbm>>
    %dma_start3A_639 = tpu.memref_squeeze %dma_start3A_638 : memref<1x64x576xf32, #tpu.memory_space<hbm>> -> memref<64x576xf32, #tpu.memory_space<hbm>>
    %dma_start3A_640 = arith.constant 384 : i32
    %dma_start3A_641 = arith.constant 0 : i32
    %dma_start3A_642 = tpu.memref_slice %arg2[%add3A_635, %dma_start3A_640, %dma_start3A_641] : memref<64x768x576xf32, #tpu.memory_space<hbm>> -> memref<1x64x576xf32, #tpu.memory_space<hbm>>
    %dma_start3A_643 = tpu.memref_squeeze %dma_start3A_642 : memref<1x64x576xf32, #tpu.memory_space<hbm>> -> memref<64x576xf32, #tpu.memory_space<hbm>>
    tpu.enqueue_dma source(%dma_start3A_643 : memref<64x576xf32, #tpu.memory_space<hbm>>) target(%arg5 : memref<64x576xf32, #tpu.memory_space<vmem>>) target_semaphore(%arg8 : memref<!tpu.dma_semaphore, #tpu.memory_space<semaphore_mem>>)
    %dma_wait3A_644 = arith.constant 256 : i32
    %dma_wait3A_645 = arith.constant 0 : i32
    %dma_wait3A_646 = tpu.memref_slice %arg2[%add3A_559, %dma_wait3A_644, %dma_wait3A_645] : memref<64x768x576xf32, #tpu.memory_space<hbm>> -> memref<1x64x576xf32, #tpu.memory_space<hbm>>
    %dma_wait3A_647 = tpu.memref_squeeze %dma_wait3A_646 : memref<1x64x576xf32, #tpu.memory_space<hbm>> -> memref<64x576xf32, #tpu.memory_space<hbm>>
    %dma_wait3A_648 = arith.constant 256 : i32
    %dma_wait3A_649 = arith.constant 0 : i32
    %dma_wait3A_650 = tpu.memref_slice %arg2[%add3A_559, %dma_wait3A_648, %dma_wait3A_649] : memref<64x768x576xf32, #tpu.memory_space<hbm>> -> memref<1x64x576xf32, #tpu.memory_space<hbm>>
    %dma_wait3A_651 = tpu.memref_squeeze %dma_wait3A_650 : memref<1x64x576xf32, #tpu.memory_space<hbm>> -> memref<64x576xf32, #tpu.memory_space<hbm>>
    tpu.wait_dma2 semaphore(%arg9 : memref<!tpu.dma_semaphore, #tpu.memory_space<semaphore_mem>>) src(%dma_wait3A_651 : memref<64x576xf32, #tpu.memory_space<hbm>>) dst(%arg6 : memref<64x576xf32, #tpu.memory_space<vmem>>)
    %add3A_652 = arith.constant 1 : i32
    %add3A_653 = arith.addi %mul3A_2, %add3A_652 : i32
    %add3A_654 = arith.constant 1 : i32
    %add3A_655 = arith.addi %mul3A_2, %add3A_654 : i32
    %dma_start3A_656 = arith.constant 256 : i32
    %dma_start3A_657 = arith.constant 0 : i32
    %dma_start3A_658 = tpu.memref_slice %arg4[%add3A_655, %dma_start3A_656, %dma_start3A_657] : memref<64x768x576xf32, #tpu.memory_space<hbm>> -> memref<1x64x576xf32, #tpu.memory_space<hbm>>
    %dma_start3A_659 = tpu.memref_squeeze %dma_start3A_658 : memref<1x64x576xf32, #tpu.memory_space<hbm>> -> memref<64x576xf32, #tpu.memory_space<hbm>>
    %dma_start3A_660 = arith.constant 256 : i32
    %dma_start3A_661 = arith.constant 0 : i32
    %dma_start3A_662 = tpu.memref_slice %arg4[%add3A_655, %dma_start3A_660, %dma_start3A_661] : memref<64x768x576xf32, #tpu.memory_space<hbm>> -> memref<1x64x576xf32, #tpu.memory_space<hbm>>
    %dma_start3A_663 = tpu.memref_squeeze %dma_start3A_662 : memref<1x64x576xf32, #tpu.memory_space<hbm>> -> memref<64x576xf32, #tpu.memory_space<hbm>>
    tpu.enqueue_dma source(%arg6 : memref<64x576xf32, #tpu.memory_space<vmem>>) target(%dma_start3A_663 : memref<64x576xf32, #tpu.memory_space<hbm>>) target_semaphore(%arg12 : memref<!tpu.dma_semaphore, #tpu.memory_space<semaphore_mem>>)
    %dma_wait3A_664 = arith.constant 256 : i32
    %dma_wait3A_665 = arith.constant 0 : i32
    %dma_wait3A_666 = tpu.memref_slice %arg4[%add3A_655, %dma_wait3A_664, %dma_wait3A_665] : memref<64x768x576xf32, #tpu.memory_space<hbm>> -> memref<1x64x576xf32, #tpu.memory_space<hbm>>
    %dma_wait3A_667 = tpu.memref_squeeze %dma_wait3A_666 : memref<1x64x576xf32, #tpu.memory_space<hbm>> -> memref<64x576xf32, #tpu.memory_space<hbm>>
    %dma_wait3A_668 = arith.constant 256 : i32
    %dma_wait3A_669 = arith.constant 0 : i32
    %dma_wait3A_670 = tpu.memref_slice %arg4[%add3A_655, %dma_wait3A_668, %dma_wait3A_669] : memref<64x768x576xf32, #tpu.memory_space<hbm>> -> memref<1x64x576xf32, #tpu.memory_space<hbm>>
    %dma_wait3A_671 = tpu.memref_squeeze %dma_wait3A_670 : memref<1x64x576xf32, #tpu.memory_space<hbm>> -> memref<64x576xf32, #tpu.memory_space<hbm>>
    tpu.wait_dma2 semaphore(%arg12 : memref<!tpu.dma_semaphore, #tpu.memory_space<semaphore_mem>>) src(%arg6 : memref<64x576xf32, #tpu.memory_space<vmem>>) dst(%dma_wait3A_671 : memref<64x576xf32, #tpu.memory_space<hbm>>)
    %add3A_672 = arith.constant 1 : i32
    %add3A_673 = arith.addi %mul3A_2, %add3A_672 : i32
    %dma_start3A_674 = arith.constant 448 : i32
    %dma_start3A_675 = arith.constant 0 : i32
    %dma_start3A_676 = tpu.memref_slice %arg2[%add3A_673, %dma_start3A_674, %dma_start3A_675] : memref<64x768x576xf32, #tpu.memory_space<hbm>> -> memref<1x64x576xf32, #tpu.memory_space<hbm>>
    %dma_start3A_677 = tpu.memref_squeeze %dma_start3A_676 : memref<1x64x576xf32, #tpu.memory_space<hbm>> -> memref<64x576xf32, #tpu.memory_space<hbm>>
    %dma_start3A_678 = arith.constant 448 : i32
    %dma_start3A_679 = arith.constant 0 : i32
    %dma_start3A_680 = tpu.memref_slice %arg2[%add3A_673, %dma_start3A_678, %dma_start3A_679] : memref<64x768x576xf32, #tpu.memory_space<hbm>> -> memref<1x64x576xf32, #tpu.memory_space<hbm>>
    %dma_start3A_681 = tpu.memref_squeeze %dma_start3A_680 : memref<1x64x576xf32, #tpu.memory_space<hbm>> -> memref<64x576xf32, #tpu.memory_space<hbm>>
    tpu.enqueue_dma source(%dma_start3A_681 : memref<64x576xf32, #tpu.memory_space<hbm>>) target(%arg6 : memref<64x576xf32, #tpu.memory_space<vmem>>) target_semaphore(%arg9 : memref<!tpu.dma_semaphore, #tpu.memory_space<semaphore_mem>>)
    %dma_wait3A_682 = arith.constant 320 : i32
    %dma_wait3A_683 = arith.constant 0 : i32
    %dma_wait3A_684 = tpu.memref_slice %arg2[%add3A_597, %dma_wait3A_682, %dma_wait3A_683] : memref<64x768x576xf32, #tpu.memory_space<hbm>> -> memref<1x64x576xf32, #tpu.memory_space<hbm>>
    %dma_wait3A_685 = tpu.memref_squeeze %dma_wait3A_684 : memref<1x64x576xf32, #tpu.memory_space<hbm>> -> memref<64x576xf32, #tpu.memory_space<hbm>>
    %dma_wait3A_686 = arith.constant 320 : i32
    %dma_wait3A_687 = arith.constant 0 : i32
    %dma_wait3A_688 = tpu.memref_slice %arg2[%add3A_597, %dma_wait3A_686, %dma_wait3A_687] : memref<64x768x576xf32, #tpu.memory_space<hbm>> -> memref<1x64x576xf32, #tpu.memory_space<hbm>>
    %dma_wait3A_689 = tpu.memref_squeeze %dma_wait3A_688 : memref<1x64x576xf32, #tpu.memory_space<hbm>> -> memref<64x576xf32, #tpu.memory_space<hbm>>
    tpu.wait_dma2 semaphore(%arg10 : memref<!tpu.dma_semaphore, #tpu.memory_space<semaphore_mem>>) src(%dma_wait3A_689 : memref<64x576xf32, #tpu.memory_space<hbm>>) dst(%arg7 : memref<64x576xf32, #tpu.memory_space<vmem>>)
    %add3A_690 = arith.constant 1 : i32
    %add3A_691 = arith.addi %mul3A_2, %add3A_690 : i32
    %add3A_692 = arith.constant 1 : i32
    %add3A_693 = arith.addi %mul3A_2, %add3A_692 : i32
    %dma_start3A_694 = arith.constant 320 : i32
    %dma_start3A_695 = arith.constant 0 : i32
    %dma_start3A_696 = tpu.memref_slice %arg4[%add3A_693, %dma_start3A_694, %dma_start3A_695] : memref<64x768x576xf32, #tpu.memory_space<hbm>> -> memref<1x64x576xf32, #tpu.memory_space<hbm>>
    %dma_start3A_697 = tpu.memref_squeeze %dma_start3A_696 : memref<1x64x576xf32, #tpu.memory_space<hbm>> -> memref<64x576xf32, #tpu.memory_space<hbm>>
    %dma_start3A_698 = arith.constant 320 : i32
    %dma_start3A_699 = arith.constant 0 : i32
    %dma_start3A_700 = tpu.memref_slice %arg4[%add3A_693, %dma_start3A_698, %dma_start3A_699] : memref<64x768x576xf32, #tpu.memory_space<hbm>> -> memref<1x64x576xf32, #tpu.memory_space<hbm>>
    %dma_start3A_701 = tpu.memref_squeeze %dma_start3A_700 : memref<1x64x576xf32, #tpu.memory_space<hbm>> -> memref<64x576xf32, #tpu.memory_space<hbm>>
    tpu.enqueue_dma source(%arg7 : memref<64x576xf32, #tpu.memory_space<vmem>>) target(%dma_start3A_701 : memref<64x576xf32, #tpu.memory_space<hbm>>) target_semaphore(%arg13 : memref<!tpu.dma_semaphore, #tpu.memory_space<semaphore_mem>>)
    %dma_wait3A_702 = arith.constant 320 : i32
    %dma_wait3A_703 = arith.constant 0 : i32
    %dma_wait3A_704 = tpu.memref_slice %arg4[%add3A_693, %dma_wait3A_702, %dma_wait3A_703] : memref<64x768x576xf32, #tpu.memory_space<hbm>> -> memref<1x64x576xf32, #tpu.memory_space<hbm>>
    %dma_wait3A_705 = tpu.memref_squeeze %dma_wait3A_704 : memref<1x64x576xf32, #tpu.memory_space<hbm>> -> memref<64x576xf32, #tpu.memory_space<hbm>>
    %dma_wait3A_706 = arith.constant 320 : i32
    %dma_wait3A_707 = arith.constant 0 : i32
    %dma_wait3A_708 = tpu.memref_slice %arg4[%add3A_693, %dma_wait3A_706, %dma_wait3A_707] : memref<64x768x576xf32, #tpu.memory_space<hbm>> -> memref<1x64x576xf32, #tpu.memory_space<hbm>>
    %dma_wait3A_709 = tpu.memref_squeeze %dma_wait3A_708 : memref<1x64x576xf32, #tpu.memory_space<hbm>> -> memref<64x576xf32, #tpu.memory_space<hbm>>
    tpu.wait_dma2 semaphore(%arg13 : memref<!tpu.dma_semaphore, #tpu.memory_space<semaphore_mem>>) src(%arg7 : memref<64x576xf32, #tpu.memory_space<vmem>>) dst(%dma_wait3A_709 : memref<64x576xf32, #tpu.memory_space<hbm>>)
    %add3A_710 = arith.constant 1 : i32
    %add3A_711 = arith.addi %mul3A_2, %add3A_710 : i32
    %dma_start3A_712 = arith.constant 512 : i32
    %dma_start3A_713 = arith.constant 0 : i32
    %dma_start3A_714 = tpu.memref_slice %arg2[%add3A_711, %dma_start3A_712, %dma_start3A_713] : memref<64x768x576xf32, #tpu.memory_space<hbm>> -> memref<1x64x576xf32, #tpu.memory_space<hbm>>
    %dma_start3A_715 = tpu.memref_squeeze %dma_start3A_714 : memref<1x64x576xf32, #tpu.memory_space<hbm>> -> memref<64x576xf32, #tpu.memory_space<hbm>>
    %dma_start3A_716 = arith.constant 512 : i32
    %dma_start3A_717 = arith.constant 0 : i32
    %dma_start3A_718 = tpu.memref_slice %arg2[%add3A_711, %dma_start3A_716, %dma_start3A_717] : memref<64x768x576xf32, #tpu.memory_space<hbm>> -> memref<1x64x576xf32, #tpu.memory_space<hbm>>
    %dma_start3A_719 = tpu.memref_squeeze %dma_start3A_718 : memref<1x64x576xf32, #tpu.memory_space<hbm>> -> memref<64x576xf32, #tpu.memory_space<hbm>>
    tpu.enqueue_dma source(%dma_start3A_719 : memref<64x576xf32, #tpu.memory_space<hbm>>) target(%arg7 : memref<64x576xf32, #tpu.memory_space<vmem>>) target_semaphore(%arg10 : memref<!tpu.dma_semaphore, #tpu.memory_space<semaphore_mem>>)
    %dma_wait3A_720 = arith.constant 384 : i32
    %dma_wait3A_721 = arith.constant 0 : i32
    %dma_wait3A_722 = tpu.memref_slice %arg2[%add3A_635, %dma_wait3A_720, %dma_wait3A_721] : memref<64x768x576xf32, #tpu.memory_space<hbm>> -> memref<1x64x576xf32, #tpu.memory_space<hbm>>
    %dma_wait3A_723 = tpu.memref_squeeze %dma_wait3A_722 : memref<1x64x576xf32, #tpu.memory_space<hbm>> -> memref<64x576xf32, #tpu.memory_space<hbm>>
    %dma_wait3A_724 = arith.constant 384 : i32
    %dma_wait3A_725 = arith.constant 0 : i32
    %dma_wait3A_726 = tpu.memref_slice %arg2[%add3A_635, %dma_wait3A_724, %dma_wait3A_725] : memref<64x768x576xf32, #tpu.memory_space<hbm>> -> memref<1x64x576xf32, #tpu.memory_space<hbm>>
    %dma_wait3A_727 = tpu.memref_squeeze %dma_wait3A_726 : memref<1x64x576xf32, #tpu.memory_space<hbm>> -> memref<64x576xf32, #tpu.memory_space<hbm>>
    tpu.wait_dma2 semaphore(%arg8 : memref<!tpu.dma_semaphore, #tpu.memory_space<semaphore_mem>>) src(%dma_wait3A_727 : memref<64x576xf32, #tpu.memory_space<hbm>>) dst(%arg5 : memref<64x576xf32, #tpu.memory_space<vmem>>)
    %add3A_728 = arith.constant 1 : i32
    %add3A_729 = arith.addi %mul3A_2, %add3A_728 : i32
    %run_scoped3A_730 = arith.constant 1 : i32
    %run_scoped3A_731 = arith.constant 0 : i32
    "tpu.region"() ({
      %run_scoped3A_920 = tpu.sem_alloc : memref<!tpu.dma_semaphore, #tpu.memory_space<semaphore_mem>>
      %dma_start3A_921 = arith.constant 0 : i32
      %dma_start3A_922 = tpu.memref_slice %arg5[%run_scoped3A_731, %dma_start3A_921] : memref<64x576xf32, #tpu.memory_space<vmem>> -> memref<1x576xf32, #tpu.memory_space<vmem>>
      %dma_start3A_923 = tpu.memref_squeeze %dma_start3A_922 : memref<1x576xf32, #tpu.memory_space<vmem>> -> memref<576xf32, #tpu.memory_space<vmem>>
      %dma_start3A_924 = arith.constant 0 : i32
      %dma_start3A_925 = tpu.memref_slice %arg3[%run_scoped3A_730, %add3A_729, %dma_start3A_924] : memref<2x64x576xf32, #tpu.memory_space<hbm>> -> memref<1x1x576xf32, #tpu.memory_space<hbm>>
      %dma_start3A_926 = tpu.memref_squeeze %dma_start3A_925 : memref<1x1x576xf32, #tpu.memory_space<hbm>> -> memref<576xf32, #tpu.memory_space<hbm>>
      %dma_start3A_927 = arith.constant 0 : i32
      %dma_start3A_928 = tpu.memref_slice %arg5[%run_scoped3A_731, %dma_start3A_927] : memref<64x576xf32, #tpu.memory_space<vmem>> -> memref<1x576xf32, #tpu.memory_space<vmem>>
      %dma_start3A_929 = tpu.memref_squeeze %dma_start3A_928 : memref<1x576xf32, #tpu.memory_space<vmem>> -> memref<576xf32, #tpu.memory_space<vmem>>
      %dma_start3A_930 = arith.constant 0 : i32
      %dma_start3A_931 = tpu.memref_slice %arg3[%run_scoped3A_730, %add3A_729, %dma_start3A_930] : memref<2x64x576xf32, #tpu.memory_space<hbm>> -> memref<1x1x576xf32, #tpu.memory_space<hbm>>
      %dma_start3A_932 = tpu.memref_squeeze %dma_start3A_931 : memref<1x1x576xf32, #tpu.memory_space<hbm>> -> memref<576xf32, #tpu.memory_space<hbm>>
      tpu.enqueue_dma source(%dma_start3A_932 : memref<576xf32, #tpu.memory_space<hbm>>) target(%dma_start3A_929 : memref<576xf32, #tpu.memory_space<vmem>>) target_semaphore(%run_scoped3A_920 : memref<!tpu.dma_semaphore, #tpu.memory_space<semaphore_mem>>)
      %dma_wait3A_933 = arith.constant 0 : i32
      %dma_wait3A_934 = tpu.memref_slice %arg5[%run_scoped3A_731, %dma_wait3A_933] : memref<64x576xf32, #tpu.memory_space<vmem>> -> memref<1x576xf32, #tpu.memory_space<vmem>>
      %dma_wait3A_935 = tpu.memref_squeeze %dma_wait3A_934 : memref<1x576xf32, #tpu.memory_space<vmem>> -> memref<576xf32, #tpu.memory_space<vmem>>
      %dma_wait3A_936 = arith.constant 0 : i32
      %dma_wait3A_937 = tpu.memref_slice %arg3[%run_scoped3A_730, %add3A_729, %dma_wait3A_936] : memref<2x64x576xf32, #tpu.memory_space<hbm>> -> memref<1x1x576xf32, #tpu.memory_space<hbm>>
      %dma_wait3A_938 = tpu.memref_squeeze %dma_wait3A_937 : memref<1x1x576xf32, #tpu.memory_space<hbm>> -> memref<576xf32, #tpu.memory_space<hbm>>
      %dma_wait3A_939 = arith.constant 0 : i32
      %dma_wait3A_940 = tpu.memref_slice %arg5[%run_scoped3A_731, %dma_wait3A_939] : memref<64x576xf32, #tpu.memory_space<vmem>> -> memref<1x576xf32, #tpu.memory_space<vmem>>
      %dma_wait3A_941 = tpu.memref_squeeze %dma_wait3A_940 : memref<1x576xf32, #tpu.memory_space<vmem>> -> memref<576xf32, #tpu.memory_space<vmem>>
      %dma_wait3A_942 = arith.constant 0 : i32
      %dma_wait3A_943 = tpu.memref_slice %arg3[%run_scoped3A_730, %add3A_729, %dma_wait3A_942] : memref<2x64x576xf32, #tpu.memory_space<hbm>> -> memref<1x1x576xf32, #tpu.memory_space<hbm>>
      %dma_wait3A_944 = tpu.memref_squeeze %dma_wait3A_943 : memref<1x1x576xf32, #tpu.memory_space<hbm>> -> memref<576xf32, #tpu.memory_space<hbm>>
      tpu.wait_dma2 semaphore(%run_scoped3A_920 : memref<!tpu.dma_semaphore, #tpu.memory_space<semaphore_mem>>) src(%dma_wait3A_944 : memref<576xf32, #tpu.memory_space<hbm>>) dst(%dma_wait3A_941 : memref<576xf32, #tpu.memory_space<vmem>>)
      tpu.yield
    }) : () -> ()
    %add3A_732 = arith.constant 1 : i32
    %add3A_733 = arith.addi %mul3A_2, %add3A_732 : i32
    %dma_start3A_734 = arith.constant 384 : i32
    %dma_start3A_735 = arith.constant 0 : i32
    %dma_start3A_736 = tpu.memref_slice %arg4[%add3A_733, %dma_start3A_734, %dma_start3A_735] : memref<64x768x576xf32, #tpu.memory_space<hbm>> -> memref<1x64x576xf32, #tpu.memory_space<hbm>>
    %dma_start3A_737 = tpu.memref_squeeze %dma_start3A_736 : memref<1x64x576xf32, #tpu.memory_space<hbm>> -> memref<64x576xf32, #tpu.memory_space<hbm>>
    %dma_start3A_738 = arith.constant 384 : i32
    %dma_start3A_739 = arith.constant 0 : i32
    %dma_start3A_740 = tpu.memref_slice %arg4[%add3A_733, %dma_start3A_738, %dma_start3A_739] : memref<64x768x576xf32, #tpu.memory_space<hbm>> -> memref<1x64x576xf32, #tpu.memory_space<hbm>>
    %dma_start3A_741 = tpu.memref_squeeze %dma_start3A_740 : memref<1x64x576xf32, #tpu.memory_space<hbm>> -> memref<64x576xf32, #tpu.memory_space<hbm>>
    tpu.enqueue_dma source(%arg5 : memref<64x576xf32, #tpu.memory_space<vmem>>) target(%dma_start3A_741 : memref<64x576xf32, #tpu.memory_space<hbm>>) target_semaphore(%arg11 : memref<!tpu.dma_semaphore, #tpu.memory_space<semaphore_mem>>)
    %dma_wait3A_742 = arith.constant 384 : i32
    %dma_wait3A_743 = arith.constant 0 : i32
    %dma_wait3A_744 = tpu.memref_slice %arg4[%add3A_733, %dma_wait3A_742, %dma_wait3A_743] : memref<64x768x576xf32, #tpu.memory_space<hbm>> -> memref<1x64x576xf32, #tpu.memory_space<hbm>>
    %dma_wait3A_745 = tpu.memref_squeeze %dma_wait3A_744 : memref<1x64x576xf32, #tpu.memory_space<hbm>> -> memref<64x576xf32, #tpu.memory_space<hbm>>
    %dma_wait3A_746 = arith.constant 384 : i32
    %dma_wait3A_747 = arith.constant 0 : i32
    %dma_wait3A_748 = tpu.memref_slice %arg4[%add3A_733, %dma_wait3A_746, %dma_wait3A_747] : memref<64x768x576xf32, #tpu.memory_space<hbm>> -> memref<1x64x576xf32, #tpu.memory_space<hbm>>
    %dma_wait3A_749 = tpu.memref_squeeze %dma_wait3A_748 : memref<1x64x576xf32, #tpu.memory_space<hbm>> -> memref<64x576xf32, #tpu.memory_space<hbm>>
    tpu.wait_dma2 semaphore(%arg11 : memref<!tpu.dma_semaphore, #tpu.memory_space<semaphore_mem>>) src(%arg5 : memref<64x576xf32, #tpu.memory_space<vmem>>) dst(%dma_wait3A_749 : memref<64x576xf32, #tpu.memory_space<hbm>>)
    %add3A_750 = arith.constant 1 : i32
    %add3A_751 = arith.addi %mul3A_2, %add3A_750 : i32
    %dma_start3A_752 = arith.constant 576 : i32
    %dma_start3A_753 = arith.constant 0 : i32
    %dma_start3A_754 = tpu.memref_slice %arg2[%add3A_751, %dma_start3A_752, %dma_start3A_753] : memref<64x768x576xf32, #tpu.memory_space<hbm>> -> memref<1x64x576xf32, #tpu.memory_space<hbm>>
    %dma_start3A_755 = tpu.memref_squeeze %dma_start3A_754 : memref<1x64x576xf32, #tpu.memory_space<hbm>> -> memref<64x576xf32, #tpu.memory_space<hbm>>
    %dma_start3A_756 = arith.constant 576 : i32
    %dma_start3A_757 = arith.constant 0 : i32
    %dma_start3A_758 = tpu.memref_slice %arg2[%add3A_751, %dma_start3A_756, %dma_start3A_757] : memref<64x768x576xf32, #tpu.memory_space<hbm>> -> memref<1x64x576xf32, #tpu.memory_space<hbm>>
    %dma_start3A_759 = tpu.memref_squeeze %dma_start3A_758 : memref<1x64x576xf32, #tpu.memory_space<hbm>> -> memref<64x576xf32, #tpu.memory_space<hbm>>
    tpu.enqueue_dma source(%dma_start3A_759 : memref<64x576xf32, #tpu.memory_space<hbm>>) target(%arg5 : memref<64x576xf32, #tpu.memory_space<vmem>>) target_semaphore(%arg8 : memref<!tpu.dma_semaphore, #tpu.memory_space<semaphore_mem>>)
    %dma_wait3A_760 = arith.constant 448 : i32
    %dma_wait3A_761 = arith.constant 0 : i32
    %dma_wait3A_762 = tpu.memref_slice %arg2[%add3A_673, %dma_wait3A_760, %dma_wait3A_761] : memref<64x768x576xf32, #tpu.memory_space<hbm>> -> memref<1x64x576xf32, #tpu.memory_space<hbm>>
    %dma_wait3A_763 = tpu.memref_squeeze %dma_wait3A_762 : memref<1x64x576xf32, #tpu.memory_space<hbm>> -> memref<64x576xf32, #tpu.memory_space<hbm>>
    %dma_wait3A_764 = arith.constant 448 : i32
    %dma_wait3A_765 = arith.constant 0 : i32
    %dma_wait3A_766 = tpu.memref_slice %arg2[%add3A_673, %dma_wait3A_764, %dma_wait3A_765] : memref<64x768x576xf32, #tpu.memory_space<hbm>> -> memref<1x64x576xf32, #tpu.memory_space<hbm>>
    %dma_wait3A_767 = tpu.memref_squeeze %dma_wait3A_766 : memref<1x64x576xf32, #tpu.memory_space<hbm>> -> memref<64x576xf32, #tpu.memory_space<hbm>>
    tpu.wait_dma2 semaphore(%arg9 : memref<!tpu.dma_semaphore, #tpu.memory_space<semaphore_mem>>) src(%dma_wait3A_767 : memref<64x576xf32, #tpu.memory_space<hbm>>) dst(%arg6 : memref<64x576xf32, #tpu.memory_space<vmem>>)
    %add3A_768 = arith.constant 1 : i32
    %add3A_769 = arith.addi %mul3A_2, %add3A_768 : i32
    %add3A_770 = arith.constant 1 : i32
    %add3A_771 = arith.addi %mul3A_2, %add3A_770 : i32
    %dma_start3A_772 = arith.constant 448 : i32
    %dma_start3A_773 = arith.constant 0 : i32
    %dma_start3A_774 = tpu.memref_slice %arg4[%add3A_771, %dma_start3A_772, %dma_start3A_773] : memref<64x768x576xf32, #tpu.memory_space<hbm>> -> memref<1x64x576xf32, #tpu.memory_space<hbm>>
    %dma_start3A_775 = tpu.memref_squeeze %dma_start3A_774 : memref<1x64x576xf32, #tpu.memory_space<hbm>> -> memref<64x576xf32, #tpu.memory_space<hbm>>
    %dma_start3A_776 = arith.constant 448 : i32
    %dma_start3A_777 = arith.constant 0 : i32
    %dma_start3A_778 = tpu.memref_slice %arg4[%add3A_771, %dma_start3A_776, %dma_start3A_777] : memref<64x768x576xf32, #tpu.memory_space<hbm>> -> memref<1x64x576xf32, #tpu.memory_space<hbm>>
    %dma_start3A_779 = tpu.memref_squeeze %dma_start3A_778 : memref<1x64x576xf32, #tpu.memory_space<hbm>> -> memref<64x576xf32, #tpu.memory_space<hbm>>
    tpu.enqueue_dma source(%arg6 : memref<64x576xf32, #tpu.memory_space<vmem>>) target(%dma_start3A_779 : memref<64x576xf32, #tpu.memory_space<hbm>>) target_semaphore(%arg12 : memref<!tpu.dma_semaphore, #tpu.memory_space<semaphore_mem>>)
    %dma_wait3A_780 = arith.constant 448 : i32
    %dma_wait3A_781 = arith.constant 0 : i32
    %dma_wait3A_782 = tpu.memref_slice %arg4[%add3A_771, %dma_wait3A_780, %dma_wait3A_781] : memref<64x768x576xf32, #tpu.memory_space<hbm>> -> memref<1x64x576xf32, #tpu.memory_space<hbm>>
    %dma_wait3A_783 = tpu.memref_squeeze %dma_wait3A_782 : memref<1x64x576xf32, #tpu.memory_space<hbm>> -> memref<64x576xf32, #tpu.memory_space<hbm>>
    %dma_wait3A_784 = arith.constant 448 : i32
    %dma_wait3A_785 = arith.constant 0 : i32
    %dma_wait3A_786 = tpu.memref_slice %arg4[%add3A_771, %dma_wait3A_784, %dma_wait3A_785] : memref<64x768x576xf32, #tpu.memory_space<hbm>> -> memref<1x64x576xf32, #tpu.memory_space<hbm>>
    %dma_wait3A_787 = tpu.memref_squeeze %dma_wait3A_786 : memref<1x64x576xf32, #tpu.memory_space<hbm>> -> memref<64x576xf32, #tpu.memory_space<hbm>>
    tpu.wait_dma2 semaphore(%arg12 : memref<!tpu.dma_semaphore, #tpu.memory_space<semaphore_mem>>) src(%arg6 : memref<64x576xf32, #tpu.memory_space<vmem>>) dst(%dma_wait3A_787 : memref<64x576xf32, #tpu.memory_space<hbm>>)
    %add3A_788 = arith.constant 1 : i32
    %add3A_789 = arith.addi %mul3A_2, %add3A_788 : i32
    %dma_start3A_790 = arith.constant 640 : i32
    %dma_start3A_791 = arith.constant 0 : i32
    %dma_start3A_792 = tpu.memref_slice %arg2[%add3A_789, %dma_start3A_790, %dma_start3A_791] : memref<64x768x576xf32, #tpu.memory_space<hbm>> -> memref<1x64x576xf32, #tpu.memory_space<hbm>>
    %dma_start3A_793 = tpu.memref_squeeze %dma_start3A_792 : memref<1x64x576xf32, #tpu.memory_space<hbm>> -> memref<64x576xf32, #tpu.memory_space<hbm>>
    %dma_start3A_794 = arith.constant 640 : i32
    %dma_start3A_795 = arith.constant 0 : i32
    %dma_start3A_796 = tpu.memref_slice %arg2[%add3A_789, %dma_start3A_794, %dma_start3A_795] : memref<64x768x576xf32, #tpu.memory_space<hbm>> -> memref<1x64x576xf32, #tpu.memory_space<hbm>>
    %dma_start3A_797 = tpu.memref_squeeze %dma_start3A_796 : memref<1x64x576xf32, #tpu.memory_space<hbm>> -> memref<64x576xf32, #tpu.memory_space<hbm>>
    tpu.enqueue_dma source(%dma_start3A_797 : memref<64x576xf32, #tpu.memory_space<hbm>>) target(%arg6 : memref<64x576xf32, #tpu.memory_space<vmem>>) target_semaphore(%arg9 : memref<!tpu.dma_semaphore, #tpu.memory_space<semaphore_mem>>)
    %dma_wait3A_798 = arith.constant 512 : i32
    %dma_wait3A_799 = arith.constant 0 : i32
    %dma_wait3A_800 = tpu.memref_slice %arg2[%add3A_711, %dma_wait3A_798, %dma_wait3A_799] : memref<64x768x576xf32, #tpu.memory_space<hbm>> -> memref<1x64x576xf32, #tpu.memory_space<hbm>>
    %dma_wait3A_801 = tpu.memref_squeeze %dma_wait3A_800 : memref<1x64x576xf32, #tpu.memory_space<hbm>> -> memref<64x576xf32, #tpu.memory_space<hbm>>
    %dma_wait3A_802 = arith.constant 512 : i32
    %dma_wait3A_803 = arith.constant 0 : i32
    %dma_wait3A_804 = tpu.memref_slice %arg2[%add3A_711, %dma_wait3A_802, %dma_wait3A_803] : memref<64x768x576xf32, #tpu.memory_space<hbm>> -> memref<1x64x576xf32, #tpu.memory_space<hbm>>
    %dma_wait3A_805 = tpu.memref_squeeze %dma_wait3A_804 : memref<1x64x576xf32, #tpu.memory_space<hbm>> -> memref<64x576xf32, #tpu.memory_space<hbm>>
    tpu.wait_dma2 semaphore(%arg10 : memref<!tpu.dma_semaphore, #tpu.memory_space<semaphore_mem>>) src(%dma_wait3A_805 : memref<64x576xf32, #tpu.memory_space<hbm>>) dst(%arg7 : memref<64x576xf32, #tpu.memory_space<vmem>>)
    %add3A_806 = arith.constant 1 : i32
    %add3A_807 = arith.addi %mul3A_2, %add3A_806 : i32
    %add3A_808 = arith.constant 1 : i32
    %add3A_809 = arith.addi %mul3A_2, %add3A_808 : i32
    %dma_start3A_810 = arith.constant 512 : i32
    %dma_start3A_811 = arith.constant 0 : i32
    %dma_start3A_812 = tpu.memref_slice %arg4[%add3A_809, %dma_start3A_810, %dma_start3A_811] : memref<64x768x576xf32, #tpu.memory_space<hbm>> -> memref<1x64x576xf32, #tpu.memory_space<hbm>>
    %dma_start3A_813 = tpu.memref_squeeze %dma_start3A_812 : memref<1x64x576xf32, #tpu.memory_space<hbm>> -> memref<64x576xf32, #tpu.memory_space<hbm>>
    %dma_start3A_814 = arith.constant 512 : i32
    %dma_start3A_815 = arith.constant 0 : i32
    %dma_start3A_816 = tpu.memref_slice %arg4[%add3A_809, %dma_start3A_814, %dma_start3A_815] : memref<64x768x576xf32, #tpu.memory_space<hbm>> -> memref<1x64x576xf32, #tpu.memory_space<hbm>>
    %dma_start3A_817 = tpu.memref_squeeze %dma_start3A_816 : memref<1x64x576xf32, #tpu.memory_space<hbm>> -> memref<64x576xf32, #tpu.memory_space<hbm>>
    tpu.enqueue_dma source(%arg7 : memref<64x576xf32, #tpu.memory_space<vmem>>) target(%dma_start3A_817 : memref<64x576xf32, #tpu.memory_space<hbm>>) target_semaphore(%arg13 : memref<!tpu.dma_semaphore, #tpu.memory_space<semaphore_mem>>)
    %dma_wait3A_818 = arith.constant 512 : i32
    %dma_wait3A_819 = arith.constant 0 : i32
    %dma_wait3A_820 = tpu.memref_slice %arg4[%add3A_809, %dma_wait3A_818, %dma_wait3A_819] : memref<64x768x576xf32, #tpu.memory_space<hbm>> -> memref<1x64x576xf32, #tpu.memory_space<hbm>>
    %dma_wait3A_821 = tpu.memref_squeeze %dma_wait3A_820 : memref<1x64x576xf32, #tpu.memory_space<hbm>> -> memref<64x576xf32, #tpu.memory_space<hbm>>
    %dma_wait3A_822 = arith.constant 512 : i32
    %dma_wait3A_823 = arith.constant 0 : i32
    %dma_wait3A_824 = tpu.memref_slice %arg4[%add3A_809, %dma_wait3A_822, %dma_wait3A_823] : memref<64x768x576xf32, #tpu.memory_space<hbm>> -> memref<1x64x576xf32, #tpu.memory_space<hbm>>
    %dma_wait3A_825 = tpu.memref_squeeze %dma_wait3A_824 : memref<1x64x576xf32, #tpu.memory_space<hbm>> -> memref<64x576xf32, #tpu.memory_space<hbm>>
    tpu.wait_dma2 semaphore(%arg13 : memref<!tpu.dma_semaphore, #tpu.memory_space<semaphore_mem>>) src(%arg7 : memref<64x576xf32, #tpu.memory_space<vmem>>) dst(%dma_wait3A_825 : memref<64x576xf32, #tpu.memory_space<hbm>>)
    %add3A_826 = arith.constant 1 : i32
    %add3A_827 = arith.addi %mul3A_2, %add3A_826 : i32
    %dma_start3A_828 = arith.constant 704 : i32
    %dma_start3A_829 = arith.constant 0 : i32
    %dma_start3A_830 = tpu.memref_slice %arg2[%add3A_827, %dma_start3A_828, %dma_start3A_829] : memref<64x768x576xf32, #tpu.memory_space<hbm>> -> memref<1x64x576xf32, #tpu.memory_space<hbm>>
    %dma_start3A_831 = tpu.memref_squeeze %dma_start3A_830 : memref<1x64x576xf32, #tpu.memory_space<hbm>> -> memref<64x576xf32, #tpu.memory_space<hbm>>
    %dma_start3A_832 = arith.constant 704 : i32
    %dma_start3A_833 = arith.constant 0 : i32
    %dma_start3A_834 = tpu.memref_slice %arg2[%add3A_827, %dma_start3A_832, %dma_start3A_833] : memref<64x768x576xf32, #tpu.memory_space<hbm>> -> memref<1x64x576xf32, #tpu.memory_space<hbm>>
    %dma_start3A_835 = tpu.memref_squeeze %dma_start3A_834 : memref<1x64x576xf32, #tpu.memory_space<hbm>> -> memref<64x576xf32, #tpu.memory_space<hbm>>
    tpu.enqueue_dma source(%dma_start3A_835 : memref<64x576xf32, #tpu.memory_space<hbm>>) target(%arg7 : memref<64x576xf32, #tpu.memory_space<vmem>>) target_semaphore(%arg10 : memref<!tpu.dma_semaphore, #tpu.memory_space<semaphore_mem>>)
    %dma_wait3A_836 = arith.constant 576 : i32
    %dma_wait3A_837 = arith.constant 0 : i32
    %dma_wait3A_838 = tpu.memref_slice %arg2[%add3A_751, %dma_wait3A_836, %dma_wait3A_837] : memref<64x768x576xf32, #tpu.memory_space<hbm>> -> memref<1x64x576xf32, #tpu.memory_space<hbm>>
    %dma_wait3A_839 = tpu.memref_squeeze %dma_wait3A_838 : memref<1x64x576xf32, #tpu.memory_space<hbm>> -> memref<64x576xf32, #tpu.memory_space<hbm>>
    %dma_wait3A_840 = arith.constant 576 : i32
    %dma_wait3A_841 = arith.constant 0 : i32
    %dma_wait3A_842 = tpu.memref_slice %arg2[%add3A_751, %dma_wait3A_840, %dma_wait3A_841] : memref<64x768x576xf32, #tpu.memory_space<hbm>> -> memref<1x64x576xf32, #tpu.memory_space<hbm>>
    %dma_wait3A_843 = tpu.memref_squeeze %dma_wait3A_842 : memref<1x64x576xf32, #tpu.memory_space<hbm>> -> memref<64x576xf32, #tpu.memory_space<hbm>>
    tpu.wait_dma2 semaphore(%arg8 : memref<!tpu.dma_semaphore, #tpu.memory_space<semaphore_mem>>) src(%dma_wait3A_843 : memref<64x576xf32, #tpu.memory_space<hbm>>) dst(%arg5 : memref<64x576xf32, #tpu.memory_space<vmem>>)
    %add3A_844 = arith.constant 1 : i32
    %add3A_845 = arith.addi %mul3A_2, %add3A_844 : i32
    %add3A_846 = arith.constant 1 : i32
    %add3A_847 = arith.addi %mul3A_2, %add3A_846 : i32
    %dma_start3A_848 = arith.constant 576 : i32
    %dma_start3A_849 = arith.constant 0 : i32
    %dma_start3A_850 = tpu.memref_slice %arg4[%add3A_847, %dma_start3A_848, %dma_start3A_849] : memref<64x768x576xf32, #tpu.memory_space<hbm>> -> memref<1x64x576xf32, #tpu.memory_space<hbm>>
    %dma_start3A_851 = tpu.memref_squeeze %dma_start3A_850 : memref<1x64x576xf32, #tpu.memory_space<hbm>> -> memref<64x576xf32, #tpu.memory_space<hbm>>
    %dma_start3A_852 = arith.constant 576 : i32
    %dma_start3A_853 = arith.constant 0 : i32
    %dma_start3A_854 = tpu.memref_slice %arg4[%add3A_847, %dma_start3A_852, %dma_start3A_853] : memref<64x768x576xf32, #tpu.memory_space<hbm>> -> memref<1x64x576xf32, #tpu.memory_space<hbm>>
    %dma_start3A_855 = tpu.memref_squeeze %dma_start3A_854 : memref<1x64x576xf32, #tpu.memory_space<hbm>> -> memref<64x576xf32, #tpu.memory_space<hbm>>
    tpu.enqueue_dma source(%arg5 : memref<64x576xf32, #tpu.memory_space<vmem>>) target(%dma_start3A_855 : memref<64x576xf32, #tpu.memory_space<hbm>>) target_semaphore(%arg11 : memref<!tpu.dma_semaphore, #tpu.memory_space<semaphore_mem>>)
    %dma_wait3A_856 = arith.constant 640 : i32
    %dma_wait3A_857 = arith.constant 0 : i32
    %dma_wait3A_858 = tpu.memref_slice %arg2[%add3A_789, %dma_wait3A_856, %dma_wait3A_857] : memref<64x768x576xf32, #tpu.memory_space<hbm>> -> memref<1x64x576xf32, #tpu.memory_space<hbm>>
    %dma_wait3A_859 = tpu.memref_squeeze %dma_wait3A_858 : memref<1x64x576xf32, #tpu.memory_space<hbm>> -> memref<64x576xf32, #tpu.memory_space<hbm>>
    %dma_wait3A_860 = arith.constant 640 : i32
    %dma_wait3A_861 = arith.constant 0 : i32
    %dma_wait3A_862 = tpu.memref_slice %arg2[%add3A_789, %dma_wait3A_860, %dma_wait3A_861] : memref<64x768x576xf32, #tpu.memory_space<hbm>> -> memref<1x64x576xf32, #tpu.memory_space<hbm>>
    %dma_wait3A_863 = tpu.memref_squeeze %dma_wait3A_862 : memref<1x64x576xf32, #tpu.memory_space<hbm>> -> memref<64x576xf32, #tpu.memory_space<hbm>>
    tpu.wait_dma2 semaphore(%arg9 : memref<!tpu.dma_semaphore, #tpu.memory_space<semaphore_mem>>) src(%dma_wait3A_863 : memref<64x576xf32, #tpu.memory_space<hbm>>) dst(%arg6 : memref<64x576xf32, #tpu.memory_space<vmem>>)
    %add3A_864 = arith.constant 1 : i32
    %add3A_865 = arith.addi %mul3A_2, %add3A_864 : i32
    %add3A_866 = arith.constant 1 : i32
    %add3A_867 = arith.addi %mul3A_2, %add3A_866 : i32
    %dma_start3A_868 = arith.constant 640 : i32
    %dma_start3A_869 = arith.constant 0 : i32
    %dma_start3A_870 = tpu.memref_slice %arg4[%add3A_867, %dma_start3A_868, %dma_start3A_869] : memref<64x768x576xf32, #tpu.memory_space<hbm>> -> memref<1x64x576xf32, #tpu.memory_space<hbm>>
    %dma_start3A_871 = tpu.memref_squeeze %dma_start3A_870 : memref<1x64x576xf32, #tpu.memory_space<hbm>> -> memref<64x576xf32, #tpu.memory_space<hbm>>
    %dma_start3A_872 = arith.constant 640 : i32
    %dma_start3A_873 = arith.constant 0 : i32
    %dma_start3A_874 = tpu.memref_slice %arg4[%add3A_867, %dma_start3A_872, %dma_start3A_873] : memref<64x768x576xf32, #tpu.memory_space<hbm>> -> memref<1x64x576xf32, #tpu.memory_space<hbm>>
    %dma_start3A_875 = tpu.memref_squeeze %dma_start3A_874 : memref<1x64x576xf32, #tpu.memory_space<hbm>> -> memref<64x576xf32, #tpu.memory_space<hbm>>
    tpu.enqueue_dma source(%arg6 : memref<64x576xf32, #tpu.memory_space<vmem>>) target(%dma_start3A_875 : memref<64x576xf32, #tpu.memory_space<hbm>>) target_semaphore(%arg12 : memref<!tpu.dma_semaphore, #tpu.memory_space<semaphore_mem>>)
    %dma_wait3A_876 = arith.constant 704 : i32
    %dma_wait3A_877 = arith.constant 0 : i32
    %dma_wait3A_878 = tpu.memref_slice %arg2[%add3A_827, %dma_wait3A_876, %dma_wait3A_877] : memref<64x768x576xf32, #tpu.memory_space<hbm>> -> memref<1x64x576xf32, #tpu.memory_space<hbm>>
    %dma_wait3A_879 = tpu.memref_squeeze %dma_wait3A_878 : memref<1x64x576xf32, #tpu.memory_space<hbm>> -> memref<64x576xf32, #tpu.memory_space<hbm>>
    %dma_wait3A_880 = arith.constant 704 : i32
    %dma_wait3A_881 = arith.constant 0 : i32
    %dma_wait3A_882 = tpu.memref_slice %arg2[%add3A_827, %dma_wait3A_880, %dma_wait3A_881] : memref<64x768x576xf32, #tpu.memory_space<hbm>> -> memref<1x64x576xf32, #tpu.memory_space<hbm>>
    %dma_wait3A_883 = tpu.memref_squeeze %dma_wait3A_882 : memref<1x64x576xf32, #tpu.memory_space<hbm>> -> memref<64x576xf32, #tpu.memory_space<hbm>>
    tpu.wait_dma2 semaphore(%arg10 : memref<!tpu.dma_semaphore, #tpu.memory_space<semaphore_mem>>) src(%dma_wait3A_883 : memref<64x576xf32, #tpu.memory_space<hbm>>) dst(%arg7 : memref<64x576xf32, #tpu.memory_space<vmem>>)
    %add3A_884 = arith.constant 1 : i32
    %add3A_885 = arith.addi %mul3A_2, %add3A_884 : i32
    %add3A_886 = arith.constant 1 : i32
    %add3A_887 = arith.addi %mul3A_2, %add3A_886 : i32
    %dma_start3A_888 = arith.constant 704 : i32
    %dma_start3A_889 = arith.constant 0 : i32
    %dma_start3A_890 = tpu.memref_slice %arg4[%add3A_887, %dma_start3A_888, %dma_start3A_889] : memref<64x768x576xf32, #tpu.memory_space<hbm>> -> memref<1x64x576xf32, #tpu.memory_space<hbm>>
    %dma_start3A_891 = tpu.memref_squeeze %dma_start3A_890 : memref<1x64x576xf32, #tpu.memory_space<hbm>> -> memref<64x576xf32, #tpu.memory_space<hbm>>
    %dma_start3A_892 = arith.constant 704 : i32
    %dma_start3A_893 = arith.constant 0 : i32
    %dma_start3A_894 = tpu.memref_slice %arg4[%add3A_887, %dma_start3A_892, %dma_start3A_893] : memref<64x768x576xf32, #tpu.memory_space<hbm>> -> memref<1x64x576xf32, #tpu.memory_space<hbm>>
    %dma_start3A_895 = tpu.memref_squeeze %dma_start3A_894 : memref<1x64x576xf32, #tpu.memory_space<hbm>> -> memref<64x576xf32, #tpu.memory_space<hbm>>
    tpu.enqueue_dma source(%arg7 : memref<64x576xf32, #tpu.memory_space<vmem>>) target(%dma_start3A_895 : memref<64x576xf32, #tpu.memory_space<hbm>>) target_semaphore(%arg13 : memref<!tpu.dma_semaphore, #tpu.memory_space<semaphore_mem>>)
    %dma_wait3A_896 = arith.constant 576 : i32
    %dma_wait3A_897 = arith.constant 0 : i32
    %dma_wait3A_898 = tpu.memref_slice %arg4[%add3A_847, %dma_wait3A_896, %dma_wait3A_897] : memref<64x768x576xf32, #tpu.memory_space<hbm>> -> memref<1x64x576xf32, #tpu.memory_space<hbm>>
    %dma_wait3A_899 = tpu.memref_squeeze %dma_wait3A_898 : memref<1x64x576xf32, #tpu.memory_space<hbm>> -> memref<64x576xf32, #tpu.memory_space<hbm>>
    %dma_wait3A_900 = arith.constant 576 : i32
    %dma_wait3A_901 = arith.constant 0 : i32
    %dma_wait3A_902 = tpu.memref_slice %arg4[%add3A_847, %dma_wait3A_900, %dma_wait3A_901] : memref<64x768x576xf32, #tpu.memory_space<hbm>> -> memref<1x64x576xf32, #tpu.memory_space<hbm>>
    %dma_wait3A_903 = tpu.memref_squeeze %dma_wait3A_902 : memref<1x64x576xf32, #tpu.memory_space<hbm>> -> memref<64x576xf32, #tpu.memory_space<hbm>>
    tpu.wait_dma2 semaphore(%arg11 : memref<!tpu.dma_semaphore, #tpu.memory_space<semaphore_mem>>) src(%arg5 : memref<64x576xf32, #tpu.memory_space<vmem>>) dst(%dma_wait3A_903 : memref<64x576xf32, #tpu.memory_space<hbm>>)
    %dma_wait3A_904 = arith.constant 640 : i32
    %dma_wait3A_905 = arith.constant 0 : i32
    %dma_wait3A_906 = tpu.memref_slice %arg4[%add3A_867, %dma_wait3A_904, %dma_wait3A_905] : memref<64x768x576xf32, #tpu.memory_space<hbm>> -> memref<1x64x576xf32, #tpu.memory_space<hbm>>
    %dma_wait3A_907 = tpu.memref_squeeze %dma_wait3A_906 : memref<1x64x576xf32, #tpu.memory_space<hbm>> -> memref<64x576xf32, #tpu.memory_space<hbm>>
    %dma_wait3A_908 = arith.constant 640 : i32
    %dma_wait3A_909 = arith.constant 0 : i32
    %dma_wait3A_910 = tpu.memref_slice %arg4[%add3A_867, %dma_wait3A_908, %dma_wait3A_909] : memref<64x768x576xf32, #tpu.memory_space<hbm>> -> memref<1x64x576xf32, #tpu.memory_space<hbm>>
    %dma_wait3A_911 = tpu.memref_squeeze %dma_wait3A_910 : memref<1x64x576xf32, #tpu.memory_space<hbm>> -> memref<64x576xf32, #tpu.memory_space<hbm>>
    tpu.wait_dma2 semaphore(%arg12 : memref<!tpu.dma_semaphore, #tpu.memory_space<semaphore_mem>>) src(%arg6 : memref<64x576xf32, #tpu.memory_space<vmem>>) dst(%dma_wait3A_911 : memref<64x576xf32, #tpu.memory_space<hbm>>)
    %dma_wait3A_912 = arith.constant 704 : i32
    %dma_wait3A_913 = arith.constant 0 : i32
    %dma_wait3A_914 = tpu.memref_slice %arg4[%add3A_887, %dma_wait3A_912, %dma_wait3A_913] : memref<64x768x576xf32, #tpu.memory_space<hbm>> -> memref<1x64x576xf32, #tpu.memory_space<hbm>>
    %dma_wait3A_915 = tpu.memref_squeeze %dma_wait3A_914 : memref<1x64x576xf32, #tpu.memory_space<hbm>> -> memref<64x576xf32, #tpu.memory_space<hbm>>
    %dma_wait3A_916 = arith.constant 704 : i32
    %dma_wait3A_917 = arith.constant 0 : i32
    %dma_wait3A_918 = tpu.memref_slice %arg4[%add3A_887, %dma_wait3A_916, %dma_wait3A_917] : memref<64x768x576xf32, #tpu.memory_space<hbm>> -> memref<1x64x576xf32, #tpu.memory_space<hbm>>
    %dma_wait3A_919 = tpu.memref_squeeze %dma_wait3A_918 : memref<1x64x576xf32, #tpu.memory_space<hbm>> -> memref<64x576xf32, #tpu.memory_space<hbm>>
    tpu.wait_dma2 semaphore(%arg13 : memref<!tpu.dma_semaphore, #tpu.memory_space<semaphore_mem>>) src(%arg7 : memref<64x576xf32, #tpu.memory_space<vmem>>) dst(%dma_wait3A_919 : memref<64x576xf32, #tpu.memory_space<hbm>>)
    return
  }
}

</mosaic_0001>

<sc_bundles>
// kernel: kernel.3.cloned.1.call-start
scs
__scs_entry_jumppad:
0x0: {  	(pc) =	sbr.rel $0x88, $3  }
0x1: {  	(tag) =	ssettag $0x0;
	lr =	simm.s32 $0x1  }
0x2: {  	[smem:$0x3F9F] =	sst lr;
	_ =	strace $0xD0000000  }
0x3: {  	_ = 	snop  }
0x4: {  	_ = 	snop  }
0x5: {  	_ = 	snop  }
0x6: {  	_ = 	snop  }
0x7: {  	_ = 	snop  }
__scs_overlays_trampoline_lowered:
0x8: {  	[smem:$0x3FAE] =	sst s0  }
0x9: {  	[smem:$0x3FAF] =	sst s1  }
0xa: {  	[smem:$0x3FB0] =	sst s2  }
0xb: {  	[smem:$0x3FB1] =	sst s3  }
0xc: {  	[smem:$0x3FB2] =	sst s4  }
0xd: {  	[smem:$0x3FB3] =	sst s5  }
0xe: {  	[smem:$0x3FB4] =	sst s6  }
0xf: {  	[smem:$0x3FB5] =	sst s7  }
0x10: {  	[smem:$0x3FB6] =	sst s8  }
0x11: {  	[smem:$0x3FB7] =	sst s9;
	s0 =	simm.s32 @!p0 $0x0  }
0x12: {  	s1 =	sld [smem:$0x3F9D];
	s0 =	simm.s32 @p0 $0x1  }
0x13: {  	[smem:$0x3FB8] =	sst s0;
	s0 =	simm.s32 @!p1 $0x0  }
0x14: {  	s2 =	sld [smem:$0x3F9C];
	s0 =	simm.s32 @p1 $0x1  }
0x15: {  	[smem:$0x3FB9] =	sst s0;
	s0 =	simm.s32 @!p2 $0x0  }
0x16: {  	s3 =	sld [smem:$0x3FDB];
	s0 =	simm.s32 @p2 $0x1  }
0x17: {  	s4 =	simm.s32 $0x1BF5;
	[smem:$0x3FBB] =	sst s0  }
0x18: {  	s0 =	sld [smem:$0x3F9E];
	_ =	swait.ge [sflag:s4], $0x0  }
0x19: {  	s7 =	sld [smem:$0x3F9F]  }
0x1a: {  	s8 =	sadd.s32 $0xFFFFE003, lr  }
0x1b: {  	s9 =	sadd.s32 $0xFFFFFEF7, lr;
	s5 =	simm.s32 $0xFFFFFFFF;
	p2 =	slt.u32 s8, $0xFFFFF086  }
0x1c: {  	p1 =	slt.u32 s9, $0xF7A;
	s5 =	simm.s32 @!p2 $0x0  }
0x1d: {  	s5 =	simm.s32 @p1 $0x1;
	p0 =	seq.s32 s7, s2  }
0x1e: {  	s7 =	smul.u32 @!p0 $0xF7A, s2;
	p2 =	seq.s32 @!p0 s5, $0x0  }
0x1f: {  	s9 =	smul.u32 $0xF7A, s1;
	s8 =	simm.s32 @!p0 $0x1BF5;
	p2 =	por !p2, p0  }
0x20: {  	[sflag:s8] =	ssyncset.s32 @!p0 $0xFFFFF086;
	s6 =	sadd.s32 @!p0 s3, s7;
	s7 =	simm.s32 @!p0 $0x108  }
0x21: {  	s3 =	sadd.s32 s3, s9;
	s6 =	sadd.s32 @!p0 $0x88, s6;
	s7 =	simm.s32 @p2 $0x1082  }
0x22: {  	[simem:s7], [sflag:s8] =	dma.local @!p0 [hbm:s6], $0xF7A  }
0x23: {  	s9 =	sor.u32 $0xD0000000, s2;
	s6 =	simm.s32 $0x108;
	_ =	swait.ge @!p0 [sflag:s8], $0x0  }
0x24: {  	s3 =	sadd.s32 $0x88, s3;
	s6 =	simm.s32 @!p1 $0x1082;
	[sflag:s4] =	ssyncset.s32 $0xFFFFF086  }
0x25: {  	[simem:s6], [sflag:s4] =	dma.local [hbm:s3], $0xF7A  }
0x26: {  	[smem:$0x3F9F] =	sst s1;
	(tag) =	ssettag s2;
	_ =	strace s9  }
0x27: {  	s1 =	sld [smem:$0x3FAF]  }
0x28: {  	s2 =	sld [smem:$0x3FB0]  }
0x29: {  	s4 =	sld [smem:$0x3FB2]  }
0x2a: {  	p0 =	seq.s32 s5, $0x0;
	s5 =	sld [smem:$0x3FB3]  }
0x2b: {  	s6 =	sld [smem:$0x3FB4]  }
0x2c: {  	s7 =	sld [smem:$0x3FB5]  }
0x2d: {  	s3 =	simm.s32 $0x108;
	s8 =	sld [smem:$0x3FB6]  }
0x2e: {  	s3 =	simm.s32 @!p0 $0x1082;
	s9 =	sld [smem:$0x3FB7]  }
0x2f: {  	lr =	sadd.s32 s0, s3;
	s0 =	sld [smem:$0x3FAE]  }
0x30: {  	s3 =	sld [smem:$0x3FB1]  }
0x31: {  	[smem:$0x3FBA] =	sst s10  }
0x32: {  	s10 =	sld [smem:$0x3FB8];
	_ =	sdelay $0x3  }
0x33: {  	p0 =	seq.s32 s10, $0x1;
	s10 =	sld [smem:$0x3FBA];
	_ =	sdelay $0x3  }
0x34: {  	[smem:$0x3FBA] =	sst s10  }
0x35: {  	s10 =	sld [smem:$0x3FB9];
	_ =	sdelay $0x3  }
0x36: {  	p1 =	seq.s32 s10, $0x1;
	s10 =	sld [smem:$0x3FBA];
	_ =	sdelay $0x3  }
0x37: {  	[smem:$0x3FBA] =	sst s10  }
0x38: {  	s10 =	sld [smem:$0x3FBB]  }
0x39: {  	_ = 	snop;
	(pc) =	sbr.ind lr, $3  }
0x3a: {  	_ = 	snop  }
0x3b: {  	_ = 	snop  }
0x3c: {  	p2 =	seq.s32 s10, $0x1;
	s10 =	sld [smem:$0x3FBA]  }
0x3d: {  	_ =	shalt  }
0x3e: {  	_ =	shalt  }
0x3f: {  	_ =	shalt  }
0x40: {  	_ =	shalt  }
0x41: {  	_ =	shalt  }
0x42: {  	_ =	shalt  }
0x43: {  	_ =	shalt  }
0x44: {  	_ =	shalt  }
0x45: {  	_ =	shalt  }
0x46: {  	_ =	shalt  }
0x47: {  	_ =	shalt  }
0x48: {  	_ =	shalt  }
0x49: {  	_ =	shalt  }
0x4a: {  	_ =	shalt  }
0x4b: {  	_ =	shalt  }
0x4c: {  	_ =	shalt  }
0x4d: {  	_ =	shalt  }
0x4e: {  	_ =	shalt  }
0x4f: {  	_ =	shalt  }
0x50: {  	_ =	shalt  }
0x51: {  	_ =	shalt  }
0x52: {  	_ =	shalt  }
0x53: {  	_ =	shalt  }
0x54: {  	_ =	shalt  }
0x55: {  	_ =	shalt  }
0x56: {  	_ =	shalt  }
0x57: {  	_ =	shalt  }
0x58: {  	_ =	shalt  }
0x59: {  	_ =	shalt  }
0x5a: {  	_ =	shalt  }
0x5b: {  	_ =	shalt  }
0x5c: {  	_ =	shalt  }
0x5d: {  	_ =	shalt  }
0x5e: {  	_ =	shalt  }
0x5f: {  	_ =	shalt  }
0x60: {  	_ =	shalt  }
0x61: {  	_ =	shalt  }
0x62: {  	_ =	shalt  }
0x63: {  	_ =	shalt  }
0x64: {  	_ =	shalt  }
0x65: {  	_ =	shalt  }
0x66: {  	_ =	shalt  }
0x67: {  	_ =	shalt  }
0x68: {  	_ =	shalt  }
0x69: {  	_ =	shalt  }
0x6a: {  	_ =	shalt  }
0x6b: {  	_ =	shalt  }
0x6c: {  	_ =	shalt  }
0x6d: {  	_ =	shalt  }
0x6e: {  	_ =	shalt  }
0x6f: {  	_ =	shalt  }
0x70: {  	_ =	shalt  }
0x71: {  	_ =	shalt  }
0x72: {  	_ =	shalt  }
0x73: {  	_ =	shalt  }
0x74: {  	_ =	shalt  }
0x75: {  	_ =	shalt  }
0x76: {  	_ =	shalt  }
0x77: {  	_ =	shalt  }
0x78: {  	_ =	shalt  }
0x79: {  	_ =	shalt  }
0x7a: {  	_ =	shalt  }
0x7b: {  	_ =	shalt  }
0x7c: {  	_ =	shalt  }
0x7d: {  	_ =	shalt  }
0x7e: {  	_ =	shalt  }
0x7f: {  	_ =	shalt  }
0x80: {  	_ =	shalt  }
0x81: {  	_ =	shalt  }
0x82: {  	_ =	shalt  }
0x83: {  	_ =	shalt  }
0x84: {  	_ =	shalt  }
0x85: {  	_ =	shalt  }
0x86: {  	_ =	shalt  }
0x87: {  	_ =	shalt  }
.Lfunc_end0:
.L_simem_size_0:
called_computation_lowered:
.L_overlay_start_0:
0x88: {  	s2 =	sld [smem:$0x3FD9]  }
0x89: {  	s3 =	sld [smem:$0x3FFE];
	_ =	sdelay $0x1  }
0x8a: {  	s1 =	srdreg.scid  }
0x8b: {  	s0 =	sand.u32 $0x1, s1  }
0x8c: {  	s17 =	sshll.u32 s0, $0xA;
	s2 =	sadd.s32 s3, s2  }
0x8d: {  	s2 =	sadd.s32 s2, s17  }
0x8e: {  	[smem:$0x3FC6] =	sst s2  }
0x8f: {  	_ = 	snop  }
0x90: {  	s2 =	sld [smem:$0x3FC8];
	(tm) =	ssettm $0x1  }
0x91: {  	s18 =	sld [smem:$0x3FFB];
	_ =	sdelay $0x3  }
0x92: {  	_ =	strace s18  }
0x93: {  	s3 =	sld [smem:$0x3FFC];
	_ =	sdelay $0x3  }
0x94: {  	_ =	strace s3  }
0x95: {  	s3 =	sld [smem:$0x3FFD];
	_ =	sdelay $0x3  }
0x96: {  	_ =	strace s3  }
0x97: {  	_ =	strace $0x8FFFFFFF  }
0x98: {  	s19 =	sld [smem:$0x3FDB];
	_ =	sdelay $0x1  }
0x99: {  	s4 =	simm.s32 $_scs_section_size  }
0x9a: {  	s5 =	simm.s32 $_size__tile_overlayer_lowered;
	s6 =	simm.s32 $_tile_overlayer_lowered  }
0x9b: {  	s22 =	simm.s32 $0x1BFF;
	s21 =	sshll.u32 s6, $0x1;
	s3 =	sadd.s32 s4, s19  }
0x9c: {  	s7 =	simm.s32 $0x0;
	s20 =	sshll.u32 s5, $0x1;
	s5 =	sadd.s32 s21, s3  }
0x9d: {  	[timem:s7], [sflag:s22] =	dma.local [hbm:s5], s20  }
0x9e: {  	_ =	swait.ge [sflag:s22], s20  }
0x9f: {  	s4 =	ssub.s32 $0x0, s20;
	[sflag:s22] =	ssyncset.done $0x0  }
0xa0: {  	[sflag:s22] =	ssyncadd.s32 s4;
	_ =	sdelay $0x1  }
0xa1: {  	s23 =	simm.s32 $0x1B8B  }
0xa2: {  	_ =	swait.ge [sflag:s23], $0x1  }
0xa3: {  	[sflag:s23] =	ssyncset.done $0x0  }
0xa4: {  	s25 =	simm.s32 $0x1B8E;
	s24 =	sld [smem:$0x3FFE];
	[sflag:s23] =	ssyncadd.s32 $0xFFFFFFFF  }
0xa5: {  	s26 =	simm.s32 $execute0_lowered;
	[smem:$0x3FD2] =	sst s25  }
0xa6: {  	s5 =	sshll.u32 s26, $0x1;
	_ =	strace $0x80000046;
	[dreg:$0x1] =	wrdreg $0xFFFFFFFF  }
0xa7: {  	s28 =	simm.s32 $_size_execute0_lowered;
	s3 =	sadd.s32 s3, s5;
	[dreg:$0x0] =	wrdreg $0x0  }
0xa8: {  	s5 =	sshll.u32 s28, $0x1;
	[dreg:$0x2] =	wrdreg s3  }
0xa9: {  	[dreg:$0x3] =	wrdreg s5  }
0xaa: {  	[dreg:$0x4] =	wrdreg $0xC0  }
0xab: {  	_ =	task [dreg:s7], $0x5FFFF  }
0xac: {  	[dreg:$0x1] =	wrdreg $0xFFFFFFFF  }
0xad: {  	[dreg:$0x0] =	wrdreg $0x60  }
0xae: {  	[dreg:$0x2] =	wrdreg s24  }
0xaf: {  	[dreg:$0x3] =	wrdreg s2  }
0xb0: {  	[dreg:$0x4] =	wrdreg $0x9  }
0xb1: {  	_ =	task.clear_ibuf [dreg:s7], $0x5FFFF;
	_ =	strace $0x90000046  }
0xb2: {  	s29 =	simm.s32 $0x9;
	_ =	strace $0x80000048  }
0xb3: {  	_ =	swait.ge [sflag:s29], $0x1  }
0xb4: {  	[sflag:s29] =	ssyncadd.s32 $0xFFFFFFFF  }
0xb5: {  	_ =	strace $0x90000048  }
0xb6: {  	_ =	sfence  }
0xb7: {  	s30 =	sld [smem:$0x0];
	_ =	sdelay $0x2  }
0xb8: {  	s31 =	sshll.u32 s1, $0xD;
	s1 =	sshrl.u32 s1, $0x2  }
0xb9: {  	s3 =	sand.u32 $0x4000, s31;
	s1 =	sadd.s32 s1, s30  }
0xba: {  	s0 =	sor.u32 s3, s0;
	s1 =	sshll.u32 s1, $0x11  }
0xbb: {  	s0 =	sor.u32 s1, s0  }
0xbc: {  	s0 =	sadd.s32 $0x8F2B, s0  }
0xbd: {  	[sflag:s0] =	ssyncadd.remote.s32 $0x1  }
0xbe: {  	_ =	sfence.sel $0xFFFF  }
0xbf: {  	[dreg:$0x0] =	wrdreg $0xFFFFFFFF;
	(pc) =	sbr.abs _section_cstart, $3  }
0xc0: {  	[dreg:$0x1] =	wrdreg $0xFFFFFFFF  }
0xc1: {  	_ =	task.clear_ibuf [dreg:s7], $0x2FFFF;
	_ =	strace $0x9FFFFFFF  }
0xc2: {  	(tm) =	ssettm $0x7FFFFFFF  }
0xc3: {  	_ =	shalt  }
tec
execute0_lowered:
.L_overlay_start_1:
0x0: {  	(tag) =	ssettag $0x1  }
0x1: {  	s0 =	srdreg.scid  }
0x2: {  	s17 =	stileid.u32;
	s4 =	sand.u32 $0x1, s0  }
0x3: {  	s26 =	sshll.u32 s17, $0x2;
	s1 =	sshll.u32 s4, $0x1  }
0x4: {  	s6 =	rddreg [dreg:$0x0];
	s5 =	sor.u32 s1, s26  }
0x5: {  	s18 =	rddreg [dreg:$0x2];
	s1 =	smul.u32 $0x78000, s5  }
0x6: {  	s2 =	simm.s32 $0x0;
	s0 =	rddreg [dreg:$0x1]  }
0x7: {  	[smem:$0x7FF] =	sst s2;
	s3 =	sadd.s32 $0x400, s6;
	s7 =	sshrl.u32 s1, $0x3  }
0x8: {  	_ =	strace $0x80000047;
	s1 =	sadd.s32 s3, s7;
	s8 =	sor.u32 $0x1400, s7  }
0x9: {  	s10 =	sadd.s32 $0x2800, s7;
	[dreg:$0x3] =	wrdreg s1;
	s9 =	sadd.s32 s3, s8  }
0xa: {  	s30 =	sadd.s32 $0x3C00, s7;
	s28 =	sadd.s32 s3, s10;
	[dreg:$0x4] =	wrdreg s9  }
0xb: {  	s12 =	sadd.s32 $0x5000, s7;
	s31 =	sadd.s32 s3, s30;
	[dreg:$0x5] =	wrdreg s28  }
0xc: {  	s15 =	sadd.s32 $0x6400, s7;
	s13 =	sadd.s32 s3, s12;
	[dreg:$0x7] =	wrdreg s31  }
0xd: {  	s20 =	sadd.s32 $0x7800, s7;
	s16 =	sadd.s32 s3, s15;
	[dreg:$0x9] =	wrdreg s13  }
0xe: {  	s23 =	sadd.s32 $0x8C00, s7;
	s21 =	sadd.s32 s3, s20;
	[dreg:$0xb] =	wrdreg s16  }
0xf: {  	s1 =	sadd.s32 $0x3C0400, s6;
	s24 =	sadd.s32 s3, s23;
	[dreg:$0xd] =	wrdreg s21  }
0x10: {  	s29 =	sadd.s32 s1, s7;
	[dreg:$0xf] =	wrdreg s24  }
0x11: {  	p0 =	por $0x0, $0x0;
	s11 =	sadd.s32 s1, s8;
	[dreg:$0x6] =	wrdreg s29  }
0x12: {  	s4 =	ssub.s32 $0x2, s4;
	s14 =	sadd.s32 s1, s10;
	[dreg:$0x8] =	wrdreg s11  }
0x13: {  	s26 =	sadd.s32 $0xA000, s7;
	s19 =	sadd.s32 s1, s30;
	[dreg:$0xa] =	wrdreg s14  }
0x14: {  	s22 =	sadd.s32 s1, s12;
	s25 =	sadd.s32 s1, s15;
	[dreg:$0xc] =	wrdreg s19  }
0x15: {  	s28 =	sadd.s32 s3, s26;
	s30 =	sadd.s32 $0xB400, s7;
	[dreg:$0xe] =	wrdreg s22  }
0x16: {  	s8 =	sadd.s32 s1, s23;
	s12 =	sadd.s32 $0xC800, s7;
	[dreg:$0x10] =	wrdreg s25  }
0x17: {  	s10 =	sadd.s32 s1, s26;
	[dreg:$0x11] =	wrdreg s28;
	s29 =	sadd.s32 s1, s20  }
0x18: {  	s11 =	sshrl.u32 s4, $0x1;
	s31 =	sadd.s32 s3, s30;
	[dreg:$0x14] =	wrdreg s8  }
0x19: {  	s13 =	sadd.s32 s3, s12;
	s14 =	sshrl.u32 s17, $0x1;
	[dreg:$0x16] =	wrdreg s10  }
0x1a: {  	s8 =	sor.u32 $0x1, s5;
	s9 =	sadd.s32 s1, s30;
	[dreg:$0x12] =	wrdreg s29  }
0x1b: {  	s5 =	sshll.u32 s5, $0x7;
	s20 =	sadd.s32 s1, s12;
	[dreg:$0x13] =	wrdreg s31  }
0x1c: {  	s4 =	ssub.s32 s4, s11;
	[dreg:$0x15] =	wrdreg s13;
	s15 =	smul.u32 $0x78000, s8  }
0x1d: {  	s13 =	sadd.s32 $0xDC00, s7;
	s6 =	smul.u32 $0x1400, s14;
	[dreg:$0x18] =	wrdreg s9  }
0x1e: {  	s5 =	sand.u32 $0x300, s5;
	[dreg:$0x1a] =	wrdreg s20;
	s8 =	sshll.u32 s8, $0x7  }
0x1f: {  	s9 =	simm.s32 $0x1;
	s16 =	sadd.s32 s3, s13;
	s23 =	sadd.s32 s1, s13  }
0x20: {  	s8 =	sand.u32 $0x380, s8;
	s13 =	simm.s32 $0x1000;
	[dreg:$0x17] =	wrdreg s16  }
0x21: {  	s7 =	sshrl.u32 s15, $0x3;
	s26 =	sor.u32 s6, s5;
	[dreg:$0x1c] =	wrdreg s23  }
0x22: {  	s19 =	sadd.s32 s3, s7;
	s21 =	sadd.s32 $0x1400, s7;
	s24 =	sadd.s32 $0x2800, s7  }
0x23: {  	s29 =	sadd.s32 s1, s7;
	s30 =	sadd.s32 $0x3C00, s7;
	[dreg:$0x19] =	wrdreg s19  }
0x24: {  	s12 =	sshrl.u32 s26, $0x3;
	s22 =	sadd.s32 s3, s21;
	[dreg:$0x1e] =	wrdreg s29  }
0x25: {  	s14 =	sadd.s32 $0x5000, s7;
	s28 =	sadd.s32 s3, s24;
	[dreg:$0x1b] =	wrdreg s22  }
0x26: {  	s31 =	sadd.s32 s3, s30;
	s10 =	sadd.s32 s1, s21;
	[dreg:$0x1d] =	wrdreg s28  }
0x27: {  	s25 =	sadd.s32 s0, s12;
	s15 =	sadd.s32 s3, s14;
	[dreg:$0x1f] =	wrdreg s31  }
0x28: {  	s16 =	sadd.s32 s1, s24;
	s19 =	sadd.s32 $0x6400, s7;
	[smem:$0x7EB] =	sst s10  }
0x29: {  	s12 =	sadd.s32 $0xA000, s6;
	s21 =	sadd.s32 s1, s30;
	[smem:$0x7EC] =	sst s15  }
0x2a: {  	s26 =	sadd.s32 s1, s14;
	s6 =	sor.u32 s6, s8;
	[smem:$0x7ED] =	sst s16  }
0x2b: {  	s20 =	sadd.s32 s3, s19;
	s22 =	sadd.s32 $0x7800, s7;
	[smem:$0x7EF] =	sst s21  }
0x2c: {  	s5 =	sor.u32 s12, s5;
	s28 =	sadd.s32 $0x8C00, s7;
	[smem:$0x7F1] =	sst s26  }
0x2d: {  	s30 =	sadd.s32 s1, s19;
	s31 =	sadd.s32 $0xA000, s7;
	[smem:$0x7EE] =	sst s20  }
0x2e: {  	s16 =	sadd.s32 $0xB400, s7;
	s24 =	sadd.s32 s3, s22;
	[smem:$0x7F3] =	sst s30  }
0x2f: {  	s21 =	sadd.s32 $0xC800, s7;
	s29 =	sadd.s32 s3, s28;
	[smem:$0x7F0] =	sst s24  }
0x30: {  	s7 =	sadd.s32 $0xDC00, s7;
	s14 =	sadd.s32 s3, s31;
	[smem:$0x7F2] =	sst s29  }
0x31: {  	s26 =	sshrl.u32 s6, $0x3;
	s15 =	sadd.s32 s1, s22;
	[smem:$0x7F4] =	sst s14  }
0x32: {  	s10 =	simm.s32 $0x2;
	s19 =	sadd.s32 s3, s16;
	[smem:$0x7F5] =	sst s15  }
0x33: {  	s5 =	sshrl.u32 s5, $0x3;
	s20 =	sadd.s32 s1, s28;
	[smem:$0x7F6] =	sst s19  }
0x34: {  	s22 =	sadd.s32 s3, s21;
	s3 =	sadd.s32 s3, s7;
	[smem:$0x7F7] =	sst s20  }
0x35: {  	s28 =	sadd.s32 s1, s16;
	s30 =	sadd.s32 s1, s21;
	[smem:$0x7F8] =	sst s22  }
0x36: {  	s16 =	simm.s32 $0x400;
	s23 =	sadd.s32 s0, s5;
	[smem:$0x7FA] =	sst s3  }
0x37: {  	s24 =	sadd.s32 s1, s31;
	s29 =	sor.u32 s12, s8;
	[smem:$0x7FB] =	sst s28  }
0x38: {  	[smem:$0x7FC] =	sst s30;
	s1 =	sadd.s32 s1, s7;
	s31 =	smax.u32 s4, $0x1  }
0x39: {  	s22 =	sadd.s32 s0, s26;
	s3 =	simm.s32 $0x14000;
	p1 =	sne.s32 s31, $0x1  }
.Ltmp0:
0x3a: {  	s15 =	simm.s32 $0x800;
	s14 =	simm.s32 $0xC00;
	(pc) =	sbr.rel @!p1 .LBB2_5-.Ltmp0, $4  }
0x3b: {  	s12 =	simm.s32 $0x7;
	s7 =	simm.s32 $0x4;
	s20 =	rddreg [dreg:$0x3]  }
0x3c: {  	s5 =	simm.s32 $0x5;
	s8 =	simm.s32 $0x3;
	[smem:$0x7F9] =	sst s24  }
0x3d: {  	s4 =	simm.s32 $0x6;
	s6 =	sshrl.u32 s29, $0x3;
	[smem:$0x7FD] =	sst s1  }
0x3e: {  	s19 =	sadd.s32 $0xFFFFFFFF, s31;
	s21 =	sadd.s32 s0, s6;
	s6 =	simm.s32 $0xA000  }
0x3f: {  	[tilespmem:s2], [sflag:$0x1] =	stream.linear.gather [hbm4b:s20+s2], $0xA000, $0x38;
	[tilespmem:$0x1E000] =	vst v63  }
0x40: {  	s0 =	rddreg [dreg:$0x4]  }
0x41: {  	[tilespmem:s6], [sflag:$0x2] =	stream.linear.gather [hbm4b:s0+s2], $0xA000, $0x38;
	[tilespmem:$0x1E000] =	vst v63  }
0x42: {  	s1 =	rddreg [dreg:$0x5]  }
0x43: {  	[tilespmem:s3], [sflag:$0x3] =	stream.linear.gather [hbm4b:s1+s2], $0xA000, $0x38;
	[tilespmem:$0x1E000] =	vst v63  }
0x44: {  	_ =	swait.ge [sflag:s9], $0xA000  }
0x45: {  	[sflag:s9] =	ssyncset.done $0x0  }
0x46: {  	s20 =	sadd.s32 $0x80, s25;
	[sflag:s9] =	ssyncadd.s32 $0xFFFF6000  }
0x47: {  	[tilespmem:s2], [sflag:$0x7] =	stream.linear.gather [hbm4b:s25+s2], $0x80, $0x38;
	[tilespmem:$0x1E000] =	vst v63  }
0x48: {  	s24 =	sadd.s32 $0x100, s25;
	[smem:$0x7E5] =	sst s20  }
0x49: {  	[tilespmem:s16], [sflag:$0x7] =	stream.linear.gather [hbm4b:s20+s2], $0x80, $0x38;
	[tilespmem:$0x1E000] =	vst v63  }
0x4a: {  	s26 =	sadd.s32 $0x180, s25;
	[smem:$0x7E6] =	sst s24  }
0x4b: {  	[tilespmem:s15], [sflag:$0x7] =	stream.linear.gather [hbm4b:s24+s2], $0x80, $0x38;
	[tilespmem:$0x1E000] =	vst v63  }
0x4c: {  	s1 =	sadd.s32 $0x200, s25;
	[smem:$0x7E7] =	sst s26  }
0x4d: {  	[tilespmem:s14], [sflag:$0x7] =	stream.linear.gather [hbm4b:s26+s2], $0x80, $0x38;
	[tilespmem:$0x1E000] =	vst v63  }
0x4e: {  	[smem:$0x7E8] =	sst s1  }
0x4f: {  	[tilespmem:s13], [sflag:$0x7] =	stream.linear.gather [hbm4b:s1+s2], $0x80, $0x38;
	[tilespmem:$0x1E000] =	vst v63  }
0x50: {  	_ =	swait.ge [sflag:s12], $0x280  }
0x51: {  	[sflag:s12] =	ssyncset.done $0x0  }
0x52: {  	s11 =	rddreg [dreg:$0x6];
	[sflag:s12] =	ssyncadd.s32 $0xFFFFFD80  }
0x53: {  	[hbm4b:s11+s2] =	stream.linear.scatter [tilespmem:s2], [sflag:$0x4], $0xA000, $0x38;
	[tilespmem:$0x1E000] =	vst v63  }
0x54: {  	_ =	swait.ge [sflag:s7], $0xA000  }
0x55: {  	[sflag:s7] =	ssyncset.done $0x0  }
0x56: {  	s17 =	rddreg [dreg:$0x7];
	[sflag:s7] =	ssyncadd.s32 $0xFFFF6000  }
0x57: {  	[tilespmem:s2], [sflag:$0x1] =	stream.linear.gather [hbm4b:s17+s2], $0xA000, $0x38;
	[tilespmem:$0x1E000] =	vst v63  }
0x58: {  	_ =	swait.ge [sflag:s10], $0xA000  }
0x59: {  	[sflag:s10] =	ssyncset.done $0x0  }
0x5a: {  	s18 =	rddreg [dreg:$0x8];
	[sflag:s10] =	ssyncadd.s32 $0xFFFF6000  }
0x5b: {  	[hbm4b:s18+s2] =	stream.linear.scatter [tilespmem:s6], [sflag:$0x5], $0xA000, $0x38;
	[tilespmem:$0x1E000] =	vst v63  }
0x5c: {  	_ =	swait.ge [sflag:s5], $0xA000  }
0x5d: {  	[sflag:s5] =	ssyncset.done $0x0  }
0x5e: {  	s20 =	rddreg [dreg:$0x9];
	[sflag:s5] =	ssyncadd.s32 $0xFFFF6000  }
0x5f: {  	[tilespmem:s6], [sflag:$0x2] =	stream.linear.gather [hbm4b:s20+s2], $0xA000, $0x38;
	[tilespmem:$0x1E000] =	vst v63  }
0x60: {  	_ =	swait.ge [sflag:s8], $0xA000  }
0x61: {  	[sflag:s8] =	ssyncset.done $0x0  }
0x62: {  	s24 =	rddreg [dreg:$0xa];
	[sflag:s8] =	ssyncadd.s32 $0xFFFF6000  }
0x63: {  	[hbm4b:s24+s2] =	stream.linear.scatter [tilespmem:s3], [sflag:$0x6], $0xA000, $0x38;
	[tilespmem:$0x1E000] =	vst v63  }
0x64: {  	_ =	swait.ge [sflag:s4], $0xA000  }
0x65: {  	[sflag:s4] =	ssyncset.done $0x0  }
0x66: {  	s26 =	rddreg [dreg:$0xb];
	[sflag:s4] =	ssyncadd.s32 $0xFFFF6000  }
0x67: {  	[tilespmem:s3], [sflag:$0x3] =	stream.linear.gather [hbm4b:s26+s2], $0xA000, $0x38;
	[tilespmem:$0x1E000] =	vst v63  }
0x68: {  	_ =	swait.ge [sflag:s9], $0xA000  }
0x69: {  	[sflag:s9] =	ssyncset.done $0x0  }
0x6a: {  	s1 =	rddreg [dreg:$0xc];
	[sflag:s9] =	ssyncadd.s32 $0xFFFF6000  }
0x6b: {  	[hbm4b:s1+s2] =	stream.linear.scatter [tilespmem:s2], [sflag:$0x4], $0xA000, $0x38;
	[tilespmem:$0x1E000] =	vst v63  }
0x6c: {  	_ =	swait.ge [sflag:s7], $0xA000  }
0x6d: {  	[sflag:s7] =	ssyncset.done $0x0  }
0x6e: {  	s11 =	rddreg [dreg:$0xd];
	[sflag:s7] =	ssyncadd.s32 $0xFFFF6000  }
0x6f: {  	[tilespmem:s2], [sflag:$0x1] =	stream.linear.gather [hbm4b:s11+s2], $0xA000, $0x38;
	[tilespmem:$0x1E000] =	vst v63  }
0x70: {  	_ =	swait.ge [sflag:s10], $0xA000  }
0x71: {  	[sflag:s10] =	ssyncset.done $0x0  }
0x72: {  	s17 =	rddreg [dreg:$0xe];
	[sflag:s10] =	ssyncadd.s32 $0xFFFF6000  }
0x73: {  	[hbm4b:s17+s2] =	stream.linear.scatter [tilespmem:s6], [sflag:$0x5], $0xA000, $0x38;
	[tilespmem:$0x1E000] =	vst v63  }
0x74: {  	_ =	swait.ge [sflag:s5], $0xA000  }
0x75: {  	[sflag:s5] =	ssyncset.done $0x0  }
0x76: {  	s18 =	rddreg [dreg:$0xf];
	[sflag:s5] =	ssyncadd.s32 $0xFFFF6000  }
0x77: {  	[tilespmem:s6], [sflag:$0x2] =	stream.linear.gather [hbm4b:s18+s2], $0xA000, $0x38;
	[tilespmem:$0x1E000] =	vst v63  }
0x78: {  	_ =	swait.ge [sflag:s8], $0xA000  }
0x79: {  	[sflag:s8] =	ssyncset.done $0x0  }
0x7a: {  	s20 =	rddreg [dreg:$0x10];
	[sflag:s8] =	ssyncadd.s32 $0xFFFF6000  }
0x7b: {  	[hbm4b:s20+s2] =	stream.linear.scatter [tilespmem:s3], [sflag:$0x6], $0xA000, $0x38;
	[tilespmem:$0x1E000] =	vst v63  }
0x7c: {  	_ =	swait.ge [sflag:s4], $0xA000  }
0x7d: {  	[sflag:s4] =	ssyncset.done $0x0  }
0x7e: {  	s24 =	rddreg [dreg:$0x11];
	[sflag:s4] =	ssyncadd.s32 $0xFFFF6000  }
0x7f: {  	[tilespmem:s3], [sflag:$0x3] =	stream.linear.gather [hbm4b:s24+s2], $0xA000, $0x38;
	[tilespmem:$0x1E000] =	vst v63  }
0x80: {  	_ =	swait.ge [sflag:s9], $0xA000  }
0x81: {  	[sflag:s9] =	ssyncset.done $0x0  }
0x82: {  	[sflag:s9] =	ssyncadd.s32 $0xFFFF6000  }
0x83: {  	[tilespmem:s2], [sflag:$0x7] =	stream.linear.gather [hbm4b:s23+s2], $0x80, $0x38;
	[tilespmem:$0x1E000] =	vst v63  }
0x84: {  	s26 =	sadd.s32 $0x80, s23  }
0x85: {  	[tilespmem:s16], [sflag:$0x7] =	stream.linear.gather [hbm4b:s26+s2], $0x80, $0x38;
	[tilespmem:$0x1E000] =	vst v63  }
0x86: {  	s1 =	sadd.s32 $0x100, s23  }
0x87: {  	[tilespmem:s15], [sflag:$0x7] =	stream.linear.gather [hbm4b:s1+s2], $0x80, $0x38;
	[tilespmem:$0x1E000] =	vst v63  }
0x88: {  	s11 =	sadd.s32 $0x180, s23;
	[smem:$0x7E9] =	sst s26  }
0x89: {  	[tilespmem:s14], [sflag:$0x7] =	stream.linear.gather [hbm4b:s11+s2], $0x80, $0x38;
	[tilespmem:$0x1E000] =	vst v63  }
0x8a: {  	s17 =	sadd.s32 $0x200, s23;
	[smem:$0x7EA] =	sst s1  }
0x8b: {  	[tilespmem:s13], [sflag:$0x7] =	stream.linear.gather [hbm4b:s17+s2], $0x80, $0x38;
	[tilespmem:$0x1E000] =	vst v63  }
0x8c: {  	_ =	swait.ge [sflag:s12], $0x280  }
0x8d: {  	[sflag:s12] =	ssyncset.done $0x0  }
0x8e: {  	s18 =	rddreg [dreg:$0x12];
	[sflag:s12] =	ssyncadd.s32 $0xFFFFFD80  }
0x8f: {  	[hbm4b:s18+s2] =	stream.linear.scatter [tilespmem:s2], [sflag:$0x4], $0xA000, $0x38;
	[tilespmem:$0x1E000] =	vst v63  }
0x90: {  	_ =	swait.ge [sflag:s7], $0xA000  }
0x91: {  	[sflag:s7] =	ssyncset.done $0x0  }
0x92: {  	s20 =	rddreg [dreg:$0x13];
	[sflag:s7] =	ssyncadd.s32 $0xFFFF6000  }
0x93: {  	[tilespmem:s2], [sflag:$0x1] =	stream.linear.gather [hbm4b:s20+s2], $0xA000, $0x38;
	[tilespmem:$0x1E000] =	vst v63  }
0x94: {  	_ =	swait.ge [sflag:s10], $0xA000  }
0x95: {  	[sflag:s10] =	ssyncset.done $0x0  }
0x96: {  	s24 =	rddreg [dreg:$0x14];
	[sflag:s10] =	ssyncadd.s32 $0xFFFF6000  }
0x97: {  	[hbm4b:s24+s2] =	stream.linear.scatter [tilespmem:s6], [sflag:$0x5], $0xA000, $0x38;
	[tilespmem:$0x1E000] =	vst v63  }
0x98: {  	_ =	swait.ge [sflag:s5], $0xA000  }
0x99: {  	[sflag:s5] =	ssyncset.done $0x0  }
0x9a: {  	s1 =	rddreg [dreg:$0x15];
	[sflag:s5] =	ssyncadd.s32 $0xFFFF6000  }
0x9b: {  	[tilespmem:s6], [sflag:$0x2] =	stream.linear.gather [hbm4b:s1+s2], $0xA000, $0x38;
	[tilespmem:$0x1E000] =	vst v63  }
0x9c: {  	_ =	swait.ge [sflag:s8], $0xA000  }
0x9d: {  	[sflag:s8] =	ssyncset.done $0x0  }
0x9e: {  	s26 =	smov.u32 s11;
	s11 =	rddreg [dreg:$0x16];
	[sflag:s8] =	ssyncadd.s32 $0xFFFF6000  }
0x9f: {  	[hbm4b:s11+s2] =	stream.linear.scatter [tilespmem:s3], [sflag:$0x6], $0xA000, $0x38;
	[tilespmem:$0x1E000] =	vst v63  }
0xa0: {  	_ =	swait.ge [sflag:s4], $0xA000  }
0xa1: {  	[sflag:s4] =	ssyncset.done $0x0  }
0xa2: {  	s28 =	smov.u32 s17;
	s17 =	rddreg [dreg:$0x17];
	[sflag:s4] =	ssyncadd.s32 $0xFFFF6000  }
0xa3: {  	[tilespmem:s3], [sflag:$0x3] =	stream.linear.gather [hbm4b:s17+s2], $0xA000, $0x38;
	[tilespmem:$0x1E000] =	vst v63  }
0xa4: {  	_ =	swait.ge [sflag:s9], $0xA000  }
0xa5: {  	[sflag:s9] =	ssyncset.done $0x0  }
0xa6: {  	s18 =	rddreg [dreg:$0x18];
	[sflag:s9] =	ssyncadd.s32 $0xFFFF6000  }
0xa7: {  	[hbm4b:s18+s2] =	stream.linear.scatter [tilespmem:s2], [sflag:$0x4], $0xA000, $0x38;
	[tilespmem:$0x1E000] =	vst v63  }
0xa8: {  	_ =	swait.ge [sflag:s7], $0xA000  }
0xa9: {  	[sflag:s7] =	ssyncset.done $0x0  }
0xaa: {  	s20 =	rddreg [dreg:$0x19];
	[sflag:s7] =	ssyncadd.s32 $0xFFFF6000  }
0xab: {  	[tilespmem:s2], [sflag:$0x1] =	stream.linear.gather [hbm4b:s20+s2], $0xA000, $0x38;
	[tilespmem:$0x1E000] =	vst v63  }
0xac: {  	_ =	swait.ge [sflag:s10], $0xA000  }
0xad: {  	[sflag:s10] =	ssyncset.done $0x0  }
0xae: {  	s24 =	rddreg [dreg:$0x1a];
	[sflag:s10] =	ssyncadd.s32 $0xFFFF6000  }
0xaf: {  	[hbm4b:s24+s2] =	stream.linear.scatter [tilespmem:s6], [sflag:$0x5], $0xA000, $0x38;
	[tilespmem:$0x1E000] =	vst v63  }
0xb0: {  	_ =	swait.ge [sflag:s5], $0xA000  }
0xb1: {  	[sflag:s5] =	ssyncset.done $0x0  }
0xb2: {  	s1 =	rddreg [dreg:$0x1b];
	[sflag:s5] =	ssyncadd.s32 $0xFFFF6000  }
0xb3: {  	[tilespmem:s6], [sflag:$0x2] =	stream.linear.gather [hbm4b:s1+s2], $0xA000, $0x38;
	[tilespmem:$0x1E000] =	vst v63  }
0xb4: {  	_ =	swait.ge [sflag:s8], $0xA000  }
0xb5: {  	[sflag:s8] =	ssyncset.done $0x0  }
0xb6: {  	s11 =	rddreg [dreg:$0x1c];
	[sflag:s8] =	ssyncadd.s32 $0xFFFF6000  }
0xb7: {  	[hbm4b:s11+s2] =	stream.linear.scatter [tilespmem:s3], [sflag:$0x6], $0xA000, $0x38;
	[tilespmem:$0x1E000] =	vst v63  }
0xb8: {  	_ =	swait.ge [sflag:s4], $0xA000  }
0xb9: {  	[sflag:s4] =	ssyncset.done $0x0  }
0xba: {  	s17 =	rddreg [dreg:$0x1d];
	[sflag:s4] =	ssyncadd.s32 $0xFFFF6000  }
0xbb: {  	[tilespmem:s3], [sflag:$0x3] =	stream.linear.gather [hbm4b:s17+s2], $0xA000, $0x38;
	[tilespmem:$0x1E000] =	vst v63  }
0xbc: {  	_ =	swait.ge [sflag:s9], $0xA000  }
0xbd: {  	[sflag:s9] =	ssyncset.done $0x0  }
0xbe: {  	[sflag:s9] =	ssyncadd.s32 $0xFFFF6000  }
0xbf: {  	[tilespmem:s2], [sflag:$0x7] =	stream.linear.gather [hbm4b:s22+s2], $0x80, $0x38;
	[tilespmem:$0x1E000] =	vst v63  }
0xc0: {  	s29 =	sadd.s32 $0x80, s22  }
0xc1: {  	[tilespmem:s16], [sflag:$0x7] =	stream.linear.gather [hbm4b:s29+s2], $0x80, $0x38;
	[tilespmem:$0x1E000] =	vst v63  }
0xc2: {  	s30 =	sadd.s32 $0x100, s22  }
0xc3: {  	[tilespmem:s15], [sflag:$0x7] =	stream.linear.gather [hbm4b:s30+s2], $0x80, $0x38;
	[tilespmem:$0x1E000] =	vst v63  }
0xc4: {  	s31 =	sadd.s32 $0x180, s22  }
0xc5: {  	[tilespmem:s14], [sflag:$0x7] =	stream.linear.gather [hbm4b:s31+s2], $0x80, $0x38;
	[tilespmem:$0x1E000] =	vst v63  }
0xc6: {  	s1 =	sadd.s32 $0x200, s22  }
0xc7: {  	[tilespmem:s13], [sflag:$0x7] =	stream.linear.gather [hbm4b:s1+s2], $0x80, $0x38;
	[tilespmem:$0x1E000] =	vst v63  }
0xc8: {  	_ =	swait.ge [sflag:s12], $0x280  }
0xc9: {  	[sflag:s12] =	ssyncset.done $0x0  }
0xca: {  	s18 =	rddreg [dreg:$0x1e];
	[sflag:s12] =	ssyncadd.s32 $0xFFFFFD80  }
0xcb: {  	[hbm4b:s18+s2] =	stream.linear.scatter [tilespmem:s2], [sflag:$0x4], $0xA000, $0x38;
	[tilespmem:$0x1E000] =	vst v63  }
0xcc: {  	_ =	swait.ge [sflag:s7], $0xA000  }
0xcd: {  	[sflag:s7] =	ssyncset.done $0x0  }
0xce: {  	s20 =	rddreg [dreg:$0x1f];
	[sflag:s7] =	ssyncadd.s32 $0xFFFF6000  }
0xcf: {  	[tilespmem:s2], [sflag:$0x1] =	stream.linear.gather [hbm4b:s20+s2], $0xA000, $0x38;
	[tilespmem:$0x1E000] =	vst v63  }
0xd0: {  	_ =	swait.ge [sflag:s10], $0xA000  }
0xd1: {  	s24 =	sld [smem:$0x7EB]  }
0xd2: {  	[sflag:s10] =	ssyncset.done $0x0  }
0xd3: {  	[sflag:s10] =	ssyncadd.s32 $0xFFFF6000  }
0xd4: {  	[hbm4b:s24+s2] =	stream.linear.scatter [tilespmem:s6], [sflag:$0x5], $0xA000, $0x38;
	[tilespmem:$0x1E000] =	vst v63  }
0xd5: {  	_ =	swait.ge [sflag:s5], $0xA000  }
0xd6: {  	s11 =	sld [smem:$0x7EC]  }
0xd7: {  	[sflag:s5] =	ssyncset.done $0x0  }
0xd8: {  	[sflag:s5] =	ssyncadd.s32 $0xFFFF6000  }
0xd9: {  	[tilespmem:s6], [sflag:$0x2] =	stream.linear.gather [hbm4b:s11+s2], $0xA000, $0x38;
	[tilespmem:$0x1E000] =	vst v63  }
0xda: {  	_ =	swait.ge [sflag:s8], $0xA000  }
0xdb: {  	s17 =	sld [smem:$0x7ED]  }
0xdc: {  	[sflag:s8] =	ssyncset.done $0x0  }
0xdd: {  	[sflag:s8] =	ssyncadd.s32 $0xFFFF6000  }
0xde: {  	[hbm4b:s17+s2] =	stream.linear.scatter [tilespmem:s3], [sflag:$0x6], $0xA000, $0x38;
	[tilespmem:$0x1E000] =	vst v63  }
0xdf: {  	_ =	swait.ge [sflag:s4], $0xA000  }
0xe0: {  	s18 =	sld [smem:$0x7EE]  }
0xe1: {  	[sflag:s4] =	ssyncset.done $0x0  }
0xe2: {  	[sflag:s4] =	ssyncadd.s32 $0xFFFF6000  }
0xe3: {  	[tilespmem:s3], [sflag:$0x3] =	stream.linear.gather [hbm4b:s18+s2], $0xA000, $0x38;
	[tilespmem:$0x1E000] =	vst v63  }
0xe4: {  	_ =	swait.ge [sflag:s9], $0xA000  }
0xe5: {  	s20 =	sld [smem:$0x7EF]  }
0xe6: {  	[sflag:s9] =	ssyncset.done $0x0  }
0xe7: {  	[sflag:s9] =	ssyncadd.s32 $0xFFFF6000  }
0xe8: {  	[hbm4b:s20+s2] =	stream.linear.scatter [tilespmem:s2], [sflag:$0x4], $0xA000, $0x38;
	[tilespmem:$0x1E000] =	vst v63  }
0xe9: {  	_ =	swait.ge [sflag:s7], $0xA000  }
0xea: {  	s24 =	sld [smem:$0x7F0]  }
0xeb: {  	[sflag:s7] =	ssyncset.done $0x0  }
0xec: {  	[sflag:s7] =	ssyncadd.s32 $0xFFFF6000  }
0xed: {  	[tilespmem:s2], [sflag:$0x1] =	stream.linear.gather [hbm4b:s24+s2], $0xA000, $0x38;
	[tilespmem:$0x1E000] =	vst v63  }
0xee: {  	_ =	swait.ge [sflag:s10], $0xA000  }
0xef: {  	s11 =	sld [smem:$0x7F1]  }
0xf0: {  	[sflag:s10] =	ssyncset.done $0x0  }
0xf1: {  	[sflag:s10] =	ssyncadd.s32 $0xFFFF6000  }
0xf2: {  	[hbm4b:s11+s2] =	stream.linear.scatter [tilespmem:s6], [sflag:$0x5], $0xA000, $0x38;
	[tilespmem:$0x1E000] =	vst v63  }
0xf3: {  	_ =	swait.ge [sflag:s5], $0xA000  }
0xf4: {  	s17 =	sld [smem:$0x7F2]  }
0xf5: {  	[sflag:s5] =	ssyncset.done $0x0  }
0xf6: {  	[sflag:s5] =	ssyncadd.s32 $0xFFFF6000  }
0xf7: {  	[tilespmem:s6], [sflag:$0x2] =	stream.linear.gather [hbm4b:s17+s2], $0xA000, $0x38;
	[tilespmem:$0x1E000] =	vst v63  }
0xf8: {  	_ =	swait.ge [sflag:s8], $0xA000  }
0xf9: {  	s18 =	sld [smem:$0x7F3]  }
0xfa: {  	[sflag:s8] =	ssyncset.done $0x0  }
0xfb: {  	[sflag:s8] =	ssyncadd.s32 $0xFFFF6000  }
0xfc: {  	[hbm4b:s18+s2] =	stream.linear.scatter [tilespmem:s3], [sflag:$0x6], $0xA000, $0x38;
	[tilespmem:$0x1E000] =	vst v63  }
0xfd: {  	_ =	swait.ge [sflag:s4], $0xA000  }
0xfe: {  	s20 =	sld [smem:$0x7F4]  }
0xff: {  	[sflag:s4] =	ssyncset.done $0x0  }
0x100: {  	[sflag:s4] =	ssyncadd.s32 $0xFFFF6000  }
0x101: {  	[tilespmem:s3], [sflag:$0x3] =	stream.linear.gather [hbm4b:s20+s2], $0xA000, $0x38;
	[tilespmem:$0x1E000] =	vst v63  }
0x102: {  	_ =	swait.ge [sflag:s9], $0xA000  }
0x103: {  	[sflag:s9] =	ssyncset.done $0x0  }
0x104: {  	[sflag:s9] =	ssyncadd.s32 $0xFFFF6000  }
0x105: {  	[tilespmem:s2], [sflag:$0x7] =	stream.linear.gather [hbm4b:s21+s2], $0x80, $0x38;
	[tilespmem:$0x1E000] =	vst v63  }
0x106: {  	s0 =	sadd.s32 $0x80, s21  }
0x107: {  	[tilespmem:s16], [sflag:$0x7] =	stream.linear.gather [hbm4b:s0+s2], $0x80, $0x38;
	[tilespmem:$0x1E000] =	vst v63  }
0x108: {  	s11 =	sadd.s32 $0x100, s21  }
0x109: {  	[tilespmem:s15], [sflag:$0x7] =	stream.linear.gather [hbm4b:s11+s2], $0x80, $0x38;
	[tilespmem:$0x1E000] =	vst v63  }
0x10a: {  	s17 =	sadd.s32 $0x180, s21  }
0x10b: {  	[tilespmem:s14], [sflag:$0x7] =	stream.linear.gather [hbm4b:s17+s2], $0x80, $0x38;
	[tilespmem:$0x1E000] =	vst v63  }
0x10c: {  	s18 =	sadd.s32 $0x200, s21  }
0x10d: {  	[tilespmem:s13], [sflag:$0x7] =	stream.linear.gather [hbm4b:s18+s2], $0x80, $0x38;
	[tilespmem:$0x1E000] =	vst v63  }
0x10e: {  	_ =	swait.ge [sflag:s12], $0x280  }
0x10f: {  	s24 =	sld [smem:$0x7F5]  }
0x110: {  	[sflag:s12] =	ssyncset.done $0x0  }
0x111: {  	[sflag:s12] =	ssyncadd.s32 $0xFFFFFD80  }
0x112: {  	[hbm4b:s24+s2] =	stream.linear.scatter [tilespmem:s2], [sflag:$0x4], $0xA000, $0x38;
	[tilespmem:$0x1E000] =	vst v63  }
0x113: {  	_ =	swait.ge [sflag:s7], $0xA000  }
0x114: {  	s24 =	sld [smem:$0x7F6]  }
0x115: {  	[sflag:s7] =	ssyncset.done $0x0  }
0x116: {  	[sflag:s7] =	ssyncadd.s32 $0xFFFF6000  }
0x117: {  	[tilespmem:s2], [sflag:$0x1] =	stream.linear.gather [hbm4b:s24+s2], $0xA000, $0x38;
	[tilespmem:$0x1E000] =	vst v63  }
0x118: {  	_ =	swait.ge [sflag:s10], $0xA000  }
0x119: {  	s24 =	sld [smem:$0x7F7]  }
0x11a: {  	[sflag:s10] =	ssyncset.done $0x0  }
0x11b: {  	[sflag:s10] =	ssyncadd.s32 $0xFFFF6000  }
0x11c: {  	[hbm4b:s24+s2] =	stream.linear.scatter [tilespmem:s6], [sflag:$0x5], $0xA000, $0x38;
	[tilespmem:$0x1E000] =	vst v63  }
0x11d: {  	_ =	swait.ge [sflag:s5], $0xA000  }
0x11e: {  	s24 =	sld [smem:$0x7F8]  }
0x11f: {  	[sflag:s5] =	ssyncset.done $0x0  }
0x120: {  	[sflag:s5] =	ssyncadd.s32 $0xFFFF6000  }
0x121: {  	[tilespmem:s6], [sflag:$0x2] =	stream.linear.gather [hbm4b:s24+s2], $0xA000, $0x38;
	[tilespmem:$0x1E000] =	vst v63  }
0x122: {  	_ =	swait.ge [sflag:s8], $0xA000  }
0x123: {  	s24 =	sld [smem:$0x7F9]  }
0x124: {  	[sflag:s8] =	ssyncset.done $0x0  }
0x125: {  	[sflag:s8] =	ssyncadd.s32 $0xFFFF6000  }
0x126: {  	[hbm4b:s24+s2] =	stream.linear.scatter [tilespmem:s3], [sflag:$0x6], $0xA000, $0x38;
	[tilespmem:$0x1E000] =	vst v63  }
0x127: {  	_ =	swait.ge [sflag:s4], $0xA000  }
0x128: {  	s24 =	sld [smem:$0x7FA]  }
0x129: {  	[sflag:s4] =	ssyncset.done $0x0  }
0x12a: {  	[sflag:s4] =	ssyncadd.s32 $0xFFFF6000  }
0x12b: {  	[tilespmem:s3], [sflag:$0x3] =	stream.linear.gather [hbm4b:s24+s2], $0xA000, $0x38;
	[tilespmem:$0x1E000] =	vst v63  }
0x12c: {  	_ =	swait.ge [sflag:s9], $0xA000  }
0x12d: {  	s24 =	sld [smem:$0x7FB]  }
0x12e: {  	[sflag:s9] =	ssyncset.done $0x0  }
0x12f: {  	[sflag:s9] =	ssyncadd.s32 $0xFFFF6000  }
0x130: {  	[hbm4b:s24+s2] =	stream.linear.scatter [tilespmem:s2], [sflag:$0x4], $0xA000, $0x38;
	[tilespmem:$0x1E000] =	vst v63  }
0x131: {  	_ =	swait.ge [sflag:s10], $0xA000  }
0x132: {  	s24 =	sld [smem:$0x7FC]  }
0x133: {  	[sflag:s10] =	ssyncset.done $0x0  }
0x134: {  	[sflag:s10] =	ssyncadd.s32 $0xFFFF6000  }
0x135: {  	[hbm4b:s24+s2] =	stream.linear.scatter [tilespmem:s6], [sflag:$0x5], $0xA000, $0x38;
	[tilespmem:$0x1E000] =	vst v63  }
0x136: {  	_ =	swait.ge [sflag:s8], $0xA000  }
0x137: {  	s24 =	sld [smem:$0x7FD]  }
0x138: {  	[sflag:s8] =	ssyncset.done $0x0  }
0x139: {  	[sflag:s8] =	ssyncadd.s32 $0xFFFF6000  }
0x13a: {  	[hbm4b:s24+s2] =	stream.linear.scatter [tilespmem:s3], [sflag:$0x6], $0xA000, $0x38;
	[tilespmem:$0x1E000] =	vst v63  }
0x13b: {  	_ =	swait.ge [sflag:s7], $0xA000  }
0x13c: {  	[sflag:s7] =	ssyncset.done $0x0  }
0x13d: {  	p1 =	sne.s32 s19, $0x1;
	[sflag:s7] =	ssyncadd.s32 $0xFFFF6000  }
.Ltmp1:
0x13e: {  	_ =	swait.ge [sflag:s5], $0xA000;
	(pc) =	sbr.rel @!p1 .LBB2_2-.Ltmp1, $4  }
0x13f: {  	[sflag:s5] =	ssyncset.done $0x0  }
0x140: {  	[sflag:s5] =	ssyncadd.s32 $0xFFFF6000  }
0x141: {  	s19 =	sadd.s32 $0xFFFFFFFF, s19;
	_ =	swait.ge [sflag:s4], $0xA000  }
0x142: {  	p0 =	por $0x1, $0x1;
	s20 =	rddreg [dreg:$0x3];
	[sflag:s4] =	ssyncset.done $0x0  }
.LBB2_3:
0x143: {  	[sflag:s4] =	ssyncadd.s32 $0xFFFF6000;
	s24 =	smov.u32 s23  }
0x144: {  	[tilespmem:s2], [sflag:$0x1] =	stream.linear.gather [hbm4b:s20+s2], $0xA000, $0x38;
	[tilespmem:$0x1E000] =	vst v63  }
0x145: {  	s23 =	smov.u32 s22;
	s22 =	smov.u32 s21;
	s21 =	rddreg [dreg:$0x4]  }
0x146: {  	[tilespmem:s6], [sflag:$0x2] =	stream.linear.gather [hbm4b:s21+s2], $0xA000, $0x38;
	[tilespmem:$0x1E000] =	vst v63  }
0x147: {  	s20 =	rddreg [dreg:$0x5]  }
0x148: {  	[tilespmem:s3], [sflag:$0x3] =	stream.linear.gather [hbm4b:s20+s2], $0xA000, $0x38;
	[tilespmem:$0x1E000] =	vst v63  }
0x149: {  	_ =	swait.ge [sflag:s9], $0xA000  }
0x14a: {  	[sflag:s9] =	ssyncset.done $0x0  }
0x14b: {  	s20 =	sld [smem:$0x7E5];
	[sflag:s9] =	ssyncadd.s32 $0xFFFF6000  }
0x14c: {  	[tilespmem:s2], [sflag:$0x7] =	stream.linear.gather [hbm4b:s25+s2], $0x80, $0x38;
	[tilespmem:$0x1E000] =	vst v63  }
0x14d: {  	_ = 	snop  }
0x14e: {  	[tilespmem:s16], [sflag:$0x7] =	stream.linear.gather [hbm4b:s20+s2], $0x80, $0x38;
	[tilespmem:$0x1E000] =	vst v63  }
0x14f: {  	s20 =	sld [smem:$0x7E6];
	_ =	sdelay $0x2  }
0x150: {  	[tilespmem:s15], [sflag:$0x7] =	stream.linear.gather [hbm4b:s20+s2], $0x80, $0x38;
	[tilespmem:$0x1E000] =	vst v63  }
0x151: {  	s20 =	sld [smem:$0x7E7];
	_ =	sdelay $0x2  }
0x152: {  	[tilespmem:s14], [sflag:$0x7] =	stream.linear.gather [hbm4b:s20+s2], $0x80, $0x38;
	[tilespmem:$0x1E000] =	vst v63  }
0x153: {  	s20 =	sld [smem:$0x7E8];
	_ =	sdelay $0x2  }
0x154: {  	[tilespmem:s13], [sflag:$0x7] =	stream.linear.gather [hbm4b:s20+s2], $0x80, $0x38;
	[tilespmem:$0x1E000] =	vst v63  }
0x155: {  	_ =	swait.ge [sflag:s12], $0x280  }
0x156: {  	[sflag:s12] =	ssyncset.done $0x0  }
0x157: {  	s20 =	rddreg [dreg:$0x6];
	[sflag:s12] =	ssyncadd.s32 $0xFFFFFD80  }
0x158: {  	[hbm4b:s20+s2] =	stream.linear.scatter [tilespmem:s2], [sflag:$0x4], $0xA000, $0x38;
	[tilespmem:$0x1E000] =	vst v63  }
0x159: {  	_ =	swait.ge [sflag:s7], $0xA000  }
0x15a: {  	[sflag:s7] =	ssyncset.done $0x0  }
0x15b: {  	s20 =	rddreg [dreg:$0x7];
	[sflag:s7] =	ssyncadd.s32 $0xFFFF6000  }
0x15c: {  	[tilespmem:s2], [sflag:$0x1] =	stream.linear.gather [hbm4b:s20+s2], $0xA000, $0x38;
	[tilespmem:$0x1E000] =	vst v63  }
0x15d: {  	_ =	swait.ge [sflag:s10], $0xA000  }
0x15e: {  	[sflag:s10] =	ssyncset.done $0x0  }
0x15f: {  	s20 =	rddreg [dreg:$0x8];
	[sflag:s10] =	ssyncadd.s32 $0xFFFF6000  }
0x160: {  	[hbm4b:s20+s2] =	stream.linear.scatter [tilespmem:s6], [sflag:$0x5], $0xA000, $0x38;
	[tilespmem:$0x1E000] =	vst v63  }
0x161: {  	_ =	swait.ge [sflag:s5], $0xA000  }
0x162: {  	[sflag:s5] =	ssyncset.done $0x0  }
0x163: {  	s20 =	rddreg [dreg:$0x9];
	[sflag:s5] =	ssyncadd.s32 $0xFFFF6000  }
0x164: {  	[tilespmem:s6], [sflag:$0x2] =	stream.linear.gather [hbm4b:s20+s2], $0xA000, $0x38;
	[tilespmem:$0x1E000] =	vst v63  }
0x165: {  	_ =	swait.ge [sflag:s8], $0xA000  }
0x166: {  	[sflag:s8] =	ssyncset.done $0x0  }
0x167: {  	s20 =	rddreg [dreg:$0xa];
	[sflag:s8] =	ssyncadd.s32 $0xFFFF6000  }
0x168: {  	[hbm4b:s20+s2] =	stream.linear.scatter [tilespmem:s3], [sflag:$0x6], $0xA000, $0x38;
	[tilespmem:$0x1E000] =	vst v63  }
0x169: {  	_ =	swait.ge [sflag:s4], $0xA000  }
0x16a: {  	[sflag:s4] =	ssyncset.done $0x0  }
0x16b: {  	s20 =	rddreg [dreg:$0xb];
	[sflag:s4] =	ssyncadd.s32 $0xFFFF6000  }
0x16c: {  	[tilespmem:s3], [sflag:$0x3] =	stream.linear.gather [hbm4b:s20+s2], $0xA000, $0x38;
	[tilespmem:$0x1E000] =	vst v63  }
0x16d: {  	_ =	swait.ge [sflag:s9], $0xA000  }
0x16e: {  	[sflag:s9] =	ssyncset.done $0x0  }
0x16f: {  	s20 =	rddreg [dreg:$0xc];
	[sflag:s9] =	ssyncadd.s32 $0xFFFF6000  }
0x170: {  	[hbm4b:s20+s2] =	stream.linear.scatter [tilespmem:s2], [sflag:$0x4], $0xA000, $0x38;
	[tilespmem:$0x1E000] =	vst v63  }
0x171: {  	_ =	swait.ge [sflag:s7], $0xA000  }
0x172: {  	[sflag:s7] =	ssyncset.done $0x0  }
0x173: {  	s20 =	rddreg [dreg:$0xd];
	[sflag:s7] =	ssyncadd.s32 $0xFFFF6000  }
0x174: {  	[tilespmem:s2], [sflag:$0x1] =	stream.linear.gather [hbm4b:s20+s2], $0xA000, $0x38;
	[tilespmem:$0x1E000] =	vst v63  }
0x175: {  	_ =	swait.ge [sflag:s10], $0xA000  }
0x176: {  	[sflag:s10] =	ssyncset.done $0x0  }
0x177: {  	s20 =	rddreg [dreg:$0xe];
	[sflag:s10] =	ssyncadd.s32 $0xFFFF6000  }
0x178: {  	[hbm4b:s20+s2] =	stream.linear.scatter [tilespmem:s6], [sflag:$0x5], $0xA000, $0x38;
	[tilespmem:$0x1E000] =	vst v63  }
0x179: {  	_ =	swait.ge [sflag:s5], $0xA000  }
0x17a: {  	[sflag:s5] =	ssyncset.done $0x0  }
0x17b: {  	s20 =	rddreg [dreg:$0xf];
	[sflag:s5] =	ssyncadd.s32 $0xFFFF6000  }
0x17c: {  	[tilespmem:s6], [sflag:$0x2] =	stream.linear.gather [hbm4b:s20+s2], $0xA000, $0x38;
	[tilespmem:$0x1E000] =	vst v63  }
0x17d: {  	_ =	swait.ge [sflag:s8], $0xA000  }
0x17e: {  	[sflag:s8] =	ssyncset.done $0x0  }
0x17f: {  	s20 =	rddreg [dreg:$0x10];
	[sflag:s8] =	ssyncadd.s32 $0xFFFF6000  }
0x180: {  	[hbm4b:s20+s2] =	stream.linear.scatter [tilespmem:s3], [sflag:$0x6], $0xA000, $0x38;
	[tilespmem:$0x1E000] =	vst v63  }
0x181: {  	_ =	swait.ge [sflag:s4], $0xA000  }
0x182: {  	[sflag:s4] =	ssyncset.done $0x0  }
0x183: {  	s20 =	rddreg [dreg:$0x11];
	[sflag:s4] =	ssyncadd.s32 $0xFFFF6000  }
0x184: {  	[tilespmem:s3], [sflag:$0x3] =	stream.linear.gather [hbm4b:s20+s2], $0xA000, $0x38;
	[tilespmem:$0x1E000] =	vst v63  }
0x185: {  	_ =	swait.ge [sflag:s9], $0xA000  }
0x186: {  	[sflag:s9] =	ssyncset.done $0x0  }
0x187: {  	s21 =	smov.u32 s22;
	[sflag:s9] =	ssyncadd.s32 $0xFFFF6000  }
0x188: {  	[tilespmem:s2], [sflag:$0x7] =	stream.linear.gather [hbm4b:s24+s2], $0x80, $0x38;
	[tilespmem:$0x1E000] =	vst v63  }
0x189: {  	s22 =	smov.u32 s23;
	s23 =	smov.u32 s24;
	s24 =	sld [smem:$0x7E9]  }
0x18a: {  	_ =	sdelay $0x1  }
0x18b: {  	[tilespmem:s16], [sflag:$0x7] =	stream.linear.gather [hbm4b:s24+s2], $0x80, $0x38;
	[tilespmem:$0x1E000] =	vst v63  }
0x18c: {  	s24 =	sld [smem:$0x7EA];
	_ =	sdelay $0x2  }
0x18d: {  	[tilespmem:s15], [sflag:$0x7] =	stream.linear.gather [hbm4b:s24+s2], $0x80, $0x38;
	[tilespmem:$0x1E000] =	vst v63  }
0x18e: {  	_ = 	snop  }
0x18f: {  	[tilespmem:s14], [sflag:$0x7] =	stream.linear.gather [hbm4b:s26+s2], $0x80, $0x38;
	[tilespmem:$0x1E000] =	vst v63  }
0x190: {  	_ = 	snop  }
0x191: {  	[tilespmem:s13], [sflag:$0x7] =	stream.linear.gather [hbm4b:s28+s2], $0x80, $0x38;
	[tilespmem:$0x1E000] =	vst v63  }
0x192: {  	_ =	swait.ge [sflag:s12], $0x280  }
0x193: {  	[sflag:s12] =	ssyncset.done $0x0  }
0x194: {  	s24 =	rddreg [dreg:$0x12];
	[sflag:s12] =	ssyncadd.s32 $0xFFFFFD80  }
0x195: {  	[hbm4b:s24+s2] =	stream.linear.scatter [tilespmem:s2], [sflag:$0x4], $0xA000, $0x38;
	[tilespmem:$0x1E000] =	vst v63  }
0x196: {  	_ =	swait.ge [sflag:s7], $0xA000  }
0x197: {  	[sflag:s7] =	ssyncset.done $0x0  }
0x198: {  	s24 =	rddreg [dreg:$0x13];
	[sflag:s7] =	ssyncadd.s32 $0xFFFF6000  }
0x199: {  	[tilespmem:s2], [sflag:$0x1] =	stream.linear.gather [hbm4b:s24+s2], $0xA000, $0x38;
	[tilespmem:$0x1E000] =	vst v63  }
0x19a: {  	_ =	swait.ge [sflag:s10], $0xA000  }
0x19b: {  	[sflag:s10] =	ssyncset.done $0x0  }
0x19c: {  	s24 =	rddreg [dreg:$0x14];
	[sflag:s10] =	ssyncadd.s32 $0xFFFF6000  }
0x19d: {  	[hbm4b:s24+s2] =	stream.linear.scatter [tilespmem:s6], [sflag:$0x5], $0xA000, $0x38;
	[tilespmem:$0x1E000] =	vst v63  }
0x19e: {  	_ =	swait.ge [sflag:s5], $0xA000  }
0x19f: {  	[sflag:s5] =	ssyncset.done $0x0  }
0x1a0: {  	s24 =	rddreg [dreg:$0x15];
	[sflag:s5] =	ssyncadd.s32 $0xFFFF6000  }
0x1a1: {  	[tilespmem:s6], [sflag:$0x2] =	stream.linear.gather [hbm4b:s24+s2], $0xA000, $0x38;
	[tilespmem:$0x1E000] =	vst v63  }
0x1a2: {  	_ =	swait.ge [sflag:s8], $0xA000  }
0x1a3: {  	[sflag:s8] =	ssyncset.done $0x0  }
0x1a4: {  	s24 =	rddreg [dreg:$0x16];
	[sflag:s8] =	ssyncadd.s32 $0xFFFF6000  }
0x1a5: {  	[hbm4b:s24+s2] =	stream.linear.scatter [tilespmem:s3], [sflag:$0x6], $0xA000, $0x38;
	[tilespmem:$0x1E000] =	vst v63  }
0x1a6: {  	_ =	swait.ge [sflag:s4], $0xA000  }
0x1a7: {  	[sflag:s4] =	ssyncset.done $0x0  }
0x1a8: {  	s24 =	rddreg [dreg:$0x17];
	[sflag:s4] =	ssyncadd.s32 $0xFFFF6000  }
0x1a9: {  	[tilespmem:s3], [sflag:$0x3] =	stream.linear.gather [hbm4b:s24+s2], $0xA000, $0x38;
	[tilespmem:$0x1E000] =	vst v63  }
0x1aa: {  	_ =	swait.ge [sflag:s9], $0xA000  }
0x1ab: {  	[sflag:s9] =	ssyncset.done $0x0  }
0x1ac: {  	s24 =	rddreg [dreg:$0x18];
	[sflag:s9] =	ssyncadd.s32 $0xFFFF6000  }
0x1ad: {  	[hbm4b:s24+s2] =	stream.linear.scatter [tilespmem:s2], [sflag:$0x4], $0xA000, $0x38;
	[tilespmem:$0x1E000] =	vst v63  }
0x1ae: {  	_ =	swait.ge [sflag:s7], $0xA000  }
0x1af: {  	[sflag:s7] =	ssyncset.done $0x0  }
0x1b0: {  	s24 =	rddreg [dreg:$0x19];
	[sflag:s7] =	ssyncadd.s32 $0xFFFF6000  }
0x1b1: {  	[tilespmem:s2], [sflag:$0x1] =	stream.linear.gather [hbm4b:s24+s2], $0xA000, $0x38;
	[tilespmem:$0x1E000] =	vst v63  }
0x1b2: {  	_ =	swait.ge [sflag:s10], $0xA000  }
0x1b3: {  	[sflag:s10] =	ssyncset.done $0x0  }
0x1b4: {  	s24 =	rddreg [dreg:$0x1a];
	[sflag:s10] =	ssyncadd.s32 $0xFFFF6000  }
0x1b5: {  	[hbm4b:s24+s2] =	stream.linear.scatter [tilespmem:s6], [sflag:$0x5], $0xA000, $0x38;
	[tilespmem:$0x1E000] =	vst v63  }
0x1b6: {  	_ =	swait.ge [sflag:s5], $0xA000  }
0x1b7: {  	[sflag:s5] =	ssyncset.done $0x0  }
0x1b8: {  	s24 =	rddreg [dreg:$0x1b];
	[sflag:s5] =	ssyncadd.s32 $0xFFFF6000  }
0x1b9: {  	[tilespmem:s6], [sflag:$0x2] =	stream.linear.gather [hbm4b:s24+s2], $0xA000, $0x38;
	[tilespmem:$0x1E000] =	vst v63  }
0x1ba: {  	_ =	swait.ge [sflag:s8], $0xA000  }
0x1bb: {  	[sflag:s8] =	ssyncset.done $0x0  }
0x1bc: {  	s24 =	rddreg [dreg:$0x1c];
	[sflag:s8] =	ssyncadd.s32 $0xFFFF6000  }
0x1bd: {  	[hbm4b:s24+s2] =	stream.linear.scatter [tilespmem:s3], [sflag:$0x6], $0xA000, $0x38;
	[tilespmem:$0x1E000] =	vst v63  }
0x1be: {  	_ =	swait.ge [sflag:s4], $0xA000  }
0x1bf: {  	[sflag:s4] =	ssyncset.done $0x0  }
0x1c0: {  	s24 =	rddreg [dreg:$0x1d];
	[sflag:s4] =	ssyncadd.s32 $0xFFFF6000  }
0x1c1: {  	[tilespmem:s3], [sflag:$0x3] =	stream.linear.gather [hbm4b:s24+s2], $0xA000, $0x38;
	[tilespmem:$0x1E000] =	vst v63  }
0x1c2: {  	_ =	swait.ge [sflag:s9], $0xA000  }
0x1c3: {  	[sflag:s9] =	ssyncset.done $0x0  }
0x1c4: {  	[sflag:s9] =	ssyncadd.s32 $0xFFFF6000  }
0x1c5: {  	[tilespmem:s2], [sflag:$0x7] =	stream.linear.gather [hbm4b:s22+s2], $0x80, $0x38;
	[tilespmem:$0x1E000] =	vst v63  }
0x1c6: {  	_ = 	snop  }
0x1c7: {  	[tilespmem:s16], [sflag:$0x7] =	stream.linear.gather [hbm4b:s29+s2], $0x80, $0x38;
	[tilespmem:$0x1E000] =	vst v63  }
0x1c8: {  	_ = 	snop  }
0x1c9: {  	[tilespmem:s15], [sflag:$0x7] =	stream.linear.gather [hbm4b:s30+s2], $0x80, $0x38;
	[tilespmem:$0x1E000] =	vst v63  }
0x1ca: {  	_ = 	snop  }
0x1cb: {  	[tilespmem:s14], [sflag:$0x7] =	stream.linear.gather [hbm4b:s31+s2], $0x80, $0x38;
	[tilespmem:$0x1E000] =	vst v63  }
0x1cc: {  	_ = 	snop  }
0x1cd: {  	[tilespmem:s13], [sflag:$0x7] =	stream.linear.gather [hbm4b:s1+s2], $0x80, $0x38;
	[tilespmem:$0x1E000] =	vst v63  }
0x1ce: {  	_ =	swait.ge [sflag:s12], $0x280  }
0x1cf: {  	[sflag:s12] =	ssyncset.done $0x0  }
0x1d0: {  	s24 =	rddreg [dreg:$0x1e];
	[sflag:s12] =	ssyncadd.s32 $0xFFFFFD80  }
0x1d1: {  	[hbm4b:s24+s2] =	stream.linear.scatter [tilespmem:s2], [sflag:$0x4], $0xA000, $0x38;
	[tilespmem:$0x1E000] =	vst v63  }
0x1d2: {  	_ =	swait.ge [sflag:s7], $0xA000  }
0x1d3: {  	[sflag:s7] =	ssyncset.done $0x0  }
0x1d4: {  	s24 =	rddreg [dreg:$0x1f];
	[sflag:s7] =	ssyncadd.s32 $0xFFFF6000  }
0x1d5: {  	[tilespmem:s2], [sflag:$0x1] =	stream.linear.gather [hbm4b:s24+s2], $0xA000, $0x38;
	[tilespmem:$0x1E000] =	vst v63  }
0x1d6: {  	_ =	swait.ge [sflag:s10], $0xA000  }
0x1d7: {  	s24 =	sld [smem:$0x7EB]  }
0x1d8: {  	[sflag:s10] =	ssyncset.done $0x0  }
0x1d9: {  	[sflag:s10] =	ssyncadd.s32 $0xFFFF6000  }
0x1da: {  	[hbm4b:s24+s2] =	stream.linear.scatter [tilespmem:s6], [sflag:$0x5], $0xA000, $0x38;
	[tilespmem:$0x1E000] =	vst v63  }
0x1db: {  	_ =	swait.ge [sflag:s5], $0xA000  }
0x1dc: {  	s24 =	sld [smem:$0x7EC]  }
0x1dd: {  	[sflag:s5] =	ssyncset.done $0x0  }
0x1de: {  	[sflag:s5] =	ssyncadd.s32 $0xFFFF6000  }
0x1df: {  	[tilespmem:s6], [sflag:$0x2] =	stream.linear.gather [hbm4b:s24+s2], $0xA000, $0x38;
	[tilespmem:$0x1E000] =	vst v63  }
0x1e0: {  	_ =	swait.ge [sflag:s8], $0xA000  }
0x1e1: {  	s24 =	sld [smem:$0x7ED]  }
0x1e2: {  	[sflag:s8] =	ssyncset.done $0x0  }
0x1e3: {  	[sflag:s8] =	ssyncadd.s32 $0xFFFF6000  }
0x1e4: {  	[hbm4b:s24+s2] =	stream.linear.scatter [tilespmem:s3], [sflag:$0x6], $0xA000, $0x38;
	[tilespmem:$0x1E000] =	vst v63  }
0x1e5: {  	_ =	swait.ge [sflag:s4], $0xA000  }
0x1e6: {  	s24 =	sld [smem:$0x7EE]  }
0x1e7: {  	[sflag:s4] =	ssyncset.done $0x0  }
0x1e8: {  	[sflag:s4] =	ssyncadd.s32 $0xFFFF6000  }
0x1e9: {  	[tilespmem:s3], [sflag:$0x3] =	stream.linear.gather [hbm4b:s24+s2], $0xA000, $0x38;
	[tilespmem:$0x1E000] =	vst v63  }
0x1ea: {  	_ =	swait.ge [sflag:s9], $0xA000  }
0x1eb: {  	s24 =	sld [smem:$0x7EF]  }
0x1ec: {  	[sflag:s9] =	ssyncset.done $0x0  }
0x1ed: {  	[sflag:s9] =	ssyncadd.s32 $0xFFFF6000  }
0x1ee: {  	[hbm4b:s24+s2] =	stream.linear.scatter [tilespmem:s2], [sflag:$0x4], $0xA000, $0x38;
	[tilespmem:$0x1E000] =	vst v63  }
0x1ef: {  	_ =	swait.ge [sflag:s7], $0xA000  }
0x1f0: {  	s24 =	sld [smem:$0x7F0]  }
0x1f1: {  	[sflag:s7] =	ssyncset.done $0x0  }
0x1f2: {  	[sflag:s7] =	ssyncadd.s32 $0xFFFF6000  }
0x1f3: {  	[tilespmem:s2], [sflag:$0x1] =	stream.linear.gather [hbm4b:s24+s2], $0xA000, $0x38;
	[tilespmem:$0x1E000] =	vst v63  }
0x1f4: {  	_ =	swait.ge [sflag:s10], $0xA000  }
0x1f5: {  	s24 =	sld [smem:$0x7F1]  }
0x1f6: {  	[sflag:s10] =	ssyncset.done $0x0  }
0x1f7: {  	[sflag:s10] =	ssyncadd.s32 $0xFFFF6000  }
0x1f8: {  	[hbm4b:s24+s2] =	stream.linear.scatter [tilespmem:s6], [sflag:$0x5], $0xA000, $0x38;
	[tilespmem:$0x1E000] =	vst v63  }
0x1f9: {  	_ =	swait.ge [sflag:s5], $0xA000  }
0x1fa: {  	s24 =	sld [smem:$0x7F2]  }
0x1fb: {  	[sflag:s5] =	ssyncset.done $0x0  }
0x1fc: {  	[sflag:s5] =	ssyncadd.s32 $0xFFFF6000  }
0x1fd: {  	[tilespmem:s6], [sflag:$0x2] =	stream.linear.gather [hbm4b:s24+s2], $0xA000, $0x38;
	[tilespmem:$0x1E000] =	vst v63  }
0x1fe: {  	_ =	swait.ge [sflag:s8], $0xA000  }
0x1ff: {  	s24 =	sld [smem:$0x7F3]  }
0x200: {  	[sflag:s8] =	ssyncset.done $0x0  }
0x201: {  	[sflag:s8] =	ssyncadd.s32 $0xFFFF6000  }
0x202: {  	[hbm4b:s24+s2] =	stream.linear.scatter [tilespmem:s3], [sflag:$0x6], $0xA000, $0x38;
	[tilespmem:$0x1E000] =	vst v63  }
0x203: {  	_ =	swait.ge [sflag:s4], $0xA000  }
0x204: {  	s24 =	sld [smem:$0x7F4]  }
0x205: {  	[sflag:s4] =	ssyncset.done $0x0  }
0x206: {  	[sflag:s4] =	ssyncadd.s32 $0xFFFF6000  }
0x207: {  	[tilespmem:s3], [sflag:$0x3] =	stream.linear.gather [hbm4b:s24+s2], $0xA000, $0x38;
	[tilespmem:$0x1E000] =	vst v63  }
0x208: {  	_ =	swait.ge [sflag:s9], $0xA000  }
0x209: {  	[sflag:s9] =	ssyncset.done $0x0  }
0x20a: {  	[sflag:s9] =	ssyncadd.s32 $0xFFFF6000  }
0x20b: {  	[tilespmem:s2], [sflag:$0x7] =	stream.linear.gather [hbm4b:s21+s2], $0x80, $0x38;
	[tilespmem:$0x1E000] =	vst v63  }
0x20c: {  	_ = 	snop  }
0x20d: {  	[tilespmem:s16], [sflag:$0x7] =	stream.linear.gather [hbm4b:s0+s2], $0x80, $0x38;
	[tilespmem:$0x1E000] =	vst v63  }
0x20e: {  	_ = 	snop  }
0x20f: {  	[tilespmem:s15], [sflag:$0x7] =	stream.linear.gather [hbm4b:s11+s2], $0x80, $0x38;
	[tilespmem:$0x1E000] =	vst v63  }
0x210: {  	_ = 	snop  }
0x211: {  	[tilespmem:s14], [sflag:$0x7] =	stream.linear.gather [hbm4b:s17+s2], $0x80, $0x38;
	[tilespmem:$0x1E000] =	vst v63  }
0x212: {  	_ = 	snop  }
0x213: {  	[tilespmem:s13], [sflag:$0x7] =	stream.linear.gather [hbm4b:s18+s2], $0x80, $0x38;
	[tilespmem:$0x1E000] =	vst v63  }
0x214: {  	_ =	swait.ge [sflag:s12], $0x280  }
0x215: {  	s24 =	sld [smem:$0x7F5]  }
0x216: {  	[sflag:s12] =	ssyncset.done $0x0  }
0x217: {  	[sflag:s12] =	ssyncadd.s32 $0xFFFFFD80  }
0x218: {  	[hbm4b:s24+s2] =	stream.linear.scatter [tilespmem:s2], [sflag:$0x4], $0xA000, $0x38;
	[tilespmem:$0x1E000] =	vst v63  }
0x219: {  	_ =	swait.ge [sflag:s7], $0xA000  }
0x21a: {  	s24 =	sld [smem:$0x7F6]  }
0x21b: {  	[sflag:s7] =	ssyncset.done $0x0  }
0x21c: {  	[sflag:s7] =	ssyncadd.s32 $0xFFFF6000  }
0x21d: {  	[tilespmem:s2], [sflag:$0x1] =	stream.linear.gather [hbm4b:s24+s2], $0xA000, $0x38;
	[tilespmem:$0x1E000] =	vst v63  }
0x21e: {  	_ =	swait.ge [sflag:s10], $0xA000  }
0x21f: {  	s24 =	sld [smem:$0x7F7]  }
0x220: {  	[sflag:s10] =	ssyncset.done $0x0  }
0x221: {  	[sflag:s10] =	ssyncadd.s32 $0xFFFF6000  }
0x222: {  	[hbm4b:s24+s2] =	stream.linear.scatter [tilespmem:s6], [sflag:$0x5], $0xA000, $0x38;
	[tilespmem:$0x1E000] =	vst v63  }
0x223: {  	_ =	swait.ge [sflag:s5], $0xA000  }
0x224: {  	s24 =	sld [smem:$0x7F8]  }
0x225: {  	[sflag:s5] =	ssyncset.done $0x0  }
0x226: {  	[sflag:s5] =	ssyncadd.s32 $0xFFFF6000  }
0x227: {  	[tilespmem:s6], [sflag:$0x2] =	stream.linear.gather [hbm4b:s24+s2], $0xA000, $0x38;
	[tilespmem:$0x1E000] =	vst v63  }
0x228: {  	_ =	swait.ge [sflag:s8], $0xA000  }
0x229: {  	s24 =	sld [smem:$0x7F9]  }
0x22a: {  	[sflag:s8] =	ssyncset.done $0x0  }
0x22b: {  	[sflag:s8] =	ssyncadd.s32 $0xFFFF6000  }
0x22c: {  	[hbm4b:s24+s2] =	stream.linear.scatter [tilespmem:s3], [sflag:$0x6], $0xA000, $0x38;
	[tilespmem:$0x1E000] =	vst v63  }
0x22d: {  	_ =	swait.ge [sflag:s4], $0xA000  }
0x22e: {  	s24 =	sld [smem:$0x7FA]  }
0x22f: {  	[sflag:s4] =	ssyncset.done $0x0  }
0x230: {  	[sflag:s4] =	ssyncadd.s32 $0xFFFF6000  }
0x231: {  	[tilespmem:s3], [sflag:$0x3] =	stream.linear.gather [hbm4b:s24+s2], $0xA000, $0x38;
	[tilespmem:$0x1E000] =	vst v63  }
0x232: {  	_ =	swait.ge [sflag:s9], $0xA000  }
0x233: {  	s24 =	sld [smem:$0x7FB]  }
0x234: {  	[sflag:s9] =	ssyncset.done $0x0  }
0x235: {  	[sflag:s9] =	ssyncadd.s32 $0xFFFF6000  }
0x236: {  	[hbm4b:s24+s2] =	stream.linear.scatter [tilespmem:s2], [sflag:$0x4], $0xA000, $0x38;
	[tilespmem:$0x1E000] =	vst v63  }
0x237: {  	_ =	swait.ge [sflag:s10], $0xA000  }
0x238: {  	s24 =	sld [smem:$0x7FC]  }
0x239: {  	[sflag:s10] =	ssyncset.done $0x0  }
0x23a: {  	[sflag:s10] =	ssyncadd.s32 $0xFFFF6000  }
0x23b: {  	[hbm4b:s24+s2] =	stream.linear.scatter [tilespmem:s6], [sflag:$0x5], $0xA000, $0x38;
	[tilespmem:$0x1E000] =	vst v63  }
0x23c: {  	_ =	swait.ge [sflag:s8], $0xA000  }
0x23d: {  	s24 =	sld [smem:$0x7FD]  }
0x23e: {  	[sflag:s8] =	ssyncset.done $0x0  }
0x23f: {  	[sflag:s8] =	ssyncadd.s32 $0xFFFF6000  }
0x240: {  	[hbm4b:s24+s2] =	stream.linear.scatter [tilespmem:s3], [sflag:$0x6], $0xA000, $0x38;
	[tilespmem:$0x1E000] =	vst v63  }
0x241: {  	_ =	swait.ge [sflag:s7], $0xA000  }
0x242: {  	[sflag:s7] =	ssyncset.done $0x0  }
0x243: {  	p1 =	sne.s32 s19, $0x1;
	[sflag:s7] =	ssyncadd.s32 $0xFFFF6000  }
.Ltmp2:
0x244: {  	_ =	swait.ge [sflag:s5], $0xA000;
	(pc) =	sbr.rel @p1 .LBB2_3-.Ltmp2, $4  }
0x245: {  	[sflag:s5] =	ssyncset.done $0x0  }
0x246: {  	[sflag:s5] =	ssyncadd.s32 $0xFFFF6000  }
0x247: {  	_ =	swait.ge [sflag:s4], $0xA000  }
0x248: {  	s19 =	sadd.s32 $0xFFFFFFFF, s19;
	s20 =	rddreg [dreg:$0x3];
	[sflag:s4] =	ssyncset.done $0x0  }
0x249: {  	s17 =	stileid.u32;
	s18 =	rddreg [dreg:$0x2]  }
.LBB2_5:
0x24a: {  	[sflag:s4] =	ssyncadd.s32 @p0 $0xFFFF6000  }
0x24b: {  	[tilespmem:s2], [sflag:$0x1] =	stream.linear.gather [hbm4b:s20+s2], $0xA000, $0x38;
	[tilespmem:$0x1E000] =	vst v63  }
0x24c: {  	s0 =	rddreg [dreg:$0x4]  }
0x24d: {  	[tilespmem:s6], [sflag:$0x2] =	stream.linear.gather [hbm4b:s0+s2], $0xA000, $0x38;
	[tilespmem:$0x1E000] =	vst v63  }
0x24e: {  	s1 =	rddreg [dreg:$0x5]  }
0x24f: {  	[tilespmem:s3], [sflag:$0x3] =	stream.linear.gather [hbm4b:s1+s2], $0xA000, $0x38;
	[tilespmem:$0x1E000] =	vst v63  }
0x250: {  	_ =	swait.ge [sflag:s9], $0xA000  }
0x251: {  	[sflag:s9] =	ssyncset.done $0x0  }
0x252: {  	[sflag:s9] =	ssyncadd.s32 $0xFFFF6000  }
0x253: {  	[tilespmem:s2], [sflag:$0x7] =	stream.linear.gather [hbm4b:s25+s2], $0x80, $0x38;
	[tilespmem:$0x1E000] =	vst v63  }
0x254: {  	s1 =	sadd.s32 $0x80, s25  }
0x255: {  	[tilespmem:s16], [sflag:$0x7] =	stream.linear.gather [hbm4b:s1+s2], $0x80, $0x38;
	[tilespmem:$0x1E000] =	vst v63  }
0x256: {  	s11 =	sadd.s32 $0x100, s25  }
0x257: {  	[tilespmem:s15], [sflag:$0x7] =	stream.linear.gather [hbm4b:s11+s2], $0x80, $0x38;
	[tilespmem:$0x1E000] =	vst v63  }
0x258: {  	s19 =	sadd.s32 $0x180, s25  }
0x259: {  	[tilespmem:s14], [sflag:$0x7] =	stream.linear.gather [hbm4b:s19+s2], $0x80, $0x38;
	[tilespmem:$0x1E000] =	vst v63  }
0x25a: {  	s20 =	sadd.s32 $0x200, s25  }
0x25b: {  	[tilespmem:s13], [sflag:$0x7] =	stream.linear.gather [hbm4b:s20+s2], $0x80, $0x38;
	[tilespmem:$0x1E000] =	vst v63  }
0x25c: {  	_ =	swait.ge [sflag:s12], $0x280  }
0x25d: {  	[sflag:s12] =	ssyncset.done $0x0  }
0x25e: {  	s24 =	rddreg [dreg:$0x6];
	[sflag:s12] =	ssyncadd.s32 $0xFFFFFD80  }
0x25f: {  	[hbm4b:s24+s2] =	stream.linear.scatter [tilespmem:s2], [sflag:$0x4], $0xA000, $0x38;
	[tilespmem:$0x1E000] =	vst v63  }
0x260: {  	_ =	swait.ge [sflag:s7], $0xA000  }
0x261: {  	[sflag:s7] =	ssyncset.done $0x0  }
0x262: {  	s25 =	rddreg [dreg:$0x7];
	[sflag:s7] =	ssyncadd.s32 $0xFFFF6000  }
0x263: {  	[tilespmem:s2], [sflag:$0x1] =	stream.linear.gather [hbm4b:s25+s2], $0xA000, $0x38;
	[tilespmem:$0x1E000] =	vst v63  }
0x264: {  	_ =	swait.ge [sflag:s10], $0xA000  }
0x265: {  	[sflag:s10] =	ssyncset.done $0x0  }
0x266: {  	s26 =	rddreg [dreg:$0x8];
	[sflag:s10] =	ssyncadd.s32 $0xFFFF6000  }
0x267: {  	[hbm4b:s26+s2] =	stream.linear.scatter [tilespmem:s6], [sflag:$0x5], $0xA000, $0x38;
	[tilespmem:$0x1E000] =	vst v63  }
0x268: {  	_ =	swait.ge [sflag:s5], $0xA000  }
0x269: {  	[sflag:s5] =	ssyncset.done $0x0  }
0x26a: {  	s28 =	rddreg [dreg:$0x9];
	[sflag:s5] =	ssyncadd.s32 $0xFFFF6000  }
0x26b: {  	[tilespmem:s6], [sflag:$0x2] =	stream.linear.gather [hbm4b:s28+s2], $0xA000, $0x38;
	[tilespmem:$0x1E000] =	vst v63  }
0x26c: {  	_ =	swait.ge [sflag:s8], $0xA000  }
0x26d: {  	[sflag:s8] =	ssyncset.done $0x0  }
0x26e: {  	s29 =	rddreg [dreg:$0xa];
	[sflag:s8] =	ssyncadd.s32 $0xFFFF6000  }
0x26f: {  	[hbm4b:s29+s2] =	stream.linear.scatter [tilespmem:s3], [sflag:$0x6], $0xA000, $0x38;
	[tilespmem:$0x1E000] =	vst v63  }
0x270: {  	_ =	swait.ge [sflag:s4], $0xA000  }
0x271: {  	[sflag:s4] =	ssyncset.done $0x0  }
0x272: {  	s30 =	rddreg [dreg:$0xb];
	[sflag:s4] =	ssyncadd.s32 $0xFFFF6000  }
0x273: {  	[tilespmem:s3], [sflag:$0x3] =	stream.linear.gather [hbm4b:s30+s2], $0xA000, $0x38;
	[tilespmem:$0x1E000] =	vst v63  }
0x274: {  	_ =	swait.ge [sflag:s9], $0xA000  }
0x275: {  	[sflag:s9] =	ssyncset.done $0x0  }
0x276: {  	s31 =	rddreg [dreg:$0xc];
	[sflag:s9] =	ssyncadd.s32 $0xFFFF6000  }
0x277: {  	[hbm4b:s31+s2] =	stream.linear.scatter [tilespmem:s2], [sflag:$0x4], $0xA000, $0x38;
	[tilespmem:$0x1E000] =	vst v63  }
0x278: {  	_ =	swait.ge [sflag:s7], $0xA000  }
0x279: {  	[sflag:s7] =	ssyncset.done $0x0  }
0x27a: {  	s1 =	rddreg [dreg:$0xd];
	[sflag:s7] =	ssyncadd.s32 $0xFFFF6000  }
0x27b: {  	[tilespmem:s2], [sflag:$0x1] =	stream.linear.gather [hbm4b:s1+s2], $0xA000, $0x38;
	[tilespmem:$0x1E000] =	vst v63  }
0x27c: {  	_ =	swait.ge [sflag:s10], $0xA000  }
0x27d: {  	[sflag:s10] =	ssyncset.done $0x0  }
0x27e: {  	s11 =	rddreg [dreg:$0xe];
	[sflag:s10] =	ssyncadd.s32 $0xFFFF6000  }
0x27f: {  	[hbm4b:s11+s2] =	stream.linear.scatter [tilespmem:s6], [sflag:$0x5], $0xA000, $0x38;
	[tilespmem:$0x1E000] =	vst v63  }
0x280: {  	_ =	swait.ge [sflag:s5], $0xA000  }
0x281: {  	[sflag:s5] =	ssyncset.done $0x0  }
0x282: {  	s19 =	rddreg [dreg:$0xf];
	[sflag:s5] =	ssyncadd.s32 $0xFFFF6000  }
0x283: {  	[tilespmem:s6], [sflag:$0x2] =	stream.linear.gather [hbm4b:s19+s2], $0xA000, $0x38;
	[tilespmem:$0x1E000] =	vst v63  }
0x284: {  	_ =	swait.ge [sflag:s8], $0xA000  }
0x285: {  	[sflag:s8] =	ssyncset.done $0x0  }
0x286: {  	s20 =	rddreg [dreg:$0x10];
	[sflag:s8] =	ssyncadd.s32 $0xFFFF6000  }
0x287: {  	[hbm4b:s20+s2] =	stream.linear.scatter [tilespmem:s3], [sflag:$0x6], $0xA000, $0x38;
	[tilespmem:$0x1E000] =	vst v63  }
0x288: {  	_ =	swait.ge [sflag:s4], $0xA000  }
0x289: {  	[sflag:s4] =	ssyncset.done $0x0  }
0x28a: {  	s24 =	rddreg [dreg:$0x11];
	[sflag:s4] =	ssyncadd.s32 $0xFFFF6000  }
0x28b: {  	[tilespmem:s3], [sflag:$0x3] =	stream.linear.gather [hbm4b:s24+s2], $0xA000, $0x38;
	[tilespmem:$0x1E000] =	vst v63  }
0x28c: {  	_ =	swait.ge [sflag:s9], $0xA000  }
0x28d: {  	[sflag:s9] =	ssyncset.done $0x0  }
0x28e: {  	[sflag:s9] =	ssyncadd.s32 $0xFFFF6000  }
0x28f: {  	[tilespmem:s2], [sflag:$0x7] =	stream.linear.gather [hbm4b:s23+s2], $0x80, $0x38;
	[tilespmem:$0x1E000] =	vst v63  }
0x290: {  	s25 =	sadd.s32 $0x80, s23  }
0x291: {  	[tilespmem:s16], [sflag:$0x7] =	stream.linear.gather [hbm4b:s25+s2], $0x80, $0x38;
	[tilespmem:$0x1E000] =	vst v63  }
0x292: {  	s26 =	sadd.s32 $0x100, s23  }
0x293: {  	[tilespmem:s15], [sflag:$0x7] =	stream.linear.gather [hbm4b:s26+s2], $0x80, $0x38;
	[tilespmem:$0x1E000] =	vst v63  }
0x294: {  	s28 =	sadd.s32 $0x180, s23  }
0x295: {  	[tilespmem:s14], [sflag:$0x7] =	stream.linear.gather [hbm4b:s28+s2], $0x80, $0x38;
	[tilespmem:$0x1E000] =	vst v63  }
0x296: {  	s29 =	sadd.s32 $0x200, s23  }
0x297: {  	[tilespmem:s13], [sflag:$0x7] =	stream.linear.gather [hbm4b:s29+s2], $0x80, $0x38;
	[tilespmem:$0x1E000] =	vst v63  }
0x298: {  	_ =	swait.ge [sflag:s12], $0x280  }
0x299: {  	[sflag:s12] =	ssyncset.done $0x0  }
0x29a: {  	s30 =	rddreg [dreg:$0x12];
	[sflag:s12] =	ssyncadd.s32 $0xFFFFFD80  }
0x29b: {  	[hbm4b:s30+s2] =	stream.linear.scatter [tilespmem:s2], [sflag:$0x4], $0xA000, $0x38;
	[tilespmem:$0x1E000] =	vst v63  }
0x29c: {  	_ =	swait.ge [sflag:s7], $0xA000  }
0x29d: {  	[sflag:s7] =	ssyncset.done $0x0  }
0x29e: {  	s31 =	rddreg [dreg:$0x13];
	[sflag:s7] =	ssyncadd.s32 $0xFFFF6000  }
0x29f: {  	[tilespmem:s2], [sflag:$0x1] =	stream.linear.gather [hbm4b:s31+s2], $0xA000, $0x38;
	[tilespmem:$0x1E000] =	vst v63  }
0x2a0: {  	_ =	swait.ge [sflag:s10], $0xA000  }
0x2a1: {  	[sflag:s10] =	ssyncset.done $0x0  }
0x2a2: {  	s1 =	rddreg [dreg:$0x14];
	[sflag:s10] =	ssyncadd.s32 $0xFFFF6000  }
0x2a3: {  	[hbm4b:s1+s2] =	stream.linear.scatter [tilespmem:s6], [sflag:$0x5], $0xA000, $0x38;
	[tilespmem:$0x1E000] =	vst v63  }
0x2a4: {  	_ =	swait.ge [sflag:s5], $0xA000  }
0x2a5: {  	[sflag:s5] =	ssyncset.done $0x0  }
0x2a6: {  	s11 =	rddreg [dreg:$0x15];
	[sflag:s5] =	ssyncadd.s32 $0xFFFF6000  }
0x2a7: {  	[tilespmem:s6], [sflag:$0x2] =	stream.linear.gather [hbm4b:s11+s2], $0xA000, $0x38;
	[tilespmem:$0x1E000] =	vst v63  }
0x2a8: {  	_ =	swait.ge [sflag:s8], $0xA000  }
0x2a9: {  	[sflag:s8] =	ssyncset.done $0x0  }
0x2aa: {  	s19 =	rddreg [dreg:$0x16];
	[sflag:s8] =	ssyncadd.s32 $0xFFFF6000  }
0x2ab: {  	[hbm4b:s19+s2] =	stream.linear.scatter [tilespmem:s3], [sflag:$0x6], $0xA000, $0x38;
	[tilespmem:$0x1E000] =	vst v63  }
0x2ac: {  	_ =	swait.ge [sflag:s4], $0xA000  }
0x2ad: {  	[sflag:s4] =	ssyncset.done $0x0  }
0x2ae: {  	s20 =	rddreg [dreg:$0x17];
	[sflag:s4] =	ssyncadd.s32 $0xFFFF6000  }
0x2af: {  	[tilespmem:s3], [sflag:$0x3] =	stream.linear.gather [hbm4b:s20+s2], $0xA000, $0x38;
	[tilespmem:$0x1E000] =	vst v63  }
0x2b0: {  	_ =	swait.ge [sflag:s9], $0xA000  }
0x2b1: {  	[sflag:s9] =	ssyncset.done $0x0  }
0x2b2: {  	s23 =	rddreg [dreg:$0x18];
	[sflag:s9] =	ssyncadd.s32 $0xFFFF6000  }
0x2b3: {  	[hbm4b:s23+s2] =	stream.linear.scatter [tilespmem:s2], [sflag:$0x4], $0xA000, $0x38;
	[tilespmem:$0x1E000] =	vst v63  }
0x2b4: {  	_ =	swait.ge [sflag:s7], $0xA000  }
0x2b5: {  	[sflag:s7] =	ssyncset.done $0x0  }
0x2b6: {  	s24 =	rddreg [dreg:$0x19];
	[sflag:s7] =	ssyncadd.s32 $0xFFFF6000  }
0x2b7: {  	[tilespmem:s2], [sflag:$0x1] =	stream.linear.gather [hbm4b:s24+s2], $0xA000, $0x38;
	[tilespmem:$0x1E000] =	vst v63  }
0x2b8: {  	_ =	swait.ge [sflag:s10], $0xA000  }
0x2b9: {  	[sflag:s10] =	ssyncset.done $0x0  }
0x2ba: {  	s25 =	rddreg [dreg:$0x1a];
	[sflag:s10] =	ssyncadd.s32 $0xFFFF6000  }
0x2bb: {  	[hbm4b:s25+s2] =	stream.linear.scatter [tilespmem:s6], [sflag:$0x5], $0xA000, $0x38;
	[tilespmem:$0x1E000] =	vst v63  }
0x2bc: {  	_ =	swait.ge [sflag:s5], $0xA000  }
0x2bd: {  	[sflag:s5] =	ssyncset.done $0x0  }
0x2be: {  	s26 =	rddreg [dreg:$0x1b];
	[sflag:s5] =	ssyncadd.s32 $0xFFFF6000  }
0x2bf: {  	[tilespmem:s6], [sflag:$0x2] =	stream.linear.gather [hbm4b:s26+s2], $0xA000, $0x38;
	[tilespmem:$0x1E000] =	vst v63  }
0x2c0: {  	_ =	swait.ge [sflag:s8], $0xA000  }
0x2c1: {  	[sflag:s8] =	ssyncset.done $0x0  }
0x2c2: {  	s28 =	rddreg [dreg:$0x1c];
	[sflag:s8] =	ssyncadd.s32 $0xFFFF6000  }
0x2c3: {  	[hbm4b:s28+s2] =	stream.linear.scatter [tilespmem:s3], [sflag:$0x6], $0xA000, $0x38;
	[tilespmem:$0x1E000] =	vst v63  }
0x2c4: {  	_ =	swait.ge [sflag:s4], $0xA000  }
0x2c5: {  	[sflag:s4] =	ssyncset.done $0x0  }
0x2c6: {  	s29 =	rddreg [dreg:$0x1d];
	[sflag:s4] =	ssyncadd.s32 $0xFFFF6000  }
0x2c7: {  	[tilespmem:s3], [sflag:$0x3] =	stream.linear.gather [hbm4b:s29+s2], $0xA000, $0x38;
	[tilespmem:$0x1E000] =	vst v63  }
0x2c8: {  	_ =	swait.ge [sflag:s9], $0xA000  }
0x2c9: {  	[sflag:s9] =	ssyncset.done $0x0  }
0x2ca: {  	[sflag:s9] =	ssyncadd.s32 $0xFFFF6000  }
0x2cb: {  	[tilespmem:s2], [sflag:$0x7] =	stream.linear.gather [hbm4b:s22+s2], $0x80, $0x38;
	[tilespmem:$0x1E000] =	vst v63  }
0x2cc: {  	s30 =	sadd.s32 $0x80, s22  }
0x2cd: {  	[tilespmem:s16], [sflag:$0x7] =	stream.linear.gather [hbm4b:s30+s2], $0x80, $0x38;
	[tilespmem:$0x1E000] =	vst v63  }
0x2ce: {  	s31 =	sadd.s32 $0x100, s22  }
0x2cf: {  	[tilespmem:s15], [sflag:$0x7] =	stream.linear.gather [hbm4b:s31+s2], $0x80, $0x38;
	[tilespmem:$0x1E000] =	vst v63  }
0x2d0: {  	s1 =	sadd.s32 $0x180, s22  }
0x2d1: {  	[tilespmem:s14], [sflag:$0x7] =	stream.linear.gather [hbm4b:s1+s2], $0x80, $0x38;
	[tilespmem:$0x1E000] =	vst v63  }
0x2d2: {  	s11 =	sadd.s32 $0x200, s22  }
0x2d3: {  	[tilespmem:s13], [sflag:$0x7] =	stream.linear.gather [hbm4b:s11+s2], $0x80, $0x38;
	[tilespmem:$0x1E000] =	vst v63  }
0x2d4: {  	_ =	swait.ge [sflag:s12], $0x280  }
0x2d5: {  	[sflag:s12] =	ssyncset.done $0x0  }
0x2d6: {  	s19 =	rddreg [dreg:$0x1e];
	[sflag:s12] =	ssyncadd.s32 $0xFFFFFD80  }
0x2d7: {  	[hbm4b:s19+s2] =	stream.linear.scatter [tilespmem:s2], [sflag:$0x4], $0xA000, $0x38;
	[tilespmem:$0x1E000] =	vst v63  }
0x2d8: {  	_ =	swait.ge [sflag:s7], $0xA000  }
0x2d9: {  	[sflag:s7] =	ssyncset.done $0x0  }
0x2da: {  	s20 =	rddreg [dreg:$0x1f];
	[sflag:s7] =	ssyncadd.s32 $0xFFFF6000  }
0x2db: {  	[tilespmem:s2], [sflag:$0x1] =	stream.linear.gather [hbm4b:s20+s2], $0xA000, $0x38;
	[tilespmem:$0x1E000] =	vst v63  }
0x2dc: {  	_ =	swait.ge [sflag:s10], $0xA000  }
0x2dd: {  	s22 =	sld [smem:$0x7EB]  }
0x2de: {  	[sflag:s10] =	ssyncset.done $0x0  }
0x2df: {  	[sflag:s10] =	ssyncadd.s32 $0xFFFF6000  }
0x2e0: {  	[hbm4b:s22+s2] =	stream.linear.scatter [tilespmem:s6], [sflag:$0x5], $0xA000, $0x38;
	[tilespmem:$0x1E000] =	vst v63  }
0x2e1: {  	_ =	swait.ge [sflag:s5], $0xA000  }
0x2e2: {  	s23 =	sld [smem:$0x7EC]  }
0x2e3: {  	[sflag:s5] =	ssyncset.done $0x0  }
0x2e4: {  	[sflag:s5] =	ssyncadd.s32 $0xFFFF6000  }
0x2e5: {  	[tilespmem:s6], [sflag:$0x2] =	stream.linear.gather [hbm4b:s23+s2], $0xA000, $0x38;
	[tilespmem:$0x1E000] =	vst v63  }
0x2e6: {  	_ =	swait.ge [sflag:s8], $0xA000  }
0x2e7: {  	s24 =	sld [smem:$0x7ED]  }
0x2e8: {  	[sflag:s8] =	ssyncset.done $0x0  }
0x2e9: {  	[sflag:s8] =	ssyncadd.s32 $0xFFFF6000  }
0x2ea: {  	[hbm4b:s24+s2] =	stream.linear.scatter [tilespmem:s3], [sflag:$0x6], $0xA000, $0x38;
	[tilespmem:$0x1E000] =	vst v63  }
0x2eb: {  	_ =	swait.ge [sflag:s4], $0xA000  }
0x2ec: {  	s25 =	sld [smem:$0x7EE]  }
0x2ed: {  	[sflag:s4] =	ssyncset.done $0x0  }
0x2ee: {  	[sflag:s4] =	ssyncadd.s32 $0xFFFF6000  }
0x2ef: {  	[tilespmem:s3], [sflag:$0x3] =	stream.linear.gather [hbm4b:s25+s2], $0xA000, $0x38;
	[tilespmem:$0x1E000] =	vst v63  }
0x2f0: {  	_ =	swait.ge [sflag:s9], $0xA000  }
0x2f1: {  	s26 =	sld [smem:$0x7EF]  }
0x2f2: {  	[sflag:s9] =	ssyncset.done $0x0  }
0x2f3: {  	[sflag:s9] =	ssyncadd.s32 $0xFFFF6000  }
0x2f4: {  	[hbm4b:s26+s2] =	stream.linear.scatter [tilespmem:s2], [sflag:$0x4], $0xA000, $0x38;
	[tilespmem:$0x1E000] =	vst v63  }
0x2f5: {  	_ =	swait.ge [sflag:s7], $0xA000  }
0x2f6: {  	s28 =	sld [smem:$0x7F0]  }
0x2f7: {  	[sflag:s7] =	ssyncset.done $0x0  }
0x2f8: {  	[sflag:s7] =	ssyncadd.s32 $0xFFFF6000  }
0x2f9: {  	[tilespmem:s2], [sflag:$0x1] =	stream.linear.gather [hbm4b:s28+s2], $0xA000, $0x38;
	[tilespmem:$0x1E000] =	vst v63  }
0x2fa: {  	_ =	swait.ge [sflag:s10], $0xA000  }
0x2fb: {  	s29 =	sld [smem:$0x7F1]  }
0x2fc: {  	[sflag:s10] =	ssyncset.done $0x0  }
0x2fd: {  	[sflag:s10] =	ssyncadd.s32 $0xFFFF6000  }
0x2fe: {  	[hbm4b:s29+s2] =	stream.linear.scatter [tilespmem:s6], [sflag:$0x5], $0xA000, $0x38;
	[tilespmem:$0x1E000] =	vst v63  }
0x2ff: {  	_ =	swait.ge [sflag:s5], $0xA000  }
0x300: {  	s30 =	sld [smem:$0x7F2]  }
0x301: {  	[sflag:s5] =	ssyncset.done $0x0  }
0x302: {  	[sflag:s5] =	ssyncadd.s32 $0xFFFF6000  }
0x303: {  	[tilespmem:s6], [sflag:$0x2] =	stream.linear.gather [hbm4b:s30+s2], $0xA000, $0x38;
	[tilespmem:$0x1E000] =	vst v63  }
0x304: {  	_ =	swait.ge [sflag:s8], $0xA000  }
0x305: {  	s31 =	sld [smem:$0x7F3]  }
0x306: {  	[sflag:s8] =	ssyncset.done $0x0  }
0x307: {  	[sflag:s8] =	ssyncadd.s32 $0xFFFF6000  }
0x308: {  	[hbm4b:s31+s2] =	stream.linear.scatter [tilespmem:s3], [sflag:$0x6], $0xA000, $0x38;
	[tilespmem:$0x1E000] =	vst v63  }
0x309: {  	_ =	swait.ge [sflag:s4], $0xA000  }
0x30a: {  	s1 =	sld [smem:$0x7F4]  }
0x30b: {  	[sflag:s4] =	ssyncset.done $0x0  }
0x30c: {  	[sflag:s4] =	ssyncadd.s32 $0xFFFF6000  }
0x30d: {  	[tilespmem:s3], [sflag:$0x3] =	stream.linear.gather [hbm4b:s1+s2], $0xA000, $0x38;
	[tilespmem:$0x1E000] =	vst v63  }
0x30e: {  	_ =	swait.ge [sflag:s9], $0xA000  }
0x30f: {  	[sflag:s9] =	ssyncset.done $0x0  }
0x310: {  	[sflag:s9] =	ssyncadd.s32 $0xFFFF6000  }
0x311: {  	[tilespmem:s2], [sflag:$0x7] =	stream.linear.gather [hbm4b:s21+s2], $0x80, $0x38;
	[tilespmem:$0x1E000] =	vst v63  }
0x312: {  	s11 =	sadd.s32 $0x80, s21  }
0x313: {  	[tilespmem:s16], [sflag:$0x7] =	stream.linear.gather [hbm4b:s11+s2], $0x80, $0x38;
	[tilespmem:$0x1E000] =	vst v63  }
0x314: {  	s19 =	sadd.s32 $0x100, s21  }
0x315: {  	[tilespmem:s15], [sflag:$0x7] =	stream.linear.gather [hbm4b:s19+s2], $0x80, $0x38;
	[tilespmem:$0x1E000] =	vst v63  }
0x316: {  	s20 =	sadd.s32 $0x180, s21  }
0x317: {  	[tilespmem:s14], [sflag:$0x7] =	stream.linear.gather [hbm4b:s20+s2], $0x80, $0x38;
	[tilespmem:$0x1E000] =	vst v63  }
0x318: {  	s21 =	sadd.s32 $0x200, s21  }
0x319: {  	[tilespmem:s13], [sflag:$0x7] =	stream.linear.gather [hbm4b:s21+s2], $0x80, $0x38;
	[tilespmem:$0x1E000] =	vst v63  }
0x31a: {  	_ =	swait.ge [sflag:s12], $0x280  }
0x31b: {  	s22 =	sld [smem:$0x7F5]  }
0x31c: {  	[sflag:s12] =	ssyncset.done $0x0  }
0x31d: {  	[sflag:s12] =	ssyncadd.s32 $0xFFFFFD80  }
0x31e: {  	[hbm4b:s22+s2] =	stream.linear.scatter [tilespmem:s2], [sflag:$0x4], $0xA000, $0x38;
	[tilespmem:$0x1E000] =	vst v63  }
0x31f: {  	_ =	swait.ge [sflag:s7], $0xA000  }
0x320: {  	s23 =	sld [smem:$0x7F6]  }
0x321: {  	[sflag:s7] =	ssyncset.done $0x0  }
0x322: {  	[sflag:s7] =	ssyncadd.s32 $0xFFFF6000  }
0x323: {  	[tilespmem:s2], [sflag:$0x1] =	stream.linear.gather [hbm4b:s23+s2], $0xA000, $0x38;
	[tilespmem:$0x1E000] =	vst v63  }
0x324: {  	_ =	swait.ge [sflag:s10], $0xA000  }
0x325: {  	s24 =	sld [smem:$0x7F7]  }
0x326: {  	[sflag:s10] =	ssyncset.done $0x0  }
0x327: {  	[sflag:s10] =	ssyncadd.s32 $0xFFFF6000  }
0x328: {  	[hbm4b:s24+s2] =	stream.linear.scatter [tilespmem:s6], [sflag:$0x5], $0xA000, $0x38;
	[tilespmem:$0x1E000] =	vst v63  }
0x329: {  	_ =	swait.ge [sflag:s5], $0xA000  }
0x32a: {  	s25 =	sld [smem:$0x7F8]  }
0x32b: {  	[sflag:s5] =	ssyncset.done $0x0  }
0x32c: {  	[sflag:s5] =	ssyncadd.s32 $0xFFFF6000  }
0x32d: {  	[tilespmem:s6], [sflag:$0x2] =	stream.linear.gather [hbm4b:s25+s2], $0xA000, $0x38;
	[tilespmem:$0x1E000] =	vst v63  }
0x32e: {  	_ =	swait.ge [sflag:s8], $0xA000  }
0x32f: {  	s26 =	sld [smem:$0x7F9]  }
0x330: {  	[sflag:s8] =	ssyncset.done $0x0  }
0x331: {  	[sflag:s8] =	ssyncadd.s32 $0xFFFF6000  }
0x332: {  	[hbm4b:s26+s2] =	stream.linear.scatter [tilespmem:s3], [sflag:$0x6], $0xA000, $0x38;
	[tilespmem:$0x1E000] =	vst v63  }
0x333: {  	_ =	swait.ge [sflag:s4], $0xA000  }
0x334: {  	s28 =	sld [smem:$0x7FA]  }
0x335: {  	[sflag:s4] =	ssyncset.done $0x0  }
0x336: {  	[sflag:s4] =	ssyncadd.s32 $0xFFFF6000  }
0x337: {  	[tilespmem:s3], [sflag:$0x3] =	stream.linear.gather [hbm4b:s28+s2], $0xA000, $0x38;
	[tilespmem:$0x1E000] =	vst v63  }
0x338: {  	_ =	swait.ge [sflag:s9], $0xA000  }
0x339: {  	s29 =	sld [smem:$0x7FB]  }
0x33a: {  	[sflag:s9] =	ssyncset.done $0x0  }
0x33b: {  	[sflag:s9] =	ssyncadd.s32 $0xFFFF6000  }
0x33c: {  	[hbm4b:s29+s2] =	stream.linear.scatter [tilespmem:s2], [sflag:$0x4], $0xA000, $0x38;
	[tilespmem:$0x1E000] =	vst v63  }
0x33d: {  	_ =	swait.ge [sflag:s10], $0xA000  }
0x33e: {  	s30 =	sld [smem:$0x7FC]  }
0x33f: {  	[sflag:s10] =	ssyncset.done $0x0  }
0x340: {  	[sflag:s10] =	ssyncadd.s32 $0xFFFF6000  }
0x341: {  	[hbm4b:s30+s2] =	stream.linear.scatter [tilespmem:s6], [sflag:$0x5], $0xA000, $0x38;
	[tilespmem:$0x1E000] =	vst v63  }
0x342: {  	_ =	swait.ge [sflag:s8], $0xA000  }
0x343: {  	s31 =	sld [smem:$0x7FD]  }
0x344: {  	[sflag:s8] =	ssyncset.done $0x0  }
0x345: {  	[sflag:s8] =	ssyncadd.s32 $0xFFFF6000  }
0x346: {  	[hbm4b:s31+s2] =	stream.linear.scatter [tilespmem:s3], [sflag:$0x6], $0xA000, $0x38;
	[tilespmem:$0x1E000] =	vst v63  }
0x347: {  	_ =	swait.ge [sflag:s7], $0xA000  }
0x348: {  	[sflag:s7] =	ssyncset.done $0x0  }
0x349: {  	[sflag:s7] =	ssyncadd.s32 $0xFFFF6000  }
0x34a: {  	_ =	swait.ge [sflag:s5], $0xA000  }
0x34b: {  	[sflag:s5] =	ssyncset.done $0x0  }
0x34c: {  	[sflag:s5] =	ssyncadd.s32 $0xFFFF6000  }
0x34d: {  	_ =	swait.ge [sflag:s4], $0xA000  }
0x34e: {  	[sflag:s4] =	ssyncset.done $0x0  }
0x34f: {  	[sflag:s4] =	ssyncadd.s32 $0xFFFF6000  }
0x350: {  	_ =	sfence.sel $0x180000  }
0x351: {  	[bflag:$0x0] =	sbarrier.arrive $0xFFFF  }
0x352: {  	p0 =	sne.s32 s17, $0x0;
	_ =	strace $0x90000047  }
0x353: {  	s0 =	sadd.s32 @!p0 $0x100000, s18;
	[bflag:$0x2] =	sbarrier.arrive $0xFFFF  }
0x354: {  	[sflag:s0] =	ssyncadd.tile.s32 @!p0 $0x1;
	_ =	shalt  }
.LBB2_2:
.Ltmp3:
0x355: {  	(pc) =	sbr.rel .LBB2_5-.Ltmp3, $2  }
0x356: {  	_ =	sdelay $0x2  }
0x357: {  	s17 =	stileid.u32;
	s18 =	rddreg [dreg:$0x2]  }
.Lfunc_end2:
_tile_overlayer_lowered:
.L_overlay_start_2:
0x358: {  	(tag) =	ssettag $0x2  }
0x359: {  	s0 =	rddreg [dreg:$0x0];
	s2 =	stileid.u32  }
0x35a: {  	s1 =	rddreg [dreg:$0x1];
	p0 =	sne.s32 s2, $0x0  }
0x35b: {  	s3 =	rddreg [dreg:$0x2];
	[bflag:$0x3] =	sbarrier.arrive $0xFFFF;
	s2 =	simm.s32 @!p0 $0x1C07  }
0x35c: {  	[timem:s3], [sflag:s2] =	dma.local @!p0 [hbm:s0], s1  }
0x35d: {  	s0 =	simm.s32 @!p0 $0x7  }
0x35e: {  	_ =	swait.ge @!p0 [sflag:s0], s1  }
0x35f: {  	s1 =	ssub.s32 @!p0 $0x0, s1;
	[sflag:s0] =	ssyncset.done @!p0 $0x0  }
0x360: {  	[sflag:s0] =	ssyncadd.s32 @!p0 s1  }
0x361: {  	[bflag:$0x3] =	sbarrier.arrive $0xFFFF  }
0x362: {  	_ =	shalt  }

</sc_bundles>
